<compile_context>
chip_gen: v7x
topology: tpu7x:2x2x1
jax: 0.10.2.dev20260603
libtpu: 0.0.44.dev20260713+nightly
codegen_flags: <defaults>
</compile_context>

<pallas_src>
import jax
import jax.numpy as jnp
from jax import lax
from jax.experimental import pallas as pl
from jax.experimental.pallas import tpu as pltpu, tpu_sc as plsc

V = 1000
VP = 1024
N = 1024 * 50
NSPLIT = 1
NT = N // NSPLIT
NC = 2
NS = 16
NW = NC * NS
PW = NT // NW
R = 16
NCHUNK = PW // R
G = 16


def _lse_body(table_ref, lse_ref):
    x = table_ref[...]
    m = jnp.max(x, axis=1, keepdims=True)
    s = jnp.sum(jnp.exp(x - m), axis=1, keepdims=True)
    lse_ref[...] = m + jnp.log(s)


def _row_lse(table):
    return pl.pallas_call(
        _lse_body,
        out_shape=jax.ShapeDtypeStruct((V, 1), jnp.float32),
    )(table)


def _sc_body(tpad_h, x_h, y_h, lse_h, out_h, part_h,
             idx_v, y_v, lse_v, pad0, pad1, cb0, cb1, acc_v,
             semg0, semg1, sems0, sems1):
    wid = lax.axis_index("s") * NC + lax.axis_index("c")
    base = wid * PW

    pltpu.sync_copy(x_h.at[pl.ds(base, PW)], idx_v)
    pltpu.sync_copy(y_h.at[pl.ds(base, PW)], y_v)
    pltpu.sync_copy(lse_h, lse_v)

    pads = (pad0, pad1)
    cbs = (cb0, cb1)
    semg = (semg0, semg1)
    sems = (sems0, sems1)

    def g_copy(c, b):
        return pltpu.make_async_copy(
            tpad_h.at[idx_v.at[pl.ds(c * R, R)]], pads[b], semg[b])

    def s_copy(c, b):
        return pltpu.make_async_copy(
            cbs[b], out_h.at[pl.ds(base + c * R, R)], sems[b])

    lanes = lax.iota(jnp.int32, G)

    def compact(b):
        def rbody(r, _):
            for j in range(62):
                cbs[b][r, pl.ds(j * G, G)] = pads[b][r, pl.ds(j * G, G)]
            cbs[b][r, pl.ds(984, G)] = pads[b][r, pl.ds(984, G)]
            return 0
        lax.fori_loop(0, R, rbody, 0)

    def chunk_acc(c, b, acc):
        x16 = idx_v[pl.ds(c * R, G)]
        y16 = y_v[pl.ds(c * R, G)]
        row = plsc.load_gather(pads[b], [lanes, y16])
        ls = plsc.load_gather(lse_v, [x16])
        return acc + (ls - row)

    for b in range(2):
        g_copy(b, b).start()

    acc = jnp.zeros((G,), jnp.float32)
    for c in range(2):
        b = c
        g_copy(c, b).wait()
        compact(b)
        acc = chunk_acc(c, b, acc)
        s_copy(c, b).start()
        g_copy(c + 2, b).start()

    def cbody(c0, acc):
        for b2 in range(2):
            c = 2 + c0 * 2 + b2
            b = (2 + b2) % 2
            g_copy(c, b).wait()
            s_copy(c - 2, b).wait()
            compact(b)
            acc = chunk_acc(c, b, acc)
            s_copy(c, b).start()

            @pl.when(c + 2 < NCHUNK)
            def _():
                g_copy(c + 2, b).start()
        return acc

    acc = lax.fori_loop(0, (NCHUNK - 2) // 2, cbody, acc)

    acc_v[...] = acc
    for b in range(2):
        s_copy(NCHUNK - 2 + b, b).wait()
    pltpu.sync_copy(acc_v, part_h.at[pl.ds(wid * G, G)])


def _sc_gather(tpad, xf, yf, lse):
    mesh = plsc.VectorSubcoreMesh(
        core_axis_name="c", subcore_axis_name="s",
        num_cores=NC, num_subcores=NS)
    f = pl.kernel(
        _sc_body,
        out_type=(
            jax.ShapeDtypeStruct((NT, V), jnp.float32),
            jax.ShapeDtypeStruct((NW * G,), jnp.float32),
        ),
        mesh=mesh,
        compiler_params=pltpu.CompilerParams(needs_layout_passes=False),
        scratch_types=[
            pltpu.VMEM((PW,), jnp.int32),
            pltpu.VMEM((PW,), jnp.int32),
            pltpu.VMEM((V,), jnp.float32),
            pltpu.VMEM((R, VP), jnp.float32),
            pltpu.VMEM((R, VP), jnp.float32),
            pltpu.VMEM((R, V), jnp.float32),
            pltpu.VMEM((R, V), jnp.float32),
            pltpu.VMEM((G,), jnp.float32),
            pltpu.SemaphoreType.DMA,
            pltpu.SemaphoreType.DMA,
            pltpu.SemaphoreType.DMA,
            pltpu.SemaphoreType.DMA,
        ],
    )
    return f(tpad, xf, yf, lse)


def _sum_body(p_ref, o_ref):
    o_ref[...] = jnp.sum(p_ref[...], axis=(0, 1), keepdims=True) * (1.0 / N)


def _final_loss(part):
    return pl.pallas_call(
        _sum_body,
        out_shape=jax.ShapeDtypeStruct((1, 1), jnp.float32),
    )(part)[0, 0]


def kernel(X, y, table):
    xf = X.reshape(-1).astype(jnp.int32)
    yf = y.reshape(-1).astype(jnp.int32)
    lse = _row_lse(table).reshape(-1)
    tpad = jnp.pad(table, ((0, 0), (0, VP - V)))
    chunks = []
    parts = []
    for s in range(NSPLIT):
        lo = s * NT
        lg, pt = _sc_gather(tpad, xf[lo:lo + NT], yf[lo:lo + NT], lse)
        chunks.append(lg)
        parts.append(pt)
    logits = chunks[0]
    for s in range(1, NSPLIT):
        logits = lax.dynamic_update_slice(logits, chunks[s], (s * NT, 0))
    loss = _final_loss(jnp.stack(parts).reshape(NSPLIT * NW, G))
    return logits, loss

# --- scband reference (transcript-rebuilt; emitter-appended) ---
"""Pipeline reference for scband-bigram-language-model-46703474376721 (READ-ONLY COPY).

The authoritative reference and input builder live on the scoring server;
editing this copy changes nothing except your own understanding.
"""

import jax, jax.numpy as jnp
import numpy as np

V = 1000
B = 1024
T = 50

def setup_inputs(seed: int = 0) -> dict:
    key = jax.random.key(seed)
    k1, k2, k3 = jax.random.split(key, 3)
    X = jax.random.randint(k1, (B, T), 0, V)
    y = jax.random.randint(k2, (B, T), 0, V)
    # nn.Embedding(vocabulary_size, vocabulary_size) weight, default init ~ N(0,1)
    table = jax.random.normal(k3, (V, V), dtype=jnp.float32)
    return {"X": X, "y": y, "table": table}

def reference(X, y, table):
    # logits = self.token_embedding_table(X)  -> gather rows of table
    logits = jnp.take(table, X, axis=0)  # (B, T, V)
    b, t, v = logits.shape
    logits = logits.reshape(b * t, v)
    y_flat = y.reshape(b * t)
    # F.cross_entropy(logits, y) == mean over tokens of -log_softmax(logits)[y]
    logp = jax.nn.log_softmax(logits, axis=-1)
    nll = -jnp.take_along_axis(logp, y_flat[:, None], axis=1)[:, 0]
    loss = jnp.mean(nll)
    return (logits, loss)

if __name__ == "__main__":
    import jax
    _d = setup_inputs()
    print(jax.jit(kernel)(*tuple(_d.values())))

</pallas_src>

<mosaic_0001>
#map = affine_map<(d0, d1) -> (0, 0)>
#map1 = affine_map<(d0, d1) -> (0)>
module attributes {stable_mosaic.version = 14 : i64} {
  func.func @_sc_body(%arg0: i32, %arg1: i32, %arg2: memref<1000x1024xf32, #tpu.memory_space<hbm>>, %arg3: memref<51200xi32, #tpu.memory_space<hbm>>, %arg4: memref<51200xi32, #tpu.memory_space<hbm>>, %arg5: memref<1000xf32, #tpu.memory_space<hbm>>, %arg6: memref<51200x1000xf32, #tpu.memory_space<hbm>>, %arg7: memref<512xf32, #tpu.memory_space<hbm>>, %arg8: memref<1600xi32, #tpu.memory_space<vmem>>, %arg9: memref<1600xi32, #tpu.memory_space<vmem>>, %arg10: memref<1000xf32, #tpu.memory_space<vmem>>, %arg11: memref<16x1024xf32, #tpu.memory_space<vmem>>, %arg12: memref<16x1024xf32, #tpu.memory_space<vmem>>, %arg13: memref<16x1000xf32, #tpu.memory_space<vmem>>, %arg14: memref<16x1000xf32, #tpu.memory_space<vmem>>, %arg15: memref<16xf32, #tpu.memory_space<vmem>>, %arg16: memref<!tpu.dma_semaphore, #tpu.memory_space<semaphore_mem>>, %arg17: memref<!tpu.dma_semaphore, #tpu.memory_space<semaphore_mem>>, %arg18: memref<!tpu.dma_semaphore, #tpu.memory_space<semaphore_mem>>, %arg19: memref<!tpu.dma_semaphore, #tpu.memory_space<semaphore_mem>>) attributes {dimension_semantics = [#tpu.dimension_semantics<core_parallel>, #tpu.dimension_semantics<subcore_parallel>], iteration_bounds = array<i64: 2, 16>, scalar_prefetch = 0 : i64, scratch_operands = 12 : i64, tpu.core_type = #tpu.core_type<sc_vector_subcore>, window_params = [{transform_indices = #map}, {transform_indices = #map1}, {transform_indices = #map1}, {transform_indices = #map1}, {transform_indices = #map}, {transform_indices = #map1}]} {
    %mul3A = arith.constant 2 : i32
    %mul3A_0 = arith.muli %arg1, %mul3A : i32
    %add3A = arith.addi %mul3A_0, %arg0 : i32
    %mul3A_1 = arith.constant 1600 : i32
    %mul3A_2 = arith.muli %add3A, %mul3A_1 : i32
    "tpu.region"() ({
      %run_scoped3A = tpu.sem_alloc : memref<!tpu.dma_semaphore, #tpu.memory_space<semaphore_mem>>
      %dma_start3A_91 = tpu.memref_slice %arg3[%mul3A_2] : memref<51200xi32, #tpu.memory_space<hbm>> -> memref<1600xi32, #tpu.memory_space<hbm>>
      %dma_start3A_92 = tpu.memref_slice %arg3[%mul3A_2] : memref<51200xi32, #tpu.memory_space<hbm>> -> memref<1600xi32, #tpu.memory_space<hbm>>
      tpu.enqueue_dma source(%dma_start3A_92 : memref<1600xi32, #tpu.memory_space<hbm>>) target(%arg8 : memref<1600xi32, #tpu.memory_space<vmem>>) target_semaphore(%run_scoped3A : memref<!tpu.dma_semaphore, #tpu.memory_space<semaphore_mem>>)
      %dma_wait3A_93 = tpu.memref_slice %arg3[%mul3A_2] : memref<51200xi32, #tpu.memory_space<hbm>> -> memref<1600xi32, #tpu.memory_space<hbm>>
      %dma_wait3A_94 = tpu.memref_slice %arg3[%mul3A_2] : memref<51200xi32, #tpu.memory_space<hbm>> -> memref<1600xi32, #tpu.memory_space<hbm>>
      tpu.wait_dma2 semaphore(%run_scoped3A : memref<!tpu.dma_semaphore, #tpu.memory_space<semaphore_mem>>) src(%dma_wait3A_94 : memref<1600xi32, #tpu.memory_space<hbm>>) dst(%arg8 : memref<1600xi32, #tpu.memory_space<vmem>>)
      tpu.yield
    }) : () -> ()
    "tpu.region"() ({
      %run_scoped3A = tpu.sem_alloc : memref<!tpu.dma_semaphore, #tpu.memory_space<semaphore_mem>>
      %dma_start3A_91 = tpu.memref_slice %arg4[%mul3A_2] : memref<51200xi32, #tpu.memory_space<hbm>> -> memref<1600xi32, #tpu.memory_space<hbm>>
      %dma_start3A_92 = tpu.memref_slice %arg4[%mul3A_2] : memref<51200xi32, #tpu.memory_space<hbm>> -> memref<1600xi32, #tpu.memory_space<hbm>>
      tpu.enqueue_dma source(%dma_start3A_92 : memref<1600xi32, #tpu.memory_space<hbm>>) target(%arg9 : memref<1600xi32, #tpu.memory_space<vmem>>) target_semaphore(%run_scoped3A : memref<!tpu.dma_semaphore, #tpu.memory_space<semaphore_mem>>)
      %dma_wait3A_93 = tpu.memref_slice %arg4[%mul3A_2] : memref<51200xi32, #tpu.memory_space<hbm>> -> memref<1600xi32, #tpu.memory_space<hbm>>
      %dma_wait3A_94 = tpu.memref_slice %arg4[%mul3A_2] : memref<51200xi32, #tpu.memory_space<hbm>> -> memref<1600xi32, #tpu.memory_space<hbm>>
      tpu.wait_dma2 semaphore(%run_scoped3A : memref<!tpu.dma_semaphore, #tpu.memory_space<semaphore_mem>>) src(%dma_wait3A_94 : memref<1600xi32, #tpu.memory_space<hbm>>) dst(%arg9 : memref<1600xi32, #tpu.memory_space<vmem>>)
      tpu.yield
    }) : () -> ()
    "tpu.region"() ({
      %run_scoped3A = tpu.sem_alloc : memref<!tpu.dma_semaphore, #tpu.memory_space<semaphore_mem>>
      tpu.enqueue_dma source(%arg5 : memref<1000xf32, #tpu.memory_space<hbm>>) target(%arg10 : memref<1000xf32, #tpu.memory_space<vmem>>) target_semaphore(%run_scoped3A : memref<!tpu.dma_semaphore, #tpu.memory_space<semaphore_mem>>)
      tpu.wait_dma2 semaphore(%run_scoped3A : memref<!tpu.dma_semaphore, #tpu.memory_space<semaphore_mem>>) src(%arg5 : memref<1000xf32, #tpu.memory_space<hbm>>) dst(%arg10 : memref<1000xf32, #tpu.memory_space<vmem>>)
      tpu.yield
    }) : () -> ()
    %iota3A = tpu.iota {dimensions = array<i32: 0>} : vector<16xi32>
    %dma_start3A = arith.constant 0 : i32
    %dma_start3A_3 = tpu.memref_slice %arg8[%dma_start3A] : memref<1600xi32, #tpu.memory_space<vmem>> -> memref<16xi32, #tpu.memory_space<vmem>>
    %dma_start3A_4 = arith.constant 0 : i32
    %dma_start3A_5 = arith.constant 0 : i32
    %dma_start3A_6 = tpu.memref_slice %arg2[%dma_start3A_4, %dma_start3A_5] : memref<1000x1024xf32, #tpu.memory_space<hbm>> -> memref<1000x1024xf32, #tpu.memory_space<hbm>>
    tpu.enqueue_indirect_dma source(%dma_start3A_6 : memref<1000x1024xf32, #tpu.memory_space<hbm>>) target(%arg11 : memref<16x1024xf32, #tpu.memory_space<vmem>>) offsets(%dma_start3A_3 : memref<16xi32, #tpu.memory_space<vmem>>) semaphore(%arg16 : memref<!tpu.dma_semaphore, #tpu.memory_space<semaphore_mem>>)
    %dma_start3A_7 = arith.constant 16 : i32
    %dma_start3A_8 = tpu.memref_slice %arg8[%dma_start3A_7] : memref<1600xi32, #tpu.memory_space<vmem>> -> memref<16xi32, #tpu.memory_space<vmem>>
    %dma_start3A_9 = arith.constant 0 : i32
    %dma_start3A_10 = arith.constant 0 : i32
    %dma_start3A_11 = tpu.memref_slice %arg2[%dma_start3A_9, %dma_start3A_10] : memref<1000x1024xf32, #tpu.memory_space<hbm>> -> memref<1000x1024xf32, #tpu.memory_space<hbm>>
    tpu.enqueue_indirect_dma source(%dma_start3A_11 : memref<1000x1024xf32, #tpu.memory_space<hbm>>) target(%arg12 : memref<16x1024xf32, #tpu.memory_space<vmem>>) offsets(%dma_start3A_8 : memref<16xi32, #tpu.memory_space<vmem>>) semaphore(%arg17 : memref<!tpu.dma_semaphore, #tpu.memory_space<semaphore_mem>>)
    %broadcast_in_dim3A = arith.constant 0.000000e+00 : f32
    %broadcast_in_dim3A_12 = vector.broadcast %broadcast_in_dim3A : f32 to vector<16xf32>
    %dma_wait3A = arith.constant 0 : i32
    %dma_wait3A_13 = tpu.memref_slice %arg8[%dma_wait3A] : memref<1600xi32, #tpu.memory_space<vmem>> -> memref<16xi32, #tpu.memory_space<vmem>>
    %dma_wait3A_14 = arith.constant 0 : i32
    %dma_wait3A_15 = arith.constant 0 : i32
    %dma_wait3A_16 = tpu.memref_slice %arg2[%dma_wait3A_14, %dma_wait3A_15] : memref<1000x1024xf32, #tpu.memory_space<hbm>> -> memref<1000x1024xf32, #tpu.memory_space<hbm>>
    tpu.wait_indirect_dma semaphore(%arg16 : memref<!tpu.dma_semaphore, #tpu.memory_space<semaphore_mem>>) src(%dma_wait3A_16 : memref<1000x1024xf32, #tpu.memory_space<hbm>>) dst(%arg11 : memref<16x1024xf32, #tpu.memory_space<vmem>>)
    %scan3A = arith.constant 0 : i32
    %scan3A_17 = arith.constant 0 : i32
    %scan3A_18 = arith.constant 16 : i32
    %scan3A_19 = arith.addi %scan3A_17, %scan3A_18 : i32
    %scan3A_20 = arith.constant 1 : i32
    %scan3A_21 = scf.for %scan3A_91 = %scan3A_17 to %scan3A_19 step %scan3A_20 iter_args(%scan3A_92 = %scan3A) -> (i32)  : i32 {
      %get3A_93 = arith.index_cast %scan3A_91 : i32 to index
      %get3A_94 = arith.constant 0 : index
      %get3A_95 = tpu.vector_load %arg11[%get3A_93, %get3A_94] {strides = array<i32>} : memref<16x1024xf32, #tpu.memory_space<vmem>>, vector<16xf32>,
      %swap3A_96 = arith.index_cast %scan3A_91 : i32 to index
      %swap3A_97 = arith.constant 0 : index
      %swap3A_98 = tpu.vector_load %arg13[%swap3A_96, %swap3A_97] {strides = array<i32>} : memref<16x1000xf32, #tpu.memory_space<vmem>>, vector<16xf32>,
      tpu.vector_store %arg13[%swap3A_96, %swap3A_97], %get3A_95 {strides = array<i32>} : memref<16x1000xf32, #tpu.memory_space<vmem>>, vector<16xf32>,
      %get3A_99 = arith.index_cast %scan3A_91 : i32 to index
      %get3A_100 = arith.constant 16 : index
      %get3A_101 = tpu.vector_load %arg11[%get3A_99, %get3A_100] {strides = array<i32>} : memref<16x1024xf32, #tpu.memory_space<vmem>>, vector<16xf32>,
      %swap3A_102 = arith.index_cast %scan3A_91 : i32 to index
      %swap3A_103 = arith.constant 16 : index
      %swap3A_104 = tpu.vector_load %arg13[%swap3A_102, %swap3A_103] {strides = array<i32>} : memref<16x1000xf32, #tpu.memory_space<vmem>>, vector<16xf32>,
      tpu.vector_store %arg13[%swap3A_102, %swap3A_103], %get3A_101 {strides = array<i32>} : memref<16x1000xf32, #tpu.memory_space<vmem>>, vector<16xf32>,
      %get3A_105 = arith.index_cast %scan3A_91 : i32 to index
      %get3A_106 = arith.constant 32 : index
      %get3A_107 = tpu.vector_load %arg11[%get3A_105, %get3A_106] {strides = array<i32>} : memref<16x1024xf32, #tpu.memory_space<vmem>>, vector<16xf32>,
      %swap3A_108 = arith.index_cast %scan3A_91 : i32 to index
      %swap3A_109 = arith.constant 32 : index
      %swap3A_110 = tpu.vector_load %arg13[%swap3A_108, %swap3A_109] {strides = array<i32>} : memref<16x1000xf32, #tpu.memory_space<vmem>>, vector<16xf32>,
      tpu.vector_store %arg13[%swap3A_108, %swap3A_109], %get3A_107 {strides = array<i32>} : memref<16x1000xf32, #tpu.memory_space<vmem>>, vector<16xf32>,
      %get3A_111 = arith.index_cast %scan3A_91 : i32 to index
      %get3A_112 = arith.constant 48 : index
      %get3A_113 = tpu.vector_load %arg11[%get3A_111, %get3A_112] {strides = array<i32>} : memref<16x1024xf32, #tpu.memory_space<vmem>>, vector<16xf32>,
      %swap3A_114 = arith.index_cast %scan3A_91 : i32 to index
      %swap3A_115 = arith.constant 48 : index
      %swap3A_116 = tpu.vector_load %arg13[%swap3A_114, %swap3A_115] {strides = array<i32>} : memref<16x1000xf32, #tpu.memory_space<vmem>>, vector<16xf32>,
      tpu.vector_store %arg13[%swap3A_114, %swap3A_115], %get3A_113 {strides = array<i32>} : memref<16x1000xf32, #tpu.memory_space<vmem>>, vector<16xf32>,
      %get3A_117 = arith.index_cast %scan3A_91 : i32 to index
      %get3A_118 = arith.constant 64 : index
      %get3A_119 = tpu.vector_load %arg11[%get3A_117, %get3A_118] {strides = array<i32>} : memref<16x1024xf32, #tpu.memory_space<vmem>>, vector<16xf32>,
      %swap3A_120 = arith.index_cast %scan3A_91 : i32 to index
      %swap3A_121 = arith.constant 64 : index
      %swap3A_122 = tpu.vector_load %arg13[%swap3A_120, %swap3A_121] {strides = array<i32>} : memref<16x1000xf32, #tpu.memory_space<vmem>>, vector<16xf32>,
      tpu.vector_store %arg13[%swap3A_120, %swap3A_121], %get3A_119 {strides = array<i32>} : memref<16x1000xf32, #tpu.memory_space<vmem>>, vector<16xf32>,
      %get3A_123 = arith.index_cast %scan3A_91 : i32 to index
      %get3A_124 = arith.constant 80 : index
      %get3A_125 = tpu.vector_load %arg11[%get3A_123, %get3A_124] {strides = array<i32>} : memref<16x1024xf32, #tpu.memory_space<vmem>>, vector<16xf32>,
      %swap3A_126 = arith.index_cast %scan3A_91 : i32 to index
      %swap3A_127 = arith.constant 80 : index
      %swap3A_128 = tpu.vector_load %arg13[%swap3A_126, %swap3A_127] {strides = array<i32>} : memref<16x1000xf32, #tpu.memory_space<vmem>>, vector<16xf32>,
      tpu.vector_store %arg13[%swap3A_126, %swap3A_127], %get3A_125 {strides = array<i32>} : memref<16x1000xf32, #tpu.memory_space<vmem>>, vector<16xf32>,
      %get3A_129 = arith.index_cast %scan3A_91 : i32 to index
      %get3A_130 = arith.constant 96 : index
      %get3A_131 = tpu.vector_load %arg11[%get3A_129, %get3A_130] {strides = array<i32>} : memref<16x1024xf32, #tpu.memory_space<vmem>>, vector<16xf32>,
      %swap3A_132 = arith.index_cast %scan3A_91 : i32 to index
      %swap3A_133 = arith.constant 96 : index
      %swap3A_134 = tpu.vector_load %arg13[%swap3A_132, %swap3A_133] {strides = array<i32>} : memref<16x1000xf32, #tpu.memory_space<vmem>>, vector<16xf32>,
      tpu.vector_store %arg13[%swap3A_132, %swap3A_133], %get3A_131 {strides = array<i32>} : memref<16x1000xf32, #tpu.memory_space<vmem>>, vector<16xf32>,
      %get3A_135 = arith.index_cast %scan3A_91 : i32 to index
      %get3A_136 = arith.constant 112 : index
      %get3A_137 = tpu.vector_load %arg11[%get3A_135, %get3A_136] {strides = array<i32>} : memref<16x1024xf32, #tpu.memory_space<vmem>>, vector<16xf32>,
      %swap3A_138 = arith.index_cast %scan3A_91 : i32 to index
      %swap3A_139 = arith.constant 112 : index
      %swap3A_140 = tpu.vector_load %arg13[%swap3A_138, %swap3A_139] {strides = array<i32>} : memref<16x1000xf32, #tpu.memory_space<vmem>>, vector<16xf32>,
      tpu.vector_store %arg13[%swap3A_138, %swap3A_139], %get3A_137 {strides = array<i32>} : memref<16x1000xf32, #tpu.memory_space<vmem>>, vector<16xf32>,
      %get3A_141 = arith.index_cast %scan3A_91 : i32 to index
      %get3A_142 = arith.constant 128 : index
      %get3A_143 = tpu.vector_load %arg11[%get3A_141, %get3A_142] {strides = array<i32>} : memref<16x1024xf32, #tpu.memory_space<vmem>>, vector<16xf32>,
      %swap3A_144 = arith.index_cast %scan3A_91 : i32 to index
      %swap3A_145 = arith.constant 128 : index
      %swap3A_146 = tpu.vector_load %arg13[%swap3A_144, %swap3A_145] {strides = array<i32>} : memref<16x1000xf32, #tpu.memory_space<vmem>>, vector<16xf32>,
      tpu.vector_store %arg13[%swap3A_144, %swap3A_145], %get3A_143 {strides = array<i32>} : memref<16x1000xf32, #tpu.memory_space<vmem>>, vector<16xf32>,
      %get3A_147 = arith.index_cast %scan3A_91 : i32 to index
      %get3A_148 = arith.constant 144 : index
      %get3A_149 = tpu.vector_load %arg11[%get3A_147, %get3A_148] {strides = array<i32>} : memref<16x1024xf32, #tpu.memory_space<vmem>>, vector<16xf32>,
      %swap3A_150 = arith.index_cast %scan3A_91 : i32 to index
      %swap3A_151 = arith.constant 144 : index
      %swap3A_152 = tpu.vector_load %arg13[%swap3A_150, %swap3A_151] {strides = array<i32>} : memref<16x1000xf32, #tpu.memory_space<vmem>>, vector<16xf32>,
      tpu.vector_store %arg13[%swap3A_150, %swap3A_151], %get3A_149 {strides = array<i32>} : memref<16x1000xf32, #tpu.memory_space<vmem>>, vector<16xf32>,
      %get3A_153 = arith.index_cast %scan3A_91 : i32 to index
      %get3A_154 = arith.constant 160 : index
      %get3A_155 = tpu.vector_load %arg11[%get3A_153, %get3A_154] {strides = array<i32>} : memref<16x1024xf32, #tpu.memory_space<vmem>>, vector<16xf32>,
      %swap3A_156 = arith.index_cast %scan3A_91 : i32 to index
      %swap3A_157 = arith.constant 160 : index
      %swap3A_158 = tpu.vector_load %arg13[%swap3A_156, %swap3A_157] {strides = array<i32>} : memref<16x1000xf32, #tpu.memory_space<vmem>>, vector<16xf32>,
      tpu.vector_store %arg13[%swap3A_156, %swap3A_157], %get3A_155 {strides = array<i32>} : memref<16x1000xf32, #tpu.memory_space<vmem>>, vector<16xf32>,
      %get3A_159 = arith.index_cast %scan3A_91 : i32 to index
      %get3A_160 = arith.constant 176 : index
      %get3A_161 = tpu.vector_load %arg11[%get3A_159, %get3A_160] {strides = array<i32>} : memref<16x1024xf32, #tpu.memory_space<vmem>>, vector<16xf32>,
      %swap3A_162 = arith.index_cast %scan3A_91 : i32 to index
      %swap3A_163 = arith.constant 176 : index
      %swap3A_164 = tpu.vector_load %arg13[%swap3A_162, %swap3A_163] {strides = array<i32>} : memref<16x1000xf32, #tpu.memory_space<vmem>>, vector<16xf32>,
      tpu.vector_store %arg13[%swap3A_162, %swap3A_163], %get3A_161 {strides = array<i32>} : memref<16x1000xf32, #tpu.memory_space<vmem>>, vector<16xf32>,
      %get3A_165 = arith.index_cast %scan3A_91 : i32 to index
      %get3A_166 = arith.constant 192 : index
      %get3A_167 = tpu.vector_load %arg11[%get3A_165, %get3A_166] {strides = array<i32>} : memref<16x1024xf32, #tpu.memory_space<vmem>>, vector<16xf32>,
      %swap3A_168 = arith.index_cast %scan3A_91 : i32 to index
      %swap3A_169 = arith.constant 192 : index
      %swap3A_170 = tpu.vector_load %arg13[%swap3A_168, %swap3A_169] {strides = array<i32>} : memref<16x1000xf32, #tpu.memory_space<vmem>>, vector<16xf32>,
      tpu.vector_store %arg13[%swap3A_168, %swap3A_169], %get3A_167 {strides = array<i32>} : memref<16x1000xf32, #tpu.memory_space<vmem>>, vector<16xf32>,
      %get3A_171 = arith.index_cast %scan3A_91 : i32 to index
      %get3A_172 = arith.constant 208 : index
      %get3A_173 = tpu.vector_load %arg11[%get3A_171, %get3A_172] {strides = array<i32>} : memref<16x1024xf32, #tpu.memory_space<vmem>>, vector<16xf32>,
      %swap3A_174 = arith.index_cast %scan3A_91 : i32 to index
      %swap3A_175 = arith.constant 208 : index
      %swap3A_176 = tpu.vector_load %arg13[%swap3A_174, %swap3A_175] {strides = array<i32>} : memref<16x1000xf32, #tpu.memory_space<vmem>>, vector<16xf32>,
      tpu.vector_store %arg13[%swap3A_174, %swap3A_175], %get3A_173 {strides = array<i32>} : memref<16x1000xf32, #tpu.memory_space<vmem>>, vector<16xf32>,
      %get3A_177 = arith.index_cast %scan3A_91 : i32 to index
      %get3A_178 = arith.constant 224 : index
      %get3A_179 = tpu.vector_load %arg11[%get3A_177, %get3A_178] {strides = array<i32>} : memref<16x1024xf32, #tpu.memory_space<vmem>>, vector<16xf32>,
      %swap3A_180 = arith.index_cast %scan3A_91 : i32 to index
      %swap3A_181 = arith.constant 224 : index
      %swap3A_182 = tpu.vector_load %arg13[%swap3A_180, %swap3A_181] {strides = array<i32>} : memref<16x1000xf32, #tpu.memory_space<vmem>>, vector<16xf32>,
      tpu.vector_store %arg13[%swap3A_180, %swap3A_181], %get3A_179 {strides = array<i32>} : memref<16x1000xf32, #tpu.memory_space<vmem>>, vector<16xf32>,
      %get3A_183 = arith.index_cast %scan3A_91 : i32 to index
      %get3A_184 = arith.constant 240 : index
      %get3A_185 = tpu.vector_load %arg11[%get3A_183, %get3A_184] {strides = array<i32>} : memref<16x1024xf32, #tpu.memory_space<vmem>>, vector<16xf32>,
      %swap3A_186 = arith.index_cast %scan3A_91 : i32 to index
      %swap3A_187 = arith.constant 240 : index
      %swap3A_188 = tpu.vector_load %arg13[%swap3A_186, %swap3A_187] {strides = array<i32>} : memref<16x1000xf32, #tpu.memory_space<vmem>>, vector<16xf32>,
      tpu.vector_store %arg13[%swap3A_186, %swap3A_187], %get3A_185 {strides = array<i32>} : memref<16x1000xf32, #tpu.memory_space<vmem>>, vector<16xf32>,
      %get3A_189 = arith.index_cast %scan3A_91 : i32 to index
      %get3A_190 = arith.constant 256 : index
      %get3A_191 = tpu.vector_load %arg11[%get3A_189, %get3A_190] {strides = array<i32>} : memref<16x1024xf32, #tpu.memory_space<vmem>>, vector<16xf32>,
      %swap3A_192 = arith.index_cast %scan3A_91 : i32 to index
      %swap3A_193 = arith.constant 256 : index
      %swap3A_194 = tpu.vector_load %arg13[%swap3A_192, %swap3A_193] {strides = array<i32>} : memref<16x1000xf32, #tpu.memory_space<vmem>>, vector<16xf32>,
      tpu.vector_store %arg13[%swap3A_192, %swap3A_193], %get3A_191 {strides = array<i32>} : memref<16x1000xf32, #tpu.memory_space<vmem>>, vector<16xf32>,
      %get3A_195 = arith.index_cast %scan3A_91 : i32 to index
      %get3A_196 = arith.constant 272 : index
      %get3A_197 = tpu.vector_load %arg11[%get3A_195, %get3A_196] {strides = array<i32>} : memref<16x1024xf32, #tpu.memory_space<vmem>>, vector<16xf32>,
      %swap3A_198 = arith.index_cast %scan3A_91 : i32 to index
      %swap3A_199 = arith.constant 272 : index
      %swap3A_200 = tpu.vector_load %arg13[%swap3A_198, %swap3A_199] {strides = array<i32>} : memref<16x1000xf32, #tpu.memory_space<vmem>>, vector<16xf32>,
      tpu.vector_store %arg13[%swap3A_198, %swap3A_199], %get3A_197 {strides = array<i32>} : memref<16x1000xf32, #tpu.memory_space<vmem>>, vector<16xf32>,
      %get3A_201 = arith.index_cast %scan3A_91 : i32 to index
      %get3A_202 = arith.constant 288 : index
      %get3A_203 = tpu.vector_load %arg11[%get3A_201, %get3A_202] {strides = array<i32>} : memref<16x1024xf32, #tpu.memory_space<vmem>>, vector<16xf32>,
      %swap3A_204 = arith.index_cast %scan3A_91 : i32 to index
      %swap3A_205 = arith.constant 288 : index
      %swap3A_206 = tpu.vector_load %arg13[%swap3A_204, %swap3A_205] {strides = array<i32>} : memref<16x1000xf32, #tpu.memory_space<vmem>>, vector<16xf32>,
      tpu.vector_store %arg13[%swap3A_204, %swap3A_205], %get3A_203 {strides = array<i32>} : memref<16x1000xf32, #tpu.memory_space<vmem>>, vector<16xf32>,
      %get3A_207 = arith.index_cast %scan3A_91 : i32 to index
      %get3A_208 = arith.constant 304 : index
      %get3A_209 = tpu.vector_load %arg11[%get3A_207, %get3A_208] {strides = array<i32>} : memref<16x1024xf32, #tpu.memory_space<vmem>>, vector<16xf32>,
      %swap3A_210 = arith.index_cast %scan3A_91 : i32 to index
      %swap3A_211 = arith.constant 304 : index
      %swap3A_212 = tpu.vector_load %arg13[%swap3A_210, %swap3A_211] {strides = array<i32>} : memref<16x1000xf32, #tpu.memory_space<vmem>>, vector<16xf32>,
      tpu.vector_store %arg13[%swap3A_210, %swap3A_211], %get3A_209 {strides = array<i32>} : memref<16x1000xf32, #tpu.memory_space<vmem>>, vector<16xf32>,
      %get3A_213 = arith.index_cast %scan3A_91 : i32 to index
      %get3A_214 = arith.constant 320 : index
      %get3A_215 = tpu.vector_load %arg11[%get3A_213, %get3A_214] {strides = array<i32>} : memref<16x1024xf32, #tpu.memory_space<vmem>>, vector<16xf32>,
      %swap3A_216 = arith.index_cast %scan3A_91 : i32 to index
      %swap3A_217 = arith.constant 320 : index
      %swap3A_218 = tpu.vector_load %arg13[%swap3A_216, %swap3A_217] {strides = array<i32>} : memref<16x1000xf32, #tpu.memory_space<vmem>>, vector<16xf32>,
      tpu.vector_store %arg13[%swap3A_216, %swap3A_217], %get3A_215 {strides = array<i32>} : memref<16x1000xf32, #tpu.memory_space<vmem>>, vector<16xf32>,
      %get3A_219 = arith.index_cast %scan3A_91 : i32 to index
      %get3A_220 = arith.constant 336 : index
      %get3A_221 = tpu.vector_load %arg11[%get3A_219, %get3A_220] {strides = array<i32>} : memref<16x1024xf32, #tpu.memory_space<vmem>>, vector<16xf32>,
      %swap3A_222 = arith.index_cast %scan3A_91 : i32 to index
      %swap3A_223 = arith.constant 336 : index
      %swap3A_224 = tpu.vector_load %arg13[%swap3A_222, %swap3A_223] {strides = array<i32>} : memref<16x1000xf32, #tpu.memory_space<vmem>>, vector<16xf32>,
      tpu.vector_store %arg13[%swap3A_222, %swap3A_223], %get3A_221 {strides = array<i32>} : memref<16x1000xf32, #tpu.memory_space<vmem>>, vector<16xf32>,
      %get3A_225 = arith.index_cast %scan3A_91 : i32 to index
      %get3A_226 = arith.constant 352 : index
      %get3A_227 = tpu.vector_load %arg11[%get3A_225, %get3A_226] {strides = array<i32>} : memref<16x1024xf32, #tpu.memory_space<vmem>>, vector<16xf32>,
      %swap3A_228 = arith.index_cast %scan3A_91 : i32 to index
      %swap3A_229 = arith.constant 352 : index
      %swap3A_230 = tpu.vector_load %arg13[%swap3A_228, %swap3A_229] {strides = array<i32>} : memref<16x1000xf32, #tpu.memory_space<vmem>>, vector<16xf32>,
      tpu.vector_store %arg13[%swap3A_228, %swap3A_229], %get3A_227 {strides = array<i32>} : memref<16x1000xf32, #tpu.memory_space<vmem>>, vector<16xf32>,
      %get3A_231 = arith.index_cast %scan3A_91 : i32 to index
      %get3A_232 = arith.constant 368 : index
      %get3A_233 = tpu.vector_load %arg11[%get3A_231, %get3A_232] {strides = array<i32>} : memref<16x1024xf32, #tpu.memory_space<vmem>>, vector<16xf32>,
      %swap3A_234 = arith.index_cast %scan3A_91 : i32 to index
      %swap3A_235 = arith.constant 368 : index
      %swap3A_236 = tpu.vector_load %arg13[%swap3A_234, %swap3A_235] {strides = array<i32>} : memref<16x1000xf32, #tpu.memory_space<vmem>>, vector<16xf32>,
      tpu.vector_store %arg13[%swap3A_234, %swap3A_235], %get3A_233 {strides = array<i32>} : memref<16x1000xf32, #tpu.memory_space<vmem>>, vector<16xf32>,
      %get3A_237 = arith.index_cast %scan3A_91 : i32 to index
      %get3A_238 = arith.constant 384 : index
      %get3A_239 = tpu.vector_load %arg11[%get3A_237, %get3A_238] {strides = array<i32>} : memref<16x1024xf32, #tpu.memory_space<vmem>>, vector<16xf32>,
      %swap3A_240 = arith.index_cast %scan3A_91 : i32 to index
      %swap3A_241 = arith.constant 384 : index
      %swap3A_242 = tpu.vector_load %arg13[%swap3A_240, %swap3A_241] {strides = array<i32>} : memref<16x1000xf32, #tpu.memory_space<vmem>>, vector<16xf32>,
      tpu.vector_store %arg13[%swap3A_240, %swap3A_241], %get3A_239 {strides = array<i32>} : memref<16x1000xf32, #tpu.memory_space<vmem>>, vector<16xf32>,
      %get3A_243 = arith.index_cast %scan3A_91 : i32 to index
      %get3A_244 = arith.constant 400 : index
      %get3A_245 = tpu.vector_load %arg11[%get3A_243, %get3A_244] {strides = array<i32>} : memref<16x1024xf32, #tpu.memory_space<vmem>>, vector<16xf32>,
      %swap3A_246 = arith.index_cast %scan3A_91 : i32 to index
      %swap3A_247 = arith.constant 400 : index
      %swap3A_248 = tpu.vector_load %arg13[%swap3A_246, %swap3A_247] {strides = array<i32>} : memref<16x1000xf32, #tpu.memory_space<vmem>>, vector<16xf32>,
      tpu.vector_store %arg13[%swap3A_246, %swap3A_247], %get3A_245 {strides = array<i32>} : memref<16x1000xf32, #tpu.memory_space<vmem>>, vector<16xf32>,
      %get3A_249 = arith.index_cast %scan3A_91 : i32 to index
      %get3A_250 = arith.constant 416 : index
      %get3A_251 = tpu.vector_load %arg11[%get3A_249, %get3A_250] {strides = array<i32>} : memref<16x1024xf32, #tpu.memory_space<vmem>>, vector<16xf32>,
      %swap3A_252 = arith.index_cast %scan3A_91 : i32 to index
      %swap3A_253 = arith.constant 416 : index
      %swap3A_254 = tpu.vector_load %arg13[%swap3A_252, %swap3A_253] {strides = array<i32>} : memref<16x1000xf32, #tpu.memory_space<vmem>>, vector<16xf32>,
      tpu.vector_store %arg13[%swap3A_252, %swap3A_253], %get3A_251 {strides = array<i32>} : memref<16x1000xf32, #tpu.memory_space<vmem>>, vector<16xf32>,
      %get3A_255 = arith.index_cast %scan3A_91 : i32 to index
      %get3A_256 = arith.constant 432 : index
      %get3A_257 = tpu.vector_load %arg11[%get3A_255, %get3A_256] {strides = array<i32>} : memref<16x1024xf32, #tpu.memory_space<vmem>>, vector<16xf32>,
      %swap3A_258 = arith.index_cast %scan3A_91 : i32 to index
      %swap3A_259 = arith.constant 432 : index
      %swap3A_260 = tpu.vector_load %arg13[%swap3A_258, %swap3A_259] {strides = array<i32>} : memref<16x1000xf32, #tpu.memory_space<vmem>>, vector<16xf32>,
      tpu.vector_store %arg13[%swap3A_258, %swap3A_259], %get3A_257 {strides = array<i32>} : memref<16x1000xf32, #tpu.memory_space<vmem>>, vector<16xf32>,
      %get3A_261 = arith.index_cast %scan3A_91 : i32 to index
      %get3A_262 = arith.constant 448 : index
      %get3A_263 = tpu.vector_load %arg11[%get3A_261, %get3A_262] {strides = array<i32>} : memref<16x1024xf32, #tpu.memory_space<vmem>>, vector<16xf32>,
      %swap3A_264 = arith.index_cast %scan3A_91 : i32 to index
      %swap3A_265 = arith.constant 448 : index
      %swap3A_266 = tpu.vector_load %arg13[%swap3A_264, %swap3A_265] {strides = array<i32>} : memref<16x1000xf32, #tpu.memory_space<vmem>>, vector<16xf32>,
      tpu.vector_store %arg13[%swap3A_264, %swap3A_265], %get3A_263 {strides = array<i32>} : memref<16x1000xf32, #tpu.memory_space<vmem>>, vector<16xf32>,
      %get3A_267 = arith.index_cast %scan3A_91 : i32 to index
      %get3A_268 = arith.constant 464 : index
      %get3A_269 = tpu.vector_load %arg11[%get3A_267, %get3A_268] {strides = array<i32>} : memref<16x1024xf32, #tpu.memory_space<vmem>>, vector<16xf32>,
      %swap3A_270 = arith.index_cast %scan3A_91 : i32 to index
      %swap3A_271 = arith.constant 464 : index
      %swap3A_272 = tpu.vector_load %arg13[%swap3A_270, %swap3A_271] {strides = array<i32>} : memref<16x1000xf32, #tpu.memory_space<vmem>>, vector<16xf32>,
      tpu.vector_store %arg13[%swap3A_270, %swap3A_271], %get3A_269 {strides = array<i32>} : memref<16x1000xf32, #tpu.memory_space<vmem>>, vector<16xf32>,
      %get3A_273 = arith.index_cast %scan3A_91 : i32 to index
      %get3A_274 = arith.constant 480 : index
      %get3A_275 = tpu.vector_load %arg11[%get3A_273, %get3A_274] {strides = array<i32>} : memref<16x1024xf32, #tpu.memory_space<vmem>>, vector<16xf32>,
      %swap3A_276 = arith.index_cast %scan3A_91 : i32 to index
      %swap3A_277 = arith.constant 480 : index
      %swap3A_278 = tpu.vector_load %arg13[%swap3A_276, %swap3A_277] {strides = array<i32>} : memref<16x1000xf32, #tpu.memory_space<vmem>>, vector<16xf32>,
      tpu.vector_store %arg13[%swap3A_276, %swap3A_277], %get3A_275 {strides = array<i32>} : memref<16x1000xf32, #tpu.memory_space<vmem>>, vector<16xf32>,
      %get3A_279 = arith.index_cast %scan3A_91 : i32 to index
      %get3A_280 = arith.constant 496 : index
      %get3A_281 = tpu.vector_load %arg11[%get3A_279, %get3A_280] {strides = array<i32>} : memref<16x1024xf32, #tpu.memory_space<vmem>>, vector<16xf32>,
      %swap3A_282 = arith.index_cast %scan3A_91 : i32 to index
      %swap3A_283 = arith.constant 496 : index
      %swap3A_284 = tpu.vector_load %arg13[%swap3A_282, %swap3A_283] {strides = array<i32>} : memref<16x1000xf32, #tpu.memory_space<vmem>>, vector<16xf32>,
      tpu.vector_store %arg13[%swap3A_282, %swap3A_283], %get3A_281 {strides = array<i32>} : memref<16x1000xf32, #tpu.memory_space<vmem>>, vector<16xf32>,
      %get3A_285 = arith.index_cast %scan3A_91 : i32 to index
      %get3A_286 = arith.constant 512 : index
      %get3A_287 = tpu.vector_load %arg11[%get3A_285, %get3A_286] {strides = array<i32>} : memref<16x1024xf32, #tpu.memory_space<vmem>>, vector<16xf32>,
      %swap3A_288 = arith.index_cast %scan3A_91 : i32 to index
      %swap3A_289 = arith.constant 512 : index
      %swap3A_290 = tpu.vector_load %arg13[%swap3A_288, %swap3A_289] {strides = array<i32>} : memref<16x1000xf32, #tpu.memory_space<vmem>>, vector<16xf32>,
      tpu.vector_store %arg13[%swap3A_288, %swap3A_289], %get3A_287 {strides = array<i32>} : memref<16x1000xf32, #tpu.memory_space<vmem>>, vector<16xf32>,
      %get3A_291 = arith.index_cast %scan3A_91 : i32 to index
      %get3A_292 = arith.constant 528 : index
      %get3A_293 = tpu.vector_load %arg11[%get3A_291, %get3A_292] {strides = array<i32>} : memref<16x1024xf32, #tpu.memory_space<vmem>>, vector<16xf32>,
      %swap3A_294 = arith.index_cast %scan3A_91 : i32 to index
      %swap3A_295 = arith.constant 528 : index
      %swap3A_296 = tpu.vector_load %arg13[%swap3A_294, %swap3A_295] {strides = array<i32>} : memref<16x1000xf32, #tpu.memory_space<vmem>>, vector<16xf32>,
      tpu.vector_store %arg13[%swap3A_294, %swap3A_295], %get3A_293 {strides = array<i32>} : memref<16x1000xf32, #tpu.memory_space<vmem>>, vector<16xf32>,
      %get3A_297 = arith.index_cast %scan3A_91 : i32 to index
      %get3A_298 = arith.constant 544 : index
      %get3A_299 = tpu.vector_load %arg11[%get3A_297, %get3A_298] {strides = array<i32>} : memref<16x1024xf32, #tpu.memory_space<vmem>>, vector<16xf32>,
      %swap3A_300 = arith.index_cast %scan3A_91 : i32 to index
      %swap3A_301 = arith.constant 544 : index
      %swap3A_302 = tpu.vector_load %arg13[%swap3A_300, %swap3A_301] {strides = array<i32>} : memref<16x1000xf32, #tpu.memory_space<vmem>>, vector<16xf32>,
      tpu.vector_store %arg13[%swap3A_300, %swap3A_301], %get3A_299 {strides = array<i32>} : memref<16x1000xf32, #tpu.memory_space<vmem>>, vector<16xf32>,
      %get3A_303 = arith.index_cast %scan3A_91 : i32 to index
      %get3A_304 = arith.constant 560 : index
      %get3A_305 = tpu.vector_load %arg11[%get3A_303, %get3A_304] {strides = array<i32>} : memref<16x1024xf32, #tpu.memory_space<vmem>>, vector<16xf32>,
      %swap3A_306 = arith.index_cast %scan3A_91 : i32 to index
      %swap3A_307 = arith.constant 560 : index
      %swap3A_308 = tpu.vector_load %arg13[%swap3A_306, %swap3A_307] {strides = array<i32>} : memref<16x1000xf32, #tpu.memory_space<vmem>>, vector<16xf32>,
      tpu.vector_store %arg13[%swap3A_306, %swap3A_307], %get3A_305 {strides = array<i32>} : memref<16x1000xf32, #tpu.memory_space<vmem>>, vector<16xf32>,
      %get3A_309 = arith.index_cast %scan3A_91 : i32 to index
      %get3A_310 = arith.constant 576 : index
      %get3A_311 = tpu.vector_load %arg11[%get3A_309, %get3A_310] {strides = array<i32>} : memref<16x1024xf32, #tpu.memory_space<vmem>>, vector<16xf32>,
      %swap3A_312 = arith.index_cast %scan3A_91 : i32 to index
      %swap3A_313 = arith.constant 576 : index
      %swap3A_314 = tpu.vector_load %arg13[%swap3A_312, %swap3A_313] {strides = array<i32>} : memref<16x1000xf32, #tpu.memory_space<vmem>>, vector<16xf32>,
      tpu.vector_store %arg13[%swap3A_312, %swap3A_313], %get3A_311 {strides = array<i32>} : memref<16x1000xf32, #tpu.memory_space<vmem>>, vector<16xf32>,
      %get3A_315 = arith.index_cast %scan3A_91 : i32 to index
      %get3A_316 = arith.constant 592 : index
      %get3A_317 = tpu.vector_load %arg11[%get3A_315, %get3A_316] {strides = array<i32>} : memref<16x1024xf32, #tpu.memory_space<vmem>>, vector<16xf32>,
      %swap3A_318 = arith.index_cast %scan3A_91 : i32 to index
      %swap3A_319 = arith.constant 592 : index
      %swap3A_320 = tpu.vector_load %arg13[%swap3A_318, %swap3A_319] {strides = array<i32>} : memref<16x1000xf32, #tpu.memory_space<vmem>>, vector<16xf32>,
      tpu.vector_store %arg13[%swap3A_318, %swap3A_319], %get3A_317 {strides = array<i32>} : memref<16x1000xf32, #tpu.memory_space<vmem>>, vector<16xf32>,
      %get3A_321 = arith.index_cast %scan3A_91 : i32 to index
      %get3A_322 = arith.constant 608 : index
      %get3A_323 = tpu.vector_load %arg11[%get3A_321, %get3A_322] {strides = array<i32>} : memref<16x1024xf32, #tpu.memory_space<vmem>>, vector<16xf32>,
      %swap3A_324 = arith.index_cast %scan3A_91 : i32 to index
      %swap3A_325 = arith.constant 608 : index
      %swap3A_326 = tpu.vector_load %arg13[%swap3A_324, %swap3A_325] {strides = array<i32>} : memref<16x1000xf32, #tpu.memory_space<vmem>>, vector<16xf32>,
      tpu.vector_store %arg13[%swap3A_324, %swap3A_325], %get3A_323 {strides = array<i32>} : memref<16x1000xf32, #tpu.memory_space<vmem>>, vector<16xf32>,
      %get3A_327 = arith.index_cast %scan3A_91 : i32 to index
      %get3A_328 = arith.constant 624 : index
      %get3A_329 = tpu.vector_load %arg11[%get3A_327, %get3A_328] {strides = array<i32>} : memref<16x1024xf32, #tpu.memory_space<vmem>>, vector<16xf32>,
      %swap3A_330 = arith.index_cast %scan3A_91 : i32 to index
      %swap3A_331 = arith.constant 624 : index
      %swap3A_332 = tpu.vector_load %arg13[%swap3A_330, %swap3A_331] {strides = array<i32>} : memref<16x1000xf32, #tpu.memory_space<vmem>>, vector<16xf32>,
      tpu.vector_store %arg13[%swap3A_330, %swap3A_331], %get3A_329 {strides = array<i32>} : memref<16x1000xf32, #tpu.memory_space<vmem>>, vector<16xf32>,
      %get3A_333 = arith.index_cast %scan3A_91 : i32 to index
      %get3A_334 = arith.constant 640 : index
      %get3A_335 = tpu.vector_load %arg11[%get3A_333, %get3A_334] {strides = array<i32>} : memref<16x1024xf32, #tpu.memory_space<vmem>>, vector<16xf32>,
      %swap3A_336 = arith.index_cast %scan3A_91 : i32 to index
      %swap3A_337 = arith.constant 640 : index
      %swap3A_338 = tpu.vector_load %arg13[%swap3A_336, %swap3A_337] {strides = array<i32>} : memref<16x1000xf32, #tpu.memory_space<vmem>>, vector<16xf32>,
      tpu.vector_store %arg13[%swap3A_336, %swap3A_337], %get3A_335 {strides = array<i32>} : memref<16x1000xf32, #tpu.memory_space<vmem>>, vector<16xf32>,
      %get3A_339 = arith.index_cast %scan3A_91 : i32 to index
      %get3A_340 = arith.constant 656 : index
      %get3A_341 = tpu.vector_load %arg11[%get3A_339, %get3A_340] {strides = array<i32>} : memref<16x1024xf32, #tpu.memory_space<vmem>>, vector<16xf32>,
      %swap3A_342 = arith.index_cast %scan3A_91 : i32 to index
      %swap3A_343 = arith.constant 656 : index
      %swap3A_344 = tpu.vector_load %arg13[%swap3A_342, %swap3A_343] {strides = array<i32>} : memref<16x1000xf32, #tpu.memory_space<vmem>>, vector<16xf32>,
      tpu.vector_store %arg13[%swap3A_342, %swap3A_343], %get3A_341 {strides = array<i32>} : memref<16x1000xf32, #tpu.memory_space<vmem>>, vector<16xf32>,
      %get3A_345 = arith.index_cast %scan3A_91 : i32 to index
      %get3A_346 = arith.constant 672 : index
      %get3A_347 = tpu.vector_load %arg11[%get3A_345, %get3A_346] {strides = array<i32>} : memref<16x1024xf32, #tpu.memory_space<vmem>>, vector<16xf32>,
      %swap3A_348 = arith.index_cast %scan3A_91 : i32 to index
      %swap3A_349 = arith.constant 672 : index
      %swap3A_350 = tpu.vector_load %arg13[%swap3A_348, %swap3A_349] {strides = array<i32>} : memref<16x1000xf32, #tpu.memory_space<vmem>>, vector<16xf32>,
      tpu.vector_store %arg13[%swap3A_348, %swap3A_349], %get3A_347 {strides = array<i32>} : memref<16x1000xf32, #tpu.memory_space<vmem>>, vector<16xf32>,
      %get3A_351 = arith.index_cast %scan3A_91 : i32 to index
      %get3A_352 = arith.constant 688 : index
      %get3A_353 = tpu.vector_load %arg11[%get3A_351, %get3A_352] {strides = array<i32>} : memref<16x1024xf32, #tpu.memory_space<vmem>>, vector<16xf32>,
      %swap3A_354 = arith.index_cast %scan3A_91 : i32 to index
      %swap3A_355 = arith.constant 688 : index
      %swap3A_356 = tpu.vector_load %arg13[%swap3A_354, %swap3A_355] {strides = array<i32>} : memref<16x1000xf32, #tpu.memory_space<vmem>>, vector<16xf32>,
      tpu.vector_store %arg13[%swap3A_354, %swap3A_355], %get3A_353 {strides = array<i32>} : memref<16x1000xf32, #tpu.memory_space<vmem>>, vector<16xf32>,
      %get3A_357 = arith.index_cast %scan3A_91 : i32 to index
      %get3A_358 = arith.constant 704 : index
      %get3A_359 = tpu.vector_load %arg11[%get3A_357, %get3A_358] {strides = array<i32>} : memref<16x1024xf32, #tpu.memory_space<vmem>>, vector<16xf32>,
      %swap3A_360 = arith.index_cast %scan3A_91 : i32 to index
      %swap3A_361 = arith.constant 704 : index
      %swap3A_362 = tpu.vector_load %arg13[%swap3A_360, %swap3A_361] {strides = array<i32>} : memref<16x1000xf32, #tpu.memory_space<vmem>>, vector<16xf32>,
      tpu.vector_store %arg13[%swap3A_360, %swap3A_361], %get3A_359 {strides = array<i32>} : memref<16x1000xf32, #tpu.memory_space<vmem>>, vector<16xf32>,
      %get3A_363 = arith.index_cast %scan3A_91 : i32 to index
      %get3A_364 = arith.constant 720 : index
      %get3A_365 = tpu.vector_load %arg11[%get3A_363, %get3A_364] {strides = array<i32>} : memref<16x1024xf32, #tpu.memory_space<vmem>>, vector<16xf32>,
      %swap3A_366 = arith.index_cast %scan3A_91 : i32 to index
      %swap3A_367 = arith.constant 720 : index
      %swap3A_368 = tpu.vector_load %arg13[%swap3A_366, %swap3A_367] {strides = array<i32>} : memref<16x1000xf32, #tpu.memory_space<vmem>>, vector<16xf32>,
      tpu.vector_store %arg13[%swap3A_366, %swap3A_367], %get3A_365 {strides = array<i32>} : memref<16x1000xf32, #tpu.memory_space<vmem>>, vector<16xf32>,
      %get3A_369 = arith.index_cast %scan3A_91 : i32 to index
      %get3A_370 = arith.constant 736 : index
      %get3A_371 = tpu.vector_load %arg11[%get3A_369, %get3A_370] {strides = array<i32>} : memref<16x1024xf32, #tpu.memory_space<vmem>>, vector<16xf32>,
      %swap3A_372 = arith.index_cast %scan3A_91 : i32 to index
      %swap3A_373 = arith.constant 736 : index
      %swap3A_374 = tpu.vector_load %arg13[%swap3A_372, %swap3A_373] {strides = array<i32>} : memref<16x1000xf32, #tpu.memory_space<vmem>>, vector<16xf32>,
      tpu.vector_store %arg13[%swap3A_372, %swap3A_373], %get3A_371 {strides = array<i32>} : memref<16x1000xf32, #tpu.memory_space<vmem>>, vector<16xf32>,
      %get3A_375 = arith.index_cast %scan3A_91 : i32 to index
      %get3A_376 = arith.constant 752 : index
      %get3A_377 = tpu.vector_load %arg11[%get3A_375, %get3A_376] {strides = array<i32>} : memref<16x1024xf32, #tpu.memory_space<vmem>>, vector<16xf32>,
      %swap3A_378 = arith.index_cast %scan3A_91 : i32 to index
      %swap3A_379 = arith.constant 752 : index
      %swap3A_380 = tpu.vector_load %arg13[%swap3A_378, %swap3A_379] {strides = array<i32>} : memref<16x1000xf32, #tpu.memory_space<vmem>>, vector<16xf32>,
      tpu.vector_store %arg13[%swap3A_378, %swap3A_379], %get3A_377 {strides = array<i32>} : memref<16x1000xf32, #tpu.memory_space<vmem>>, vector<16xf32>,
      %get3A_381 = arith.index_cast %scan3A_91 : i32 to index
      %get3A_382 = arith.constant 768 : index
      %get3A_383 = tpu.vector_load %arg11[%get3A_381, %get3A_382] {strides = array<i32>} : memref<16x1024xf32, #tpu.memory_space<vmem>>, vector<16xf32>,
      %swap3A_384 = arith.index_cast %scan3A_91 : i32 to index
      %swap3A_385 = arith.constant 768 : index
      %swap3A_386 = tpu.vector_load %arg13[%swap3A_384, %swap3A_385] {strides = array<i32>} : memref<16x1000xf32, #tpu.memory_space<vmem>>, vector<16xf32>,
      tpu.vector_store %arg13[%swap3A_384, %swap3A_385], %get3A_383 {strides = array<i32>} : memref<16x1000xf32, #tpu.memory_space<vmem>>, vector<16xf32>,
      %get3A_387 = arith.index_cast %scan3A_91 : i32 to index
      %get3A_388 = arith.constant 784 : index
      %get3A_389 = tpu.vector_load %arg11[%get3A_387, %get3A_388] {strides = array<i32>} : memref<16x1024xf32, #tpu.memory_space<vmem>>, vector<16xf32>,
      %swap3A_390 = arith.index_cast %scan3A_91 : i32 to index
      %swap3A_391 = arith.constant 784 : index
      %swap3A_392 = tpu.vector_load %arg13[%swap3A_390, %swap3A_391] {strides = array<i32>} : memref<16x1000xf32, #tpu.memory_space<vmem>>, vector<16xf32>,
      tpu.vector_store %arg13[%swap3A_390, %swap3A_391], %get3A_389 {strides = array<i32>} : memref<16x1000xf32, #tpu.memory_space<vmem>>, vector<16xf32>,
      %get3A_393 = arith.index_cast %scan3A_91 : i32 to index
      %get3A_394 = arith.constant 800 : index
      %get3A_395 = tpu.vector_load %arg11[%get3A_393, %get3A_394] {strides = array<i32>} : memref<16x1024xf32, #tpu.memory_space<vmem>>, vector<16xf32>,
      %swap3A_396 = arith.index_cast %scan3A_91 : i32 to index
      %swap3A_397 = arith.constant 800 : index
      %swap3A_398 = tpu.vector_load %arg13[%swap3A_396, %swap3A_397] {strides = array<i32>} : memref<16x1000xf32, #tpu.memory_space<vmem>>, vector<16xf32>,
      tpu.vector_store %arg13[%swap3A_396, %swap3A_397], %get3A_395 {strides = array<i32>} : memref<16x1000xf32, #tpu.memory_space<vmem>>, vector<16xf32>,
      %get3A_399 = arith.index_cast %scan3A_91 : i32 to index
      %get3A_400 = arith.constant 816 : index
      %get3A_401 = tpu.vector_load %arg11[%get3A_399, %get3A_400] {strides = array<i32>} : memref<16x1024xf32, #tpu.memory_space<vmem>>, vector<16xf32>,
      %swap3A_402 = arith.index_cast %scan3A_91 : i32 to index
      %swap3A_403 = arith.constant 816 : index
      %swap3A_404 = tpu.vector_load %arg13[%swap3A_402, %swap3A_403] {strides = array<i32>} : memref<16x1000xf32, #tpu.memory_space<vmem>>, vector<16xf32>,
      tpu.vector_store %arg13[%swap3A_402, %swap3A_403], %get3A_401 {strides = array<i32>} : memref<16x1000xf32, #tpu.memory_space<vmem>>, vector<16xf32>,
      %get3A_405 = arith.index_cast %scan3A_91 : i32 to index
      %get3A_406 = arith.constant 832 : index
      %get3A_407 = tpu.vector_load %arg11[%get3A_405, %get3A_406] {strides = array<i32>} : memref<16x1024xf32, #tpu.memory_space<vmem>>, vector<16xf32>,
      %swap3A_408 = arith.index_cast %scan3A_91 : i32 to index
      %swap3A_409 = arith.constant 832 : index
      %swap3A_410 = tpu.vector_load %arg13[%swap3A_408, %swap3A_409] {strides = array<i32>} : memref<16x1000xf32, #tpu.memory_space<vmem>>, vector<16xf32>,
      tpu.vector_store %arg13[%swap3A_408, %swap3A_409], %get3A_407 {strides = array<i32>} : memref<16x1000xf32, #tpu.memory_space<vmem>>, vector<16xf32>,
      %get3A_411 = arith.index_cast %scan3A_91 : i32 to index
      %get3A_412 = arith.constant 848 : index
      %get3A_413 = tpu.vector_load %arg11[%get3A_411, %get3A_412] {strides = array<i32>} : memref<16x1024xf32, #tpu.memory_space<vmem>>, vector<16xf32>,
      %swap3A_414 = arith.index_cast %scan3A_91 : i32 to index
      %swap3A_415 = arith.constant 848 : index
      %swap3A_416 = tpu.vector_load %arg13[%swap3A_414, %swap3A_415] {strides = array<i32>} : memref<16x1000xf32, #tpu.memory_space<vmem>>, vector<16xf32>,
      tpu.vector_store %arg13[%swap3A_414, %swap3A_415], %get3A_413 {strides = array<i32>} : memref<16x1000xf32, #tpu.memory_space<vmem>>, vector<16xf32>,
      %get3A_417 = arith.index_cast %scan3A_91 : i32 to index
      %get3A_418 = arith.constant 864 : index
      %get3A_419 = tpu.vector_load %arg11[%get3A_417, %get3A_418] {strides = array<i32>} : memref<16x1024xf32, #tpu.memory_space<vmem>>, vector<16xf32>,
      %swap3A_420 = arith.index_cast %scan3A_91 : i32 to index
      %swap3A_421 = arith.constant 864 : index
      %swap3A_422 = tpu.vector_load %arg13[%swap3A_420, %swap3A_421] {strides = array<i32>} : memref<16x1000xf32, #tpu.memory_space<vmem>>, vector<16xf32>,
      tpu.vector_store %arg13[%swap3A_420, %swap3A_421], %get3A_419 {strides = array<i32>} : memref<16x1000xf32, #tpu.memory_space<vmem>>, vector<16xf32>,
      %get3A_423 = arith.index_cast %scan3A_91 : i32 to index
      %get3A_424 = arith.constant 880 : index
      %get3A_425 = tpu.vector_load %arg11[%get3A_423, %get3A_424] {strides = array<i32>} : memref<16x1024xf32, #tpu.memory_space<vmem>>, vector<16xf32>,
      %swap3A_426 = arith.index_cast %scan3A_91 : i32 to index
      %swap3A_427 = arith.constant 880 : index
      %swap3A_428 = tpu.vector_load %arg13[%swap3A_426, %swap3A_427] {strides = array<i32>} : memref<16x1000xf32, #tpu.memory_space<vmem>>, vector<16xf32>,
      tpu.vector_store %arg13[%swap3A_426, %swap3A_427], %get3A_425 {strides = array<i32>} : memref<16x1000xf32, #tpu.memory_space<vmem>>, vector<16xf32>,
      %get3A_429 = arith.index_cast %scan3A_91 : i32 to index
      %get3A_430 = arith.constant 896 : index
      %get3A_431 = tpu.vector_load %arg11[%get3A_429, %get3A_430] {strides = array<i32>} : memref<16x1024xf32, #tpu.memory_space<vmem>>, vector<16xf32>,
      %swap3A_432 = arith.index_cast %scan3A_91 : i32 to index
      %swap3A_433 = arith.constant 896 : index
      %swap3A_434 = tpu.vector_load %arg13[%swap3A_432, %swap3A_433] {strides = array<i32>} : memref<16x1000xf32, #tpu.memory_space<vmem>>, vector<16xf32>,
      tpu.vector_store %arg13[%swap3A_432, %swap3A_433], %get3A_431 {strides = array<i32>} : memref<16x1000xf32, #tpu.memory_space<vmem>>, vector<16xf32>,
      %get3A_435 = arith.index_cast %scan3A_91 : i32 to index
      %get3A_436 = arith.constant 912 : index
      %get3A_437 = tpu.vector_load %arg11[%get3A_435, %get3A_436] {strides = array<i32>} : memref<16x1024xf32, #tpu.memory_space<vmem>>, vector<16xf32>,
      %swap3A_438 = arith.index_cast %scan3A_91 : i32 to index
      %swap3A_439 = arith.constant 912 : index
      %swap3A_440 = tpu.vector_load %arg13[%swap3A_438, %swap3A_439] {strides = array<i32>} : memref<16x1000xf32, #tpu.memory_space<vmem>>, vector<16xf32>,
      tpu.vector_store %arg13[%swap3A_438, %swap3A_439], %get3A_437 {strides = array<i32>} : memref<16x1000xf32, #tpu.memory_space<vmem>>, vector<16xf32>,
      %get3A_441 = arith.index_cast %scan3A_91 : i32 to index
      %get3A_442 = arith.constant 928 : index
      %get3A_443 = tpu.vector_load %arg11[%get3A_441, %get3A_442] {strides = array<i32>} : memref<16x1024xf32, #tpu.memory_space<vmem>>, vector<16xf32>,
      %swap3A_444 = arith.index_cast %scan3A_91 : i32 to index
      %swap3A_445 = arith.constant 928 : index
      %swap3A_446 = tpu.vector_load %arg13[%swap3A_444, %swap3A_445] {strides = array<i32>} : memref<16x1000xf32, #tpu.memory_space<vmem>>, vector<16xf32>,
      tpu.vector_store %arg13[%swap3A_444, %swap3A_445], %get3A_443 {strides = array<i32>} : memref<16x1000xf32, #tpu.memory_space<vmem>>, vector<16xf32>,
      %get3A_447 = arith.index_cast %scan3A_91 : i32 to index
      %get3A_448 = arith.constant 944 : index
      %get3A_449 = tpu.vector_load %arg11[%get3A_447, %get3A_448] {strides = array<i32>} : memref<16x1024xf32, #tpu.memory_space<vmem>>, vector<16xf32>,
      %swap3A_450 = arith.index_cast %scan3A_91 : i32 to index
      %swap3A_451 = arith.constant 944 : index
      %swap3A_452 = tpu.vector_load %arg13[%swap3A_450, %swap3A_451] {strides = array<i32>} : memref<16x1000xf32, #tpu.memory_space<vmem>>, vector<16xf32>,
      tpu.vector_store %arg13[%swap3A_450, %swap3A_451], %get3A_449 {strides = array<i32>} : memref<16x1000xf32, #tpu.memory_space<vmem>>, vector<16xf32>,
      %get3A_453 = arith.index_cast %scan3A_91 : i32 to index
      %get3A_454 = arith.constant 960 : index
      %get3A_455 = tpu.vector_load %arg11[%get3A_453, %get3A_454] {strides = array<i32>} : memref<16x1024xf32, #tpu.memory_space<vmem>>, vector<16xf32>,
      %swap3A_456 = arith.index_cast %scan3A_91 : i32 to index
      %swap3A_457 = arith.constant 960 : index
      %swap3A_458 = tpu.vector_load %arg13[%swap3A_456, %swap3A_457] {strides = array<i32>} : memref<16x1000xf32, #tpu.memory_space<vmem>>, vector<16xf32>,
      tpu.vector_store %arg13[%swap3A_456, %swap3A_457], %get3A_455 {strides = array<i32>} : memref<16x1000xf32, #tpu.memory_space<vmem>>, vector<16xf32>,
      %get3A_459 = arith.index_cast %scan3A_91 : i32 to index
      %get3A_460 = arith.constant 976 : index
      %get3A_461 = tpu.vector_load %arg11[%get3A_459, %get3A_460] {strides = array<i32>} : memref<16x1024xf32, #tpu.memory_space<vmem>>, vector<16xf32>,
      %swap3A_462 = arith.index_cast %scan3A_91 : i32 to index
      %swap3A_463 = arith.constant 976 : index
      %swap3A_464 = tpu.vector_load %arg13[%swap3A_462, %swap3A_463] {strides = array<i32>} : memref<16x1000xf32, #tpu.memory_space<vmem>>, vector<16xf32>,
      tpu.vector_store %arg13[%swap3A_462, %swap3A_463], %get3A_461 {strides = array<i32>} : memref<16x1000xf32, #tpu.memory_space<vmem>>, vector<16xf32>,
      %get3A_465 = arith.index_cast %scan3A_91 : i32 to index
      %get3A_466 = arith.constant 984 : index
      %get3A_467 = tpu.vector_load %arg11[%get3A_465, %get3A_466] {strides = array<i32>} : memref<16x1024xf32, #tpu.memory_space<vmem>>, vector<16xf32>,
      %swap3A_468 = arith.index_cast %scan3A_91 : i32 to index
      %swap3A_469 = arith.constant 984 : index
      %swap3A_470 = tpu.vector_load %arg13[%swap3A_468, %swap3A_469] {strides = array<i32>} : memref<16x1000xf32, #tpu.memory_space<vmem>>, vector<16xf32>,
      tpu.vector_store %arg13[%swap3A_468, %swap3A_469], %get3A_467 {strides = array<i32>} : memref<16x1000xf32, #tpu.memory_space<vmem>>, vector<16xf32>,
      %scan3A_471 = arith.constant 0 : i32
      scf.yield %scan3A_471 : i32
    }
    %scan3A_22 = arith.constant 16 : i32
    %get3A = arith.constant 0 : index
    %get3A_23 = tpu.vector_load %arg8[%get3A] {strides = array<i32>} : memref<1600xi32, #tpu.memory_space<vmem>>, vector<16xi32>,
    %get3A_24 = arith.constant 0 : index
    %get3A_25 = tpu.vector_load %arg9[%get3A_24] {strides = array<i32>} : memref<1600xi32, #tpu.memory_space<vmem>>, vector<16xi32>,
    %gather3A = tpu.vector_load_idx %arg11[%iota3A, %get3A_25] : memref<16x1024xf32, #tpu.memory_space<vmem>>[vector<16xi32>, vector<16xi32>], vector<16xf32>,
    %gather3A_26 = tpu.vector_load_idx %arg10[%get3A_23] : memref<1000xf32, #tpu.memory_space<vmem>>[vector<16xi32>], vector<16xf32>,
    %sub3A = arith.subf %gather3A_26, %gather3A : vector<16xf32>
    %add3A_27 = arith.addf %broadcast_in_dim3A_12, %sub3A : vector<16xf32>
    %add3A_28 = arith.constant 0 : i32
    %add3A_29 = arith.addi %mul3A_2, %add3A_28 : i32
    %dma_start3A_30 = arith.constant 0 : i32
    %dma_start3A_31 = tpu.memref_slice %arg6[%add3A_29, %dma_start3A_30] : memref<51200x1000xf32, #tpu.memory_space<hbm>> -> memref<16x1000xf32, #tpu.memory_space<hbm>>
    %dma_start3A_32 = arith.constant 0 : i32
    %dma_start3A_33 = tpu.memref_slice %arg6[%add3A_29, %dma_start3A_32] : memref<51200x1000xf32, #tpu.memory_space<hbm>> -> memref<16x1000xf32, #tpu.memory_space<hbm>>
    tpu.enqueue_dma source(%arg13 : memref<16x1000xf32, #tpu.memory_space<vmem>>) target(%dma_start3A_33 : memref<16x1000xf32, #tpu.memory_space<hbm>>) target_semaphore(%arg18 : memref<!tpu.dma_semaphore, #tpu.memory_space<semaphore_mem>>)
    %dma_start3A_34 = arith.constant 32 : i32
    %dma_start3A_35 = tpu.memref_slice %arg8[%dma_start3A_34] : memref<1600xi32, #tpu.memory_space<vmem>> -> memref<16xi32, #tpu.memory_space<vmem>>
    %dma_start3A_36 = arith.constant 0 : i32
    %dma_start3A_37 = arith.constant 0 : i32
    %dma_start3A_38 = tpu.memref_slice %arg2[%dma_start3A_36, %dma_start3A_37] : memref<1000x1024xf32, #tpu.memory_space<hbm>> -> memref<1000x1024xf32, #tpu.memory_space<hbm>>
    tpu.enqueue_indirect_dma source(%dma_start3A_38 : memref<1000x1024xf32, #tpu.memory_space<hbm>>) target(%arg11 : memref<16x1024xf32, #tpu.memory_space<vmem>>) offsets(%dma_start3A_35 : memref<16xi32, #tpu.memory_space<vmem>>) semaphore(%arg16 : memref<!tpu.dma_semaphore, #tpu.memory_space<semaphore_mem>>)
    %dma_wait3A_39 = arith.constant 16 : i32
    %dma_wait3A_40 = tpu.memref_slice %arg8[%dma_wait3A_39] : memref<1600xi32, #tpu.memory_space<vmem>> -> memref<16xi32, #tpu.memory_space<vmem>>
    %dma_wait3A_41 = arith.constant 0 : i32
    %dma_wait3A_42 = arith.constant 0 : i32
    %dma_wait3A_43 = tpu.memref_slice %arg2[%dma_wait3A_41, %dma_wait3A_42] : memref<1000x1024xf32, #tpu.memory_space<hbm>> -> memref<1000x1024xf32, #tpu.memory_space<hbm>>
    tpu.wait_indirect_dma semaphore(%arg17 : memref<!tpu.dma_semaphore, #tpu.memory_space<semaphore_mem>>) src(%dma_wait3A_43 : memref<1000x1024xf32, #tpu.memory_space<hbm>>) dst(%arg12 : memref<16x1024xf32, #tpu.memory_space<vmem>>)
    %scan3A_44 = arith.constant 0 : i32
    %scan3A_45 = arith.constant 0 : i32
    %scan3A_46 = arith.constant 16 : i32
    %scan3A_47 = arith.addi %scan3A_45, %scan3A_46 : i32
    %scan3A_48 = arith.constant 1 : i32
    %scan3A_49 = scf.for %scan3A_91 = %scan3A_45 to %scan3A_47 step %scan3A_48 iter_args(%scan3A_92 = %scan3A_44) -> (i32)  : i32 {
      %get3A_93 = arith.index_cast %scan3A_91 : i32 to index
      %get3A_94 = arith.constant 0 : index
      %get3A_95 = tpu.vector_load %arg12[%get3A_93, %get3A_94] {strides = array<i32>} : memref<16x1024xf32, #tpu.memory_space<vmem>>, vector<16xf32>,
      %swap3A_96 = arith.index_cast %scan3A_91 : i32 to index
      %swap3A_97 = arith.constant 0 : index
      %swap3A_98 = tpu.vector_load %arg14[%swap3A_96, %swap3A_97] {strides = array<i32>} : memref<16x1000xf32, #tpu.memory_space<vmem>>, vector<16xf32>,
      tpu.vector_store %arg14[%swap3A_96, %swap3A_97], %get3A_95 {strides = array<i32>} : memref<16x1000xf32, #tpu.memory_space<vmem>>, vector<16xf32>,
      %get3A_99 = arith.index_cast %scan3A_91 : i32 to index
      %get3A_100 = arith.constant 16 : index
      %get3A_101 = tpu.vector_load %arg12[%get3A_99, %get3A_100] {strides = array<i32>} : memref<16x1024xf32, #tpu.memory_space<vmem>>, vector<16xf32>,
      %swap3A_102 = arith.index_cast %scan3A_91 : i32 to index
      %swap3A_103 = arith.constant 16 : index
      %swap3A_104 = tpu.vector_load %arg14[%swap3A_102, %swap3A_103] {strides = array<i32>} : memref<16x1000xf32, #tpu.memory_space<vmem>>, vector<16xf32>,
      tpu.vector_store %arg14[%swap3A_102, %swap3A_103], %get3A_101 {strides = array<i32>} : memref<16x1000xf32, #tpu.memory_space<vmem>>, vector<16xf32>,
      %get3A_105 = arith.index_cast %scan3A_91 : i32 to index
      %get3A_106 = arith.constant 32 : index
      %get3A_107 = tpu.vector_load %arg12[%get3A_105, %get3A_106] {strides = array<i32>} : memref<16x1024xf32, #tpu.memory_space<vmem>>, vector<16xf32>,
      %swap3A_108 = arith.index_cast %scan3A_91 : i32 to index
      %swap3A_109 = arith.constant 32 : index
      %swap3A_110 = tpu.vector_load %arg14[%swap3A_108, %swap3A_109] {strides = array<i32>} : memref<16x1000xf32, #tpu.memory_space<vmem>>, vector<16xf32>,
      tpu.vector_store %arg14[%swap3A_108, %swap3A_109], %get3A_107 {strides = array<i32>} : memref<16x1000xf32, #tpu.memory_space<vmem>>, vector<16xf32>,
      %get3A_111 = arith.index_cast %scan3A_91 : i32 to index
      %get3A_112 = arith.constant 48 : index
      %get3A_113 = tpu.vector_load %arg12[%get3A_111, %get3A_112] {strides = array<i32>} : memref<16x1024xf32, #tpu.memory_space<vmem>>, vector<16xf32>,
      %swap3A_114 = arith.index_cast %scan3A_91 : i32 to index
      %swap3A_115 = arith.constant 48 : index
      %swap3A_116 = tpu.vector_load %arg14[%swap3A_114, %swap3A_115] {strides = array<i32>} : memref<16x1000xf32, #tpu.memory_space<vmem>>, vector<16xf32>,
      tpu.vector_store %arg14[%swap3A_114, %swap3A_115], %get3A_113 {strides = array<i32>} : memref<16x1000xf32, #tpu.memory_space<vmem>>, vector<16xf32>,
      %get3A_117 = arith.index_cast %scan3A_91 : i32 to index
      %get3A_118 = arith.constant 64 : index
      %get3A_119 = tpu.vector_load %arg12[%get3A_117, %get3A_118] {strides = array<i32>} : memref<16x1024xf32, #tpu.memory_space<vmem>>, vector<16xf32>,
      %swap3A_120 = arith.index_cast %scan3A_91 : i32 to index
      %swap3A_121 = arith.constant 64 : index
      %swap3A_122 = tpu.vector_load %arg14[%swap3A_120, %swap3A_121] {strides = array<i32>} : memref<16x1000xf32, #tpu.memory_space<vmem>>, vector<16xf32>,
      tpu.vector_store %arg14[%swap3A_120, %swap3A_121], %get3A_119 {strides = array<i32>} : memref<16x1000xf32, #tpu.memory_space<vmem>>, vector<16xf32>,
      %get3A_123 = arith.index_cast %scan3A_91 : i32 to index
      %get3A_124 = arith.constant 80 : index
      %get3A_125 = tpu.vector_load %arg12[%get3A_123, %get3A_124] {strides = array<i32>} : memref<16x1024xf32, #tpu.memory_space<vmem>>, vector<16xf32>,
      %swap3A_126 = arith.index_cast %scan3A_91 : i32 to index
      %swap3A_127 = arith.constant 80 : index
      %swap3A_128 = tpu.vector_load %arg14[%swap3A_126, %swap3A_127] {strides = array<i32>} : memref<16x1000xf32, #tpu.memory_space<vmem>>, vector<16xf32>,
      tpu.vector_store %arg14[%swap3A_126, %swap3A_127], %get3A_125 {strides = array<i32>} : memref<16x1000xf32, #tpu.memory_space<vmem>>, vector<16xf32>,
      %get3A_129 = arith.index_cast %scan3A_91 : i32 to index
      %get3A_130 = arith.constant 96 : index
      %get3A_131 = tpu.vector_load %arg12[%get3A_129, %get3A_130] {strides = array<i32>} : memref<16x1024xf32, #tpu.memory_space<vmem>>, vector<16xf32>,
      %swap3A_132 = arith.index_cast %scan3A_91 : i32 to index
      %swap3A_133 = arith.constant 96 : index
      %swap3A_134 = tpu.vector_load %arg14[%swap3A_132, %swap3A_133] {strides = array<i32>} : memref<16x1000xf32, #tpu.memory_space<vmem>>, vector<16xf32>,
      tpu.vector_store %arg14[%swap3A_132, %swap3A_133], %get3A_131 {strides = array<i32>} : memref<16x1000xf32, #tpu.memory_space<vmem>>, vector<16xf32>,
      %get3A_135 = arith.index_cast %scan3A_91 : i32 to index
      %get3A_136 = arith.constant 112 : index
      %get3A_137 = tpu.vector_load %arg12[%get3A_135, %get3A_136] {strides = array<i32>} : memref<16x1024xf32, #tpu.memory_space<vmem>>, vector<16xf32>,
      %swap3A_138 = arith.index_cast %scan3A_91 : i32 to index
      %swap3A_139 = arith.constant 112 : index
      %swap3A_140 = tpu.vector_load %arg14[%swap3A_138, %swap3A_139] {strides = array<i32>} : memref<16x1000xf32, #tpu.memory_space<vmem>>, vector<16xf32>,
      tpu.vector_store %arg14[%swap3A_138, %swap3A_139], %get3A_137 {strides = array<i32>} : memref<16x1000xf32, #tpu.memory_space<vmem>>, vector<16xf32>,
      %get3A_141 = arith.index_cast %scan3A_91 : i32 to index
      %get3A_142 = arith.constant 128 : index
      %get3A_143 = tpu.vector_load %arg12[%get3A_141, %get3A_142] {strides = array<i32>} : memref<16x1024xf32, #tpu.memory_space<vmem>>, vector<16xf32>,
      %swap3A_144 = arith.index_cast %scan3A_91 : i32 to index
      %swap3A_145 = arith.constant 128 : index
      %swap3A_146 = tpu.vector_load %arg14[%swap3A_144, %swap3A_145] {strides = array<i32>} : memref<16x1000xf32, #tpu.memory_space<vmem>>, vector<16xf32>,
      tpu.vector_store %arg14[%swap3A_144, %swap3A_145], %get3A_143 {strides = array<i32>} : memref<16x1000xf32, #tpu.memory_space<vmem>>, vector<16xf32>,
      %get3A_147 = arith.index_cast %scan3A_91 : i32 to index
      %get3A_148 = arith.constant 144 : index
      %get3A_149 = tpu.vector_load %arg12[%get3A_147, %get3A_148] {strides = array<i32>} : memref<16x1024xf32, #tpu.memory_space<vmem>>, vector<16xf32>,
      %swap3A_150 = arith.index_cast %scan3A_91 : i32 to index
      %swap3A_151 = arith.constant 144 : index
      %swap3A_152 = tpu.vector_load %arg14[%swap3A_150, %swap3A_151] {strides = array<i32>} : memref<16x1000xf32, #tpu.memory_space<vmem>>, vector<16xf32>,
      tpu.vector_store %arg14[%swap3A_150, %swap3A_151], %get3A_149 {strides = array<i32>} : memref<16x1000xf32, #tpu.memory_space<vmem>>, vector<16xf32>,
      %get3A_153 = arith.index_cast %scan3A_91 : i32 to index
      %get3A_154 = arith.constant 160 : index
      %get3A_155 = tpu.vector_load %arg12[%get3A_153, %get3A_154] {strides = array<i32>} : memref<16x1024xf32, #tpu.memory_space<vmem>>, vector<16xf32>,
      %swap3A_156 = arith.index_cast %scan3A_91 : i32 to index
      %swap3A_157 = arith.constant 160 : index
      %swap3A_158 = tpu.vector_load %arg14[%swap3A_156, %swap3A_157] {strides = array<i32>} : memref<16x1000xf32, #tpu.memory_space<vmem>>, vector<16xf32>,
      tpu.vector_store %arg14[%swap3A_156, %swap3A_157], %get3A_155 {strides = array<i32>} : memref<16x1000xf32, #tpu.memory_space<vmem>>, vector<16xf32>,
      %get3A_159 = arith.index_cast %scan3A_91 : i32 to index
      %get3A_160 = arith.constant 176 : index
      %get3A_161 = tpu.vector_load %arg12[%get3A_159, %get3A_160] {strides = array<i32>} : memref<16x1024xf32, #tpu.memory_space<vmem>>, vector<16xf32>,
      %swap3A_162 = arith.index_cast %scan3A_91 : i32 to index
      %swap3A_163 = arith.constant 176 : index
      %swap3A_164 = tpu.vector_load %arg14[%swap3A_162, %swap3A_163] {strides = array<i32>} : memref<16x1000xf32, #tpu.memory_space<vmem>>, vector<16xf32>,
      tpu.vector_store %arg14[%swap3A_162, %swap3A_163], %get3A_161 {strides = array<i32>} : memref<16x1000xf32, #tpu.memory_space<vmem>>, vector<16xf32>,
      %get3A_165 = arith.index_cast %scan3A_91 : i32 to index
      %get3A_166 = arith.constant 192 : index
      %get3A_167 = tpu.vector_load %arg12[%get3A_165, %get3A_166] {strides = array<i32>} : memref<16x1024xf32, #tpu.memory_space<vmem>>, vector<16xf32>,
      %swap3A_168 = arith.index_cast %scan3A_91 : i32 to index
      %swap3A_169 = arith.constant 192 : index
      %swap3A_170 = tpu.vector_load %arg14[%swap3A_168, %swap3A_169] {strides = array<i32>} : memref<16x1000xf32, #tpu.memory_space<vmem>>, vector<16xf32>,
      tpu.vector_store %arg14[%swap3A_168, %swap3A_169], %get3A_167 {strides = array<i32>} : memref<16x1000xf32, #tpu.memory_space<vmem>>, vector<16xf32>,
      %get3A_171 = arith.index_cast %scan3A_91 : i32 to index
      %get3A_172 = arith.constant 208 : index
      %get3A_173 = tpu.vector_load %arg12[%get3A_171, %get3A_172] {strides = array<i32>} : memref<16x1024xf32, #tpu.memory_space<vmem>>, vector<16xf32>,
      %swap3A_174 = arith.index_cast %scan3A_91 : i32 to index
      %swap3A_175 = arith.constant 208 : index
      %swap3A_176 = tpu.vector_load %arg14[%swap3A_174, %swap3A_175] {strides = array<i32>} : memref<16x1000xf32, #tpu.memory_space<vmem>>, vector<16xf32>,
      tpu.vector_store %arg14[%swap3A_174, %swap3A_175], %get3A_173 {strides = array<i32>} : memref<16x1000xf32, #tpu.memory_space<vmem>>, vector<16xf32>,
      %get3A_177 = arith.index_cast %scan3A_91 : i32 to index
      %get3A_178 = arith.constant 224 : index
      %get3A_179 = tpu.vector_load %arg12[%get3A_177, %get3A_178] {strides = array<i32>} : memref<16x1024xf32, #tpu.memory_space<vmem>>, vector<16xf32>,
      %swap3A_180 = arith.index_cast %scan3A_91 : i32 to index
      %swap3A_181 = arith.constant 224 : index
      %swap3A_182 = tpu.vector_load %arg14[%swap3A_180, %swap3A_181] {strides = array<i32>} : memref<16x1000xf32, #tpu.memory_space<vmem>>, vector<16xf32>,
      tpu.vector_store %arg14[%swap3A_180, %swap3A_181], %get3A_179 {strides = array<i32>} : memref<16x1000xf32, #tpu.memory_space<vmem>>, vector<16xf32>,
      %get3A_183 = arith.index_cast %scan3A_91 : i32 to index
      %get3A_184 = arith.constant 240 : index
      %get3A_185 = tpu.vector_load %arg12[%get3A_183, %get3A_184] {strides = array<i32>} : memref<16x1024xf32, #tpu.memory_space<vmem>>, vector<16xf32>,
      %swap3A_186 = arith.index_cast %scan3A_91 : i32 to index
      %swap3A_187 = arith.constant 240 : index
      %swap3A_188 = tpu.vector_load %arg14[%swap3A_186, %swap3A_187] {strides = array<i32>} : memref<16x1000xf32, #tpu.memory_space<vmem>>, vector<16xf32>,
      tpu.vector_store %arg14[%swap3A_186, %swap3A_187], %get3A_185 {strides = array<i32>} : memref<16x1000xf32, #tpu.memory_space<vmem>>, vector<16xf32>,
      %get3A_189 = arith.index_cast %scan3A_91 : i32 to index
      %get3A_190 = arith.constant 256 : index
      %get3A_191 = tpu.vector_load %arg12[%get3A_189, %get3A_190] {strides = array<i32>} : memref<16x1024xf32, #tpu.memory_space<vmem>>, vector<16xf32>,
      %swap3A_192 = arith.index_cast %scan3A_91 : i32 to index
      %swap3A_193 = arith.constant 256 : index
      %swap3A_194 = tpu.vector_load %arg14[%swap3A_192, %swap3A_193] {strides = array<i32>} : memref<16x1000xf32, #tpu.memory_space<vmem>>, vector<16xf32>,
      tpu.vector_store %arg14[%swap3A_192, %swap3A_193], %get3A_191 {strides = array<i32>} : memref<16x1000xf32, #tpu.memory_space<vmem>>, vector<16xf32>,
      %get3A_195 = arith.index_cast %scan3A_91 : i32 to index
      %get3A_196 = arith.constant 272 : index
      %get3A_197 = tpu.vector_load %arg12[%get3A_195, %get3A_196] {strides = array<i32>} : memref<16x1024xf32, #tpu.memory_space<vmem>>, vector<16xf32>,
      %swap3A_198 = arith.index_cast %scan3A_91 : i32 to index
      %swap3A_199 = arith.constant 272 : index
      %swap3A_200 = tpu.vector_load %arg14[%swap3A_198, %swap3A_199] {strides = array<i32>} : memref<16x1000xf32, #tpu.memory_space<vmem>>, vector<16xf32>,
      tpu.vector_store %arg14[%swap3A_198, %swap3A_199], %get3A_197 {strides = array<i32>} : memref<16x1000xf32, #tpu.memory_space<vmem>>, vector<16xf32>,
      %get3A_201 = arith.index_cast %scan3A_91 : i32 to index
      %get3A_202 = arith.constant 288 : index
      %get3A_203 = tpu.vector_load %arg12[%get3A_201, %get3A_202] {strides = array<i32>} : memref<16x1024xf32, #tpu.memory_space<vmem>>, vector<16xf32>,
      %swap3A_204 = arith.index_cast %scan3A_91 : i32 to index
      %swap3A_205 = arith.constant 288 : index
      %swap3A_206 = tpu.vector_load %arg14[%swap3A_204, %swap3A_205] {strides = array<i32>} : memref<16x1000xf32, #tpu.memory_space<vmem>>, vector<16xf32>,
      tpu.vector_store %arg14[%swap3A_204, %swap3A_205], %get3A_203 {strides = array<i32>} : memref<16x1000xf32, #tpu.memory_space<vmem>>, vector<16xf32>,
      %get3A_207 = arith.index_cast %scan3A_91 : i32 to index
      %get3A_208 = arith.constant 304 : index
      %get3A_209 = tpu.vector_load %arg12[%get3A_207, %get3A_208] {strides = array<i32>} : memref<16x1024xf32, #tpu.memory_space<vmem>>, vector<16xf32>,
      %swap3A_210 = arith.index_cast %scan3A_91 : i32 to index
      %swap3A_211 = arith.constant 304 : index
      %swap3A_212 = tpu.vector_load %arg14[%swap3A_210, %swap3A_211] {strides = array<i32>} : memref<16x1000xf32, #tpu.memory_space<vmem>>, vector<16xf32>,
      tpu.vector_store %arg14[%swap3A_210, %swap3A_211], %get3A_209 {strides = array<i32>} : memref<16x1000xf32, #tpu.memory_space<vmem>>, vector<16xf32>,
      %get3A_213 = arith.index_cast %scan3A_91 : i32 to index
      %get3A_214 = arith.constant 320 : index
      %get3A_215 = tpu.vector_load %arg12[%get3A_213, %get3A_214] {strides = array<i32>} : memref<16x1024xf32, #tpu.memory_space<vmem>>, vector<16xf32>,
      %swap3A_216 = arith.index_cast %scan3A_91 : i32 to index
      %swap3A_217 = arith.constant 320 : index
      %swap3A_218 = tpu.vector_load %arg14[%swap3A_216, %swap3A_217] {strides = array<i32>} : memref<16x1000xf32, #tpu.memory_space<vmem>>, vector<16xf32>,
      tpu.vector_store %arg14[%swap3A_216, %swap3A_217], %get3A_215 {strides = array<i32>} : memref<16x1000xf32, #tpu.memory_space<vmem>>, vector<16xf32>,
      %get3A_219 = arith.index_cast %scan3A_91 : i32 to index
      %get3A_220 = arith.constant 336 : index
      %get3A_221 = tpu.vector_load %arg12[%get3A_219, %get3A_220] {strides = array<i32>} : memref<16x1024xf32, #tpu.memory_space<vmem>>, vector<16xf32>,
      %swap3A_222 = arith.index_cast %scan3A_91 : i32 to index
      %swap3A_223 = arith.constant 336 : index
      %swap3A_224 = tpu.vector_load %arg14[%swap3A_222, %swap3A_223] {strides = array<i32>} : memref<16x1000xf32, #tpu.memory_space<vmem>>, vector<16xf32>,
      tpu.vector_store %arg14[%swap3A_222, %swap3A_223], %get3A_221 {strides = array<i32>} : memref<16x1000xf32, #tpu.memory_space<vmem>>, vector<16xf32>,
      %get3A_225 = arith.index_cast %scan3A_91 : i32 to index
      %get3A_226 = arith.constant 352 : index
      %get3A_227 = tpu.vector_load %arg12[%get3A_225, %get3A_226] {strides = array<i32>} : memref<16x1024xf32, #tpu.memory_space<vmem>>, vector<16xf32>,
      %swap3A_228 = arith.index_cast %scan3A_91 : i32 to index
      %swap3A_229 = arith.constant 352 : index
      %swap3A_230 = tpu.vector_load %arg14[%swap3A_228, %swap3A_229] {strides = array<i32>} : memref<16x1000xf32, #tpu.memory_space<vmem>>, vector<16xf32>,
      tpu.vector_store %arg14[%swap3A_228, %swap3A_229], %get3A_227 {strides = array<i32>} : memref<16x1000xf32, #tpu.memory_space<vmem>>, vector<16xf32>,
      %get3A_231 = arith.index_cast %scan3A_91 : i32 to index
      %get3A_232 = arith.constant 368 : index
      %get3A_233 = tpu.vector_load %arg12[%get3A_231, %get3A_232] {strides = array<i32>} : memref<16x1024xf32, #tpu.memory_space<vmem>>, vector<16xf32>,
      %swap3A_234 = arith.index_cast %scan3A_91 : i32 to index
      %swap3A_235 = arith.constant 368 : index
      %swap3A_236 = tpu.vector_load %arg14[%swap3A_234, %swap3A_235] {strides = array<i32>} : memref<16x1000xf32, #tpu.memory_space<vmem>>, vector<16xf32>,
      tpu.vector_store %arg14[%swap3A_234, %swap3A_235], %get3A_233 {strides = array<i32>} : memref<16x1000xf32, #tpu.memory_space<vmem>>, vector<16xf32>,
      %get3A_237 = arith.index_cast %scan3A_91 : i32 to index
      %get3A_238 = arith.constant 384 : index
      %get3A_239 = tpu.vector_load %arg12[%get3A_237, %get3A_238] {strides = array<i32>} : memref<16x1024xf32, #tpu.memory_space<vmem>>, vector<16xf32>,
      %swap3A_240 = arith.index_cast %scan3A_91 : i32 to index
      %swap3A_241 = arith.constant 384 : index
      %swap3A_242 = tpu.vector_load %arg14[%swap3A_240, %swap3A_241] {strides = array<i32>} : memref<16x1000xf32, #tpu.memory_space<vmem>>, vector<16xf32>,
      tpu.vector_store %arg14[%swap3A_240, %swap3A_241], %get3A_239 {strides = array<i32>} : memref<16x1000xf32, #tpu.memory_space<vmem>>, vector<16xf32>,
      %get3A_243 = arith.index_cast %scan3A_91 : i32 to index
      %get3A_244 = arith.constant 400 : index
      %get3A_245 = tpu.vector_load %arg12[%get3A_243, %get3A_244] {strides = array<i32>} : memref<16x1024xf32, #tpu.memory_space<vmem>>, vector<16xf32>,
      %swap3A_246 = arith.index_cast %scan3A_91 : i32 to index
      %swap3A_247 = arith.constant 400 : index
      %swap3A_248 = tpu.vector_load %arg14[%swap3A_246, %swap3A_247] {strides = array<i32>} : memref<16x1000xf32, #tpu.memory_space<vmem>>, vector<16xf32>,
      tpu.vector_store %arg14[%swap3A_246, %swap3A_247], %get3A_245 {strides = array<i32>} : memref<16x1000xf32, #tpu.memory_space<vmem>>, vector<16xf32>,
      %get3A_249 = arith.index_cast %scan3A_91 : i32 to index
      %get3A_250 = arith.constant 416 : index
      %get3A_251 = tpu.vector_load %arg12[%get3A_249, %get3A_250] {strides = array<i32>} : memref<16x1024xf32, #tpu.memory_space<vmem>>, vector<16xf32>,
      %swap3A_252 = arith.index_cast %scan3A_91 : i32 to index
      %swap3A_253 = arith.constant 416 : index
      %swap3A_254 = tpu.vector_load %arg14[%swap3A_252, %swap3A_253] {strides = array<i32>} : memref<16x1000xf32, #tpu.memory_space<vmem>>, vector<16xf32>,
      tpu.vector_store %arg14[%swap3A_252, %swap3A_253], %get3A_251 {strides = array<i32>} : memref<16x1000xf32, #tpu.memory_space<vmem>>, vector<16xf32>,
      %get3A_255 = arith.index_cast %scan3A_91 : i32 to index
      %get3A_256 = arith.constant 432 : index
      %get3A_257 = tpu.vector_load %arg12[%get3A_255, %get3A_256] {strides = array<i32>} : memref<16x1024xf32, #tpu.memory_space<vmem>>, vector<16xf32>,
      %swap3A_258 = arith.index_cast %scan3A_91 : i32 to index
      %swap3A_259 = arith.constant 432 : index
      %swap3A_260 = tpu.vector_load %arg14[%swap3A_258, %swap3A_259] {strides = array<i32>} : memref<16x1000xf32, #tpu.memory_space<vmem>>, vector<16xf32>,
      tpu.vector_store %arg14[%swap3A_258, %swap3A_259], %get3A_257 {strides = array<i32>} : memref<16x1000xf32, #tpu.memory_space<vmem>>, vector<16xf32>,
      %get3A_261 = arith.index_cast %scan3A_91 : i32 to index
      %get3A_262 = arith.constant 448 : index
      %get3A_263 = tpu.vector_load %arg12[%get3A_261, %get3A_262] {strides = array<i32>} : memref<16x1024xf32, #tpu.memory_space<vmem>>, vector<16xf32>,
      %swap3A_264 = arith.index_cast %scan3A_91 : i32 to index
      %swap3A_265 = arith.constant 448 : index
      %swap3A_266 = tpu.vector_load %arg14[%swap3A_264, %swap3A_265] {strides = array<i32>} : memref<16x1000xf32, #tpu.memory_space<vmem>>, vector<16xf32>,
      tpu.vector_store %arg14[%swap3A_264, %swap3A_265], %get3A_263 {strides = array<i32>} : memref<16x1000xf32, #tpu.memory_space<vmem>>, vector<16xf32>,
      %get3A_267 = arith.index_cast %scan3A_91 : i32 to index
      %get3A_268 = arith.constant 464 : index
      %get3A_269 = tpu.vector_load %arg12[%get3A_267, %get3A_268] {strides = array<i32>} : memref<16x1024xf32, #tpu.memory_space<vmem>>, vector<16xf32>,
      %swap3A_270 = arith.index_cast %scan3A_91 : i32 to index
      %swap3A_271 = arith.constant 464 : index
      %swap3A_272 = tpu.vector_load %arg14[%swap3A_270, %swap3A_271] {strides = array<i32>} : memref<16x1000xf32, #tpu.memory_space<vmem>>, vector<16xf32>,
      tpu.vector_store %arg14[%swap3A_270, %swap3A_271], %get3A_269 {strides = array<i32>} : memref<16x1000xf32, #tpu.memory_space<vmem>>, vector<16xf32>,
      %get3A_273 = arith.index_cast %scan3A_91 : i32 to index
      %get3A_274 = arith.constant 480 : index
      %get3A_275 = tpu.vector_load %arg12[%get3A_273, %get3A_274] {strides = array<i32>} : memref<16x1024xf32, #tpu.memory_space<vmem>>, vector<16xf32>,
      %swap3A_276 = arith.index_cast %scan3A_91 : i32 to index
      %swap3A_277 = arith.constant 480 : index
      %swap3A_278 = tpu.vector_load %arg14[%swap3A_276, %swap3A_277] {strides = array<i32>} : memref<16x1000xf32, #tpu.memory_space<vmem>>, vector<16xf32>,
      tpu.vector_store %arg14[%swap3A_276, %swap3A_277], %get3A_275 {strides = array<i32>} : memref<16x1000xf32, #tpu.memory_space<vmem>>, vector<16xf32>,
      %get3A_279 = arith.index_cast %scan3A_91 : i32 to index
      %get3A_280 = arith.constant 496 : index
      %get3A_281 = tpu.vector_load %arg12[%get3A_279, %get3A_280] {strides = array<i32>} : memref<16x1024xf32, #tpu.memory_space<vmem>>, vector<16xf32>,
      %swap3A_282 = arith.index_cast %scan3A_91 : i32 to index
      %swap3A_283 = arith.constant 496 : index
      %swap3A_284 = tpu.vector_load %arg14[%swap3A_282, %swap3A_283] {strides = array<i32>} : memref<16x1000xf32, #tpu.memory_space<vmem>>, vector<16xf32>,
      tpu.vector_store %arg14[%swap3A_282, %swap3A_283], %get3A_281 {strides = array<i32>} : memref<16x1000xf32, #tpu.memory_space<vmem>>, vector<16xf32>,
      %get3A_285 = arith.index_cast %scan3A_91 : i32 to index
      %get3A_286 = arith.constant 512 : index
      %get3A_287 = tpu.vector_load %arg12[%get3A_285, %get3A_286] {strides = array<i32>} : memref<16x1024xf32, #tpu.memory_space<vmem>>, vector<16xf32>,
      %swap3A_288 = arith.index_cast %scan3A_91 : i32 to index
      %swap3A_289 = arith.constant 512 : index
      %swap3A_290 = tpu.vector_load %arg14[%swap3A_288, %swap3A_289] {strides = array<i32>} : memref<16x1000xf32, #tpu.memory_space<vmem>>, vector<16xf32>,
      tpu.vector_store %arg14[%swap3A_288, %swap3A_289], %get3A_287 {strides = array<i32>} : memref<16x1000xf32, #tpu.memory_space<vmem>>, vector<16xf32>,
      %get3A_291 = arith.index_cast %scan3A_91 : i32 to index
      %get3A_292 = arith.constant 528 : index
      %get3A_293 = tpu.vector_load %arg12[%get3A_291, %get3A_292] {strides = array<i32>} : memref<16x1024xf32, #tpu.memory_space<vmem>>, vector<16xf32>,
      %swap3A_294 = arith.index_cast %scan3A_91 : i32 to index
      %swap3A_295 = arith.constant 528 : index
      %swap3A_296 = tpu.vector_load %arg14[%swap3A_294, %swap3A_295] {strides = array<i32>} : memref<16x1000xf32, #tpu.memory_space<vmem>>, vector<16xf32>,
      tpu.vector_store %arg14[%swap3A_294, %swap3A_295], %get3A_293 {strides = array<i32>} : memref<16x1000xf32, #tpu.memory_space<vmem>>, vector<16xf32>,
      %get3A_297 = arith.index_cast %scan3A_91 : i32 to index
      %get3A_298 = arith.constant 544 : index
      %get3A_299 = tpu.vector_load %arg12[%get3A_297, %get3A_298] {strides = array<i32>} : memref<16x1024xf32, #tpu.memory_space<vmem>>, vector<16xf32>,
      %swap3A_300 = arith.index_cast %scan3A_91 : i32 to index
      %swap3A_301 = arith.constant 544 : index
      %swap3A_302 = tpu.vector_load %arg14[%swap3A_300, %swap3A_301] {strides = array<i32>} : memref<16x1000xf32, #tpu.memory_space<vmem>>, vector<16xf32>,
      tpu.vector_store %arg14[%swap3A_300, %swap3A_301], %get3A_299 {strides = array<i32>} : memref<16x1000xf32, #tpu.memory_space<vmem>>, vector<16xf32>,
      %get3A_303 = arith.index_cast %scan3A_91 : i32 to index
      %get3A_304 = arith.constant 560 : index
      %get3A_305 = tpu.vector_load %arg12[%get3A_303, %get3A_304] {strides = array<i32>} : memref<16x1024xf32, #tpu.memory_space<vmem>>, vector<16xf32>,
      %swap3A_306 = arith.index_cast %scan3A_91 : i32 to index
      %swap3A_307 = arith.constant 560 : index
      %swap3A_308 = tpu.vector_load %arg14[%swap3A_306, %swap3A_307] {strides = array<i32>} : memref<16x1000xf32, #tpu.memory_space<vmem>>, vector<16xf32>,
      tpu.vector_store %arg14[%swap3A_306, %swap3A_307], %get3A_305 {strides = array<i32>} : memref<16x1000xf32, #tpu.memory_space<vmem>>, vector<16xf32>,
      %get3A_309 = arith.index_cast %scan3A_91 : i32 to index
      %get3A_310 = arith.constant 576 : index
      %get3A_311 = tpu.vector_load %arg12[%get3A_309, %get3A_310] {strides = array<i32>} : memref<16x1024xf32, #tpu.memory_space<vmem>>, vector<16xf32>,
      %swap3A_312 = arith.index_cast %scan3A_91 : i32 to index
      %swap3A_313 = arith.constant 576 : index
      %swap3A_314 = tpu.vector_load %arg14[%swap3A_312, %swap3A_313] {strides = array<i32>} : memref<16x1000xf32, #tpu.memory_space<vmem>>, vector<16xf32>,
      tpu.vector_store %arg14[%swap3A_312, %swap3A_313], %get3A_311 {strides = array<i32>} : memref<16x1000xf32, #tpu.memory_space<vmem>>, vector<16xf32>,
      %get3A_315 = arith.index_cast %scan3A_91 : i32 to index
      %get3A_316 = arith.constant 592 : index
      %get3A_317 = tpu.vector_load %arg12[%get3A_315, %get3A_316] {strides = array<i32>} : memref<16x1024xf32, #tpu.memory_space<vmem>>, vector<16xf32>,
      %swap3A_318 = arith.index_cast %scan3A_91 : i32 to index
      %swap3A_319 = arith.constant 592 : index
      %swap3A_320 = tpu.vector_load %arg14[%swap3A_318, %swap3A_319] {strides = array<i32>} : memref<16x1000xf32, #tpu.memory_space<vmem>>, vector<16xf32>,
      tpu.vector_store %arg14[%swap3A_318, %swap3A_319], %get3A_317 {strides = array<i32>} : memref<16x1000xf32, #tpu.memory_space<vmem>>, vector<16xf32>,
      %get3A_321 = arith.index_cast %scan3A_91 : i32 to index
      %get3A_322 = arith.constant 608 : index
      %get3A_323 = tpu.vector_load %arg12[%get3A_321, %get3A_322] {strides = array<i32>} : memref<16x1024xf32, #tpu.memory_space<vmem>>, vector<16xf32>,
      %swap3A_324 = arith.index_cast %scan3A_91 : i32 to index
      %swap3A_325 = arith.constant 608 : index
      %swap3A_326 = tpu.vector_load %arg14[%swap3A_324, %swap3A_325] {strides = array<i32>} : memref<16x1000xf32, #tpu.memory_space<vmem>>, vector<16xf32>,
      tpu.vector_store %arg14[%swap3A_324, %swap3A_325], %get3A_323 {strides = array<i32>} : memref<16x1000xf32, #tpu.memory_space<vmem>>, vector<16xf32>,
      %get3A_327 = arith.index_cast %scan3A_91 : i32 to index
      %get3A_328 = arith.constant 624 : index
      %get3A_329 = tpu.vector_load %arg12[%get3A_327, %get3A_328] {strides = array<i32>} : memref<16x1024xf32, #tpu.memory_space<vmem>>, vector<16xf32>,
      %swap3A_330 = arith.index_cast %scan3A_91 : i32 to index
      %swap3A_331 = arith.constant 624 : index
      %swap3A_332 = tpu.vector_load %arg14[%swap3A_330, %swap3A_331] {strides = array<i32>} : memref<16x1000xf32, #tpu.memory_space<vmem>>, vector<16xf32>,
      tpu.vector_store %arg14[%swap3A_330, %swap3A_331], %get3A_329 {strides = array<i32>} : memref<16x1000xf32, #tpu.memory_space<vmem>>, vector<16xf32>,
      %get3A_333 = arith.index_cast %scan3A_91 : i32 to index
      %get3A_334 = arith.constant 640 : index
      %get3A_335 = tpu.vector_load %arg12[%get3A_333, %get3A_334] {strides = array<i32>} : memref<16x1024xf32, #tpu.memory_space<vmem>>, vector<16xf32>,
      %swap3A_336 = arith.index_cast %scan3A_91 : i32 to index
      %swap3A_337 = arith.constant 640 : index
      %swap3A_338 = tpu.vector_load %arg14[%swap3A_336, %swap3A_337] {strides = array<i32>} : memref<16x1000xf32, #tpu.memory_space<vmem>>, vector<16xf32>,
      tpu.vector_store %arg14[%swap3A_336, %swap3A_337], %get3A_335 {strides = array<i32>} : memref<16x1000xf32, #tpu.memory_space<vmem>>, vector<16xf32>,
      %get3A_339 = arith.index_cast %scan3A_91 : i32 to index
      %get3A_340 = arith.constant 656 : index
      %get3A_341 = tpu.vector_load %arg12[%get3A_339, %get3A_340] {strides = array<i32>} : memref<16x1024xf32, #tpu.memory_space<vmem>>, vector<16xf32>,
      %swap3A_342 = arith.index_cast %scan3A_91 : i32 to index
      %swap3A_343 = arith.constant 656 : index
      %swap3A_344 = tpu.vector_load %arg14[%swap3A_342, %swap3A_343] {strides = array<i32>} : memref<16x1000xf32, #tpu.memory_space<vmem>>, vector<16xf32>,
      tpu.vector_store %arg14[%swap3A_342, %swap3A_343], %get3A_341 {strides = array<i32>} : memref<16x1000xf32, #tpu.memory_space<vmem>>, vector<16xf32>,
      %get3A_345 = arith.index_cast %scan3A_91 : i32 to index
      %get3A_346 = arith.constant 672 : index
      %get3A_347 = tpu.vector_load %arg12[%get3A_345, %get3A_346] {strides = array<i32>} : memref<16x1024xf32, #tpu.memory_space<vmem>>, vector<16xf32>,
      %swap3A_348 = arith.index_cast %scan3A_91 : i32 to index
      %swap3A_349 = arith.constant 672 : index
      %swap3A_350 = tpu.vector_load %arg14[%swap3A_348, %swap3A_349] {strides = array<i32>} : memref<16x1000xf32, #tpu.memory_space<vmem>>, vector<16xf32>,
      tpu.vector_store %arg14[%swap3A_348, %swap3A_349], %get3A_347 {strides = array<i32>} : memref<16x1000xf32, #tpu.memory_space<vmem>>, vector<16xf32>,
      %get3A_351 = arith.index_cast %scan3A_91 : i32 to index
      %get3A_352 = arith.constant 688 : index
      %get3A_353 = tpu.vector_load %arg12[%get3A_351, %get3A_352] {strides = array<i32>} : memref<16x1024xf32, #tpu.memory_space<vmem>>, vector<16xf32>,
      %swap3A_354 = arith.index_cast %scan3A_91 : i32 to index
      %swap3A_355 = arith.constant 688 : index
      %swap3A_356 = tpu.vector_load %arg14[%swap3A_354, %swap3A_355] {strides = array<i32>} : memref<16x1000xf32, #tpu.memory_space<vmem>>, vector<16xf32>,
      tpu.vector_store %arg14[%swap3A_354, %swap3A_355], %get3A_353 {strides = array<i32>} : memref<16x1000xf32, #tpu.memory_space<vmem>>, vector<16xf32>,
      %get3A_357 = arith.index_cast %scan3A_91 : i32 to index
      %get3A_358 = arith.constant 704 : index
      %get3A_359 = tpu.vector_load %arg12[%get3A_357, %get3A_358] {strides = array<i32>} : memref<16x1024xf32, #tpu.memory_space<vmem>>, vector<16xf32>,
      %swap3A_360 = arith.index_cast %scan3A_91 : i32 to index
      %swap3A_361 = arith.constant 704 : index
      %swap3A_362 = tpu.vector_load %arg14[%swap3A_360, %swap3A_361] {strides = array<i32>} : memref<16x1000xf32, #tpu.memory_space<vmem>>, vector<16xf32>,
      tpu.vector_store %arg14[%swap3A_360, %swap3A_361], %get3A_359 {strides = array<i32>} : memref<16x1000xf32, #tpu.memory_space<vmem>>, vector<16xf32>,
      %get3A_363 = arith.index_cast %scan3A_91 : i32 to index
      %get3A_364 = arith.constant 720 : index
      %get3A_365 = tpu.vector_load %arg12[%get3A_363, %get3A_364] {strides = array<i32>} : memref<16x1024xf32, #tpu.memory_space<vmem>>, vector<16xf32>,
      %swap3A_366 = arith.index_cast %scan3A_91 : i32 to index
      %swap3A_367 = arith.constant 720 : index
      %swap3A_368 = tpu.vector_load %arg14[%swap3A_366, %swap3A_367] {strides = array<i32>} : memref<16x1000xf32, #tpu.memory_space<vmem>>, vector<16xf32>,
      tpu.vector_store %arg14[%swap3A_366, %swap3A_367], %get3A_365 {strides = array<i32>} : memref<16x1000xf32, #tpu.memory_space<vmem>>, vector<16xf32>,
      %get3A_369 = arith.index_cast %scan3A_91 : i32 to index
      %get3A_370 = arith.constant 736 : index
      %get3A_371 = tpu.vector_load %arg12[%get3A_369, %get3A_370] {strides = array<i32>} : memref<16x1024xf32, #tpu.memory_space<vmem>>, vector<16xf32>,
      %swap3A_372 = arith.index_cast %scan3A_91 : i32 to index
      %swap3A_373 = arith.constant 736 : index
      %swap3A_374 = tpu.vector_load %arg14[%swap3A_372, %swap3A_373] {strides = array<i32>} : memref<16x1000xf32, #tpu.memory_space<vmem>>, vector<16xf32>,
      tpu.vector_store %arg14[%swap3A_372, %swap3A_373], %get3A_371 {strides = array<i32>} : memref<16x1000xf32, #tpu.memory_space<vmem>>, vector<16xf32>,
      %get3A_375 = arith.index_cast %scan3A_91 : i32 to index
      %get3A_376 = arith.constant 752 : index
      %get3A_377 = tpu.vector_load %arg12[%get3A_375, %get3A_376] {strides = array<i32>} : memref<16x1024xf32, #tpu.memory_space<vmem>>, vector<16xf32>,
      %swap3A_378 = arith.index_cast %scan3A_91 : i32 to index
      %swap3A_379 = arith.constant 752 : index
      %swap3A_380 = tpu.vector_load %arg14[%swap3A_378, %swap3A_379] {strides = array<i32>} : memref<16x1000xf32, #tpu.memory_space<vmem>>, vector<16xf32>,
      tpu.vector_store %arg14[%swap3A_378, %swap3A_379], %get3A_377 {strides = array<i32>} : memref<16x1000xf32, #tpu.memory_space<vmem>>, vector<16xf32>,
      %get3A_381 = arith.index_cast %scan3A_91 : i32 to index
      %get3A_382 = arith.constant 768 : index
      %get3A_383 = tpu.vector_load %arg12[%get3A_381, %get3A_382] {strides = array<i32>} : memref<16x1024xf32, #tpu.memory_space<vmem>>, vector<16xf32>,
      %swap3A_384 = arith.index_cast %scan3A_91 : i32 to index
      %swap3A_385 = arith.constant 768 : index
      %swap3A_386 = tpu.vector_load %arg14[%swap3A_384, %swap3A_385] {strides = array<i32>} : memref<16x1000xf32, #tpu.memory_space<vmem>>, vector<16xf32>,
      tpu.vector_store %arg14[%swap3A_384, %swap3A_385], %get3A_383 {strides = array<i32>} : memref<16x1000xf32, #tpu.memory_space<vmem>>, vector<16xf32>,
      %get3A_387 = arith.index_cast %scan3A_91 : i32 to index
      %get3A_388 = arith.constant 784 : index
      %get3A_389 = tpu.vector_load %arg12[%get3A_387, %get3A_388] {strides = array<i32>} : memref<16x1024xf32, #tpu.memory_space<vmem>>, vector<16xf32>,
      %swap3A_390 = arith.index_cast %scan3A_91 : i32 to index
      %swap3A_391 = arith.constant 784 : index
      %swap3A_392 = tpu.vector_load %arg14[%swap3A_390, %swap3A_391] {strides = array<i32>} : memref<16x1000xf32, #tpu.memory_space<vmem>>, vector<16xf32>,
      tpu.vector_store %arg14[%swap3A_390, %swap3A_391], %get3A_389 {strides = array<i32>} : memref<16x1000xf32, #tpu.memory_space<vmem>>, vector<16xf32>,
      %get3A_393 = arith.index_cast %scan3A_91 : i32 to index
      %get3A_394 = arith.constant 800 : index
      %get3A_395 = tpu.vector_load %arg12[%get3A_393, %get3A_394] {strides = array<i32>} : memref<16x1024xf32, #tpu.memory_space<vmem>>, vector<16xf32>,
      %swap3A_396 = arith.index_cast %scan3A_91 : i32 to index
      %swap3A_397 = arith.constant 800 : index
      %swap3A_398 = tpu.vector_load %arg14[%swap3A_396, %swap3A_397] {strides = array<i32>} : memref<16x1000xf32, #tpu.memory_space<vmem>>, vector<16xf32>,
      tpu.vector_store %arg14[%swap3A_396, %swap3A_397], %get3A_395 {strides = array<i32>} : memref<16x1000xf32, #tpu.memory_space<vmem>>, vector<16xf32>,
      %get3A_399 = arith.index_cast %scan3A_91 : i32 to index
      %get3A_400 = arith.constant 816 : index
      %get3A_401 = tpu.vector_load %arg12[%get3A_399, %get3A_400] {strides = array<i32>} : memref<16x1024xf32, #tpu.memory_space<vmem>>, vector<16xf32>,
      %swap3A_402 = arith.index_cast %scan3A_91 : i32 to index
      %swap3A_403 = arith.constant 816 : index
      %swap3A_404 = tpu.vector_load %arg14[%swap3A_402, %swap3A_403] {strides = array<i32>} : memref<16x1000xf32, #tpu.memory_space<vmem>>, vector<16xf32>,
      tpu.vector_store %arg14[%swap3A_402, %swap3A_403], %get3A_401 {strides = array<i32>} : memref<16x1000xf32, #tpu.memory_space<vmem>>, vector<16xf32>,
      %get3A_405 = arith.index_cast %scan3A_91 : i32 to index
      %get3A_406 = arith.constant 832 : index
      %get3A_407 = tpu.vector_load %arg12[%get3A_405, %get3A_406] {strides = array<i32>} : memref<16x1024xf32, #tpu.memory_space<vmem>>, vector<16xf32>,
      %swap3A_408 = arith.index_cast %scan3A_91 : i32 to index
      %swap3A_409 = arith.constant 832 : index
      %swap3A_410 = tpu.vector_load %arg14[%swap3A_408, %swap3A_409] {strides = array<i32>} : memref<16x1000xf32, #tpu.memory_space<vmem>>, vector<16xf32>,
      tpu.vector_store %arg14[%swap3A_408, %swap3A_409], %get3A_407 {strides = array<i32>} : memref<16x1000xf32, #tpu.memory_space<vmem>>, vector<16xf32>,
      %get3A_411 = arith.index_cast %scan3A_91 : i32 to index
      %get3A_412 = arith.constant 848 : index
      %get3A_413 = tpu.vector_load %arg12[%get3A_411, %get3A_412] {strides = array<i32>} : memref<16x1024xf32, #tpu.memory_space<vmem>>, vector<16xf32>,
      %swap3A_414 = arith.index_cast %scan3A_91 : i32 to index
      %swap3A_415 = arith.constant 848 : index
      %swap3A_416 = tpu.vector_load %arg14[%swap3A_414, %swap3A_415] {strides = array<i32>} : memref<16x1000xf32, #tpu.memory_space<vmem>>, vector<16xf32>,
      tpu.vector_store %arg14[%swap3A_414, %swap3A_415], %get3A_413 {strides = array<i32>} : memref<16x1000xf32, #tpu.memory_space<vmem>>, vector<16xf32>,
      %get3A_417 = arith.index_cast %scan3A_91 : i32 to index
      %get3A_418 = arith.constant 864 : index
      %get3A_419 = tpu.vector_load %arg12[%get3A_417, %get3A_418] {strides = array<i32>} : memref<16x1024xf32, #tpu.memory_space<vmem>>, vector<16xf32>,
      %swap3A_420 = arith.index_cast %scan3A_91 : i32 to index
      %swap3A_421 = arith.constant 864 : index
      %swap3A_422 = tpu.vector_load %arg14[%swap3A_420, %swap3A_421] {strides = array<i32>} : memref<16x1000xf32, #tpu.memory_space<vmem>>, vector<16xf32>,
      tpu.vector_store %arg14[%swap3A_420, %swap3A_421], %get3A_419 {strides = array<i32>} : memref<16x1000xf32, #tpu.memory_space<vmem>>, vector<16xf32>,
      %get3A_423 = arith.index_cast %scan3A_91 : i32 to index
      %get3A_424 = arith.constant 880 : index
      %get3A_425 = tpu.vector_load %arg12[%get3A_423, %get3A_424] {strides = array<i32>} : memref<16x1024xf32, #tpu.memory_space<vmem>>, vector<16xf32>,
      %swap3A_426 = arith.index_cast %scan3A_91 : i32 to index
      %swap3A_427 = arith.constant 880 : index
      %swap3A_428 = tpu.vector_load %arg14[%swap3A_426, %swap3A_427] {strides = array<i32>} : memref<16x1000xf32, #tpu.memory_space<vmem>>, vector<16xf32>,
      tpu.vector_store %arg14[%swap3A_426, %swap3A_427], %get3A_425 {strides = array<i32>} : memref<16x1000xf32, #tpu.memory_space<vmem>>, vector<16xf32>,
      %get3A_429 = arith.index_cast %scan3A_91 : i32 to index
      %get3A_430 = arith.constant 896 : index
      %get3A_431 = tpu.vector_load %arg12[%get3A_429, %get3A_430] {strides = array<i32>} : memref<16x1024xf32, #tpu.memory_space<vmem>>, vector<16xf32>,
      %swap3A_432 = arith.index_cast %scan3A_91 : i32 to index
      %swap3A_433 = arith.constant 896 : index
      %swap3A_434 = tpu.vector_load %arg14[%swap3A_432, %swap3A_433] {strides = array<i32>} : memref<16x1000xf32, #tpu.memory_space<vmem>>, vector<16xf32>,
      tpu.vector_store %arg14[%swap3A_432, %swap3A_433], %get3A_431 {strides = array<i32>} : memref<16x1000xf32, #tpu.memory_space<vmem>>, vector<16xf32>,
      %get3A_435 = arith.index_cast %scan3A_91 : i32 to index
      %get3A_436 = arith.constant 912 : index
      %get3A_437 = tpu.vector_load %arg12[%get3A_435, %get3A_436] {strides = array<i32>} : memref<16x1024xf32, #tpu.memory_space<vmem>>, vector<16xf32>,
      %swap3A_438 = arith.index_cast %scan3A_91 : i32 to index
      %swap3A_439 = arith.constant 912 : index
      %swap3A_440 = tpu.vector_load %arg14[%swap3A_438, %swap3A_439] {strides = array<i32>} : memref<16x1000xf32, #tpu.memory_space<vmem>>, vector<16xf32>,
      tpu.vector_store %arg14[%swap3A_438, %swap3A_439], %get3A_437 {strides = array<i32>} : memref<16x1000xf32, #tpu.memory_space<vmem>>, vector<16xf32>,
      %get3A_441 = arith.index_cast %scan3A_91 : i32 to index
      %get3A_442 = arith.constant 928 : index
      %get3A_443 = tpu.vector_load %arg12[%get3A_441, %get3A_442] {strides = array<i32>} : memref<16x1024xf32, #tpu.memory_space<vmem>>, vector<16xf32>,
      %swap3A_444 = arith.index_cast %scan3A_91 : i32 to index
      %swap3A_445 = arith.constant 928 : index
      %swap3A_446 = tpu.vector_load %arg14[%swap3A_444, %swap3A_445] {strides = array<i32>} : memref<16x1000xf32, #tpu.memory_space<vmem>>, vector<16xf32>,
      tpu.vector_store %arg14[%swap3A_444, %swap3A_445], %get3A_443 {strides = array<i32>} : memref<16x1000xf32, #tpu.memory_space<vmem>>, vector<16xf32>,
      %get3A_447 = arith.index_cast %scan3A_91 : i32 to index
      %get3A_448 = arith.constant 944 : index
      %get3A_449 = tpu.vector_load %arg12[%get3A_447, %get3A_448] {strides = array<i32>} : memref<16x1024xf32, #tpu.memory_space<vmem>>, vector<16xf32>,
      %swap3A_450 = arith.index_cast %scan3A_91 : i32 to index
      %swap3A_451 = arith.constant 944 : index
      %swap3A_452 = tpu.vector_load %arg14[%swap3A_450, %swap3A_451] {strides = array<i32>} : memref<16x1000xf32, #tpu.memory_space<vmem>>, vector<16xf32>,
      tpu.vector_store %arg14[%swap3A_450, %swap3A_451], %get3A_449 {strides = array<i32>} : memref<16x1000xf32, #tpu.memory_space<vmem>>, vector<16xf32>,
      %get3A_453 = arith.index_cast %scan3A_91 : i32 to index
      %get3A_454 = arith.constant 960 : index
      %get3A_455 = tpu.vector_load %arg12[%get3A_453, %get3A_454] {strides = array<i32>} : memref<16x1024xf32, #tpu.memory_space<vmem>>, vector<16xf32>,
      %swap3A_456 = arith.index_cast %scan3A_91 : i32 to index
      %swap3A_457 = arith.constant 960 : index
      %swap3A_458 = tpu.vector_load %arg14[%swap3A_456, %swap3A_457] {strides = array<i32>} : memref<16x1000xf32, #tpu.memory_space<vmem>>, vector<16xf32>,
      tpu.vector_store %arg14[%swap3A_456, %swap3A_457], %get3A_455 {strides = array<i32>} : memref<16x1000xf32, #tpu.memory_space<vmem>>, vector<16xf32>,
      %get3A_459 = arith.index_cast %scan3A_91 : i32 to index
      %get3A_460 = arith.constant 976 : index
      %get3A_461 = tpu.vector_load %arg12[%get3A_459, %get3A_460] {strides = array<i32>} : memref<16x1024xf32, #tpu.memory_space<vmem>>, vector<16xf32>,
      %swap3A_462 = arith.index_cast %scan3A_91 : i32 to index
      %swap3A_463 = arith.constant 976 : index
      %swap3A_464 = tpu.vector_load %arg14[%swap3A_462, %swap3A_463] {strides = array<i32>} : memref<16x1000xf32, #tpu.memory_space<vmem>>, vector<16xf32>,
      tpu.vector_store %arg14[%swap3A_462, %swap3A_463], %get3A_461 {strides = array<i32>} : memref<16x1000xf32, #tpu.memory_space<vmem>>, vector<16xf32>,
      %get3A_465 = arith.index_cast %scan3A_91 : i32 to index
      %get3A_466 = arith.constant 984 : index
      %get3A_467 = tpu.vector_load %arg12[%get3A_465, %get3A_466] {strides = array<i32>} : memref<16x1024xf32, #tpu.memory_space<vmem>>, vector<16xf32>,
      %swap3A_468 = arith.index_cast %scan3A_91 : i32 to index
      %swap3A_469 = arith.constant 984 : index
      %swap3A_470 = tpu.vector_load %arg14[%swap3A_468, %swap3A_469] {strides = array<i32>} : memref<16x1000xf32, #tpu.memory_space<vmem>>, vector<16xf32>,
      tpu.vector_store %arg14[%swap3A_468, %swap3A_469], %get3A_467 {strides = array<i32>} : memref<16x1000xf32, #tpu.memory_space<vmem>>, vector<16xf32>,
      %scan3A_471 = arith.constant 0 : i32
      scf.yield %scan3A_471 : i32
    }
    %scan3A_50 = arith.constant 16 : i32
    %get3A_51 = arith.constant 16 : index
    %get3A_52 = tpu.vector_load %arg8[%get3A_51] {strides = array<i32>} : memref<1600xi32, #tpu.memory_space<vmem>>, vector<16xi32>,
    %get3A_53 = arith.constant 16 : index
    %get3A_54 = tpu.vector_load %arg9[%get3A_53] {strides = array<i32>} : memref<1600xi32, #tpu.memory_space<vmem>>, vector<16xi32>,
    %gather3A_55 = tpu.vector_load_idx %arg12[%iota3A, %get3A_54] : memref<16x1024xf32, #tpu.memory_space<vmem>>[vector<16xi32>, vector<16xi32>], vector<16xf32>,
    %gather3A_56 = tpu.vector_load_idx %arg10[%get3A_52] : memref<1000xf32, #tpu.memory_space<vmem>>[vector<16xi32>], vector<16xf32>,
    %sub3A_57 = arith.subf %gather3A_56, %gather3A_55 : vector<16xf32>
    %add3A_58 = arith.addf %add3A_27, %sub3A_57 : vector<16xf32>
    %add3A_59 = arith.constant 16 : i32
    %add3A_60 = arith.addi %mul3A_2, %add3A_59 : i32
    %dma_start3A_61 = arith.constant 0 : i32
    %dma_start3A_62 = tpu.memref_slice %arg6[%add3A_60, %dma_start3A_61] : memref<51200x1000xf32, #tpu.memory_space<hbm>> -> memref<16x1000xf32, #tpu.memory_space<hbm>>
    %dma_start3A_63 = arith.constant 0 : i32
    %dma_start3A_64 = tpu.memref_slice %arg6[%add3A_60, %dma_start3A_63] : memref<51200x1000xf32, #tpu.memory_space<hbm>> -> memref<16x1000xf32, #tpu.memory_space<hbm>>
    tpu.enqueue_dma source(%arg14 : memref<16x1000xf32, #tpu.memory_space<vmem>>) target(%dma_start3A_64 : memref<16x1000xf32, #tpu.memory_space<hbm>>) target_semaphore(%arg19 : memref<!tpu.dma_semaphore, #tpu.memory_space<semaphore_mem>>)
    %dma_start3A_65 = arith.constant 48 : i32
    %dma_start3A_66 = tpu.memref_slice %arg8[%dma_start3A_65] : memref<1600xi32, #tpu.memory_space<vmem>> -> memref<16xi32, #tpu.memory_space<vmem>>
    %dma_start3A_67 = arith.constant 0 : i32
    %dma_start3A_68 = arith.constant 0 : i32
    %dma_start3A_69 = tpu.memref_slice %arg2[%dma_start3A_67, %dma_start3A_68] : memref<1000x1024xf32, #tpu.memory_space<hbm>> -> memref<1000x1024xf32, #tpu.memory_space<hbm>>
    tpu.enqueue_indirect_dma source(%dma_start3A_69 : memref<1000x1024xf32, #tpu.memory_space<hbm>>) target(%arg12 : memref<16x1024xf32, #tpu.memory_space<vmem>>) offsets(%dma_start3A_66 : memref<16xi32, #tpu.memory_space<vmem>>) semaphore(%arg17 : memref<!tpu.dma_semaphore, #tpu.memory_space<semaphore_mem>>)
    %scan3A_70 = arith.constant 0 : i32
    %scan3A_71 = arith.constant 49 : i32
    %scan3A_72 = arith.addi %scan3A_70, %scan3A_71 : i32
    %scan3A_73 = arith.constant 1 : i32
    %scan3A_74 = scf.for %scan3A_91 = %scan3A_70 to %scan3A_72 step %scan3A_73 iter_args(%scan3A_92 = %add3A_58) -> (vector<16xf32>)  : i32 {
      %mul3A_93 = arith.constant 2 : i32
      %mul3A_94 = arith.muli %scan3A_91, %mul3A_93 : i32
      %add3A_95 = arith.constant 2 : i32
      %add3A_96 = arith.addi %add3A_95, %mul3A_94 : i32
      %add3A_97 = arith.constant 0 : i32
      %add3A_98 = arith.addi %add3A_96, %add3A_97 : i32
      %mul3A_99 = arith.constant 16 : i32
      %mul3A_100 = arith.muli %add3A_98, %mul3A_99 : i32
      %dma_wait3A_101 = tpu.memref_slice %arg8[%mul3A_100] : memref<1600xi32, #tpu.memory_space<vmem>> -> memref<16xi32, #tpu.memory_space<vmem>>
      %dma_wait3A_102 = arith.constant 0 : i32
      %dma_wait3A_103 = arith.constant 0 : i32
      %dma_wait3A_104 = tpu.memref_slice %arg2[%dma_wait3A_102, %dma_wait3A_103] : memref<1000x1024xf32, #tpu.memory_space<hbm>> -> memref<1000x1024xf32, #tpu.memory_space<hbm>>
      tpu.wait_indirect_dma semaphore(%arg16 : memref<!tpu.dma_semaphore, #tpu.memory_space<semaphore_mem>>) src(%dma_wait3A_104 : memref<1000x1024xf32, #tpu.memory_space<hbm>>) dst(%arg11 : memref<16x1024xf32, #tpu.memory_space<vmem>>)
      %sub3A_105 = arith.constant 2 : i32
      %sub3A_106 = arith.subi %add3A_98, %sub3A_105 : i32
      %mul3A_107 = arith.constant 16 : i32
      %mul3A_108 = arith.muli %sub3A_106, %mul3A_107 : i32
      %add3A_109 = arith.addi %mul3A_2, %mul3A_108 : i32
      %dma_wait3A_110 = arith.constant 0 : i32
      %dma_wait3A_111 = tpu.memref_slice %arg6[%add3A_109, %dma_wait3A_110] : memref<51200x1000xf32, #tpu.memory_space<hbm>> -> memref<16x1000xf32, #tpu.memory_space<hbm>>
      %dma_wait3A_112 = arith.constant 0 : i32
      %dma_wait3A_113 = tpu.memref_slice %arg6[%add3A_109, %dma_wait3A_112] : memref<51200x1000xf32, #tpu.memory_space<hbm>> -> memref<16x1000xf32, #tpu.memory_space<hbm>>
      tpu.wait_dma2 semaphore(%arg18 : memref<!tpu.dma_semaphore, #tpu.memory_space<semaphore_mem>>) src(%arg13 : memref<16x1000xf32, #tpu.memory_space<vmem>>) dst(%dma_wait3A_113 : memref<16x1000xf32, #tpu.memory_space<hbm>>)
      %scan3A_114 = arith.constant 0 : i32
      %scan3A_115 = arith.constant 0 : i32
      %scan3A_116 = arith.constant 16 : i32
      %scan3A_117 = arith.addi %scan3A_115, %scan3A_116 : i32
      %scan3A_118 = arith.constant 1 : i32
      %scan3A_119 = scf.for %scan3A_198 = %scan3A_115 to %scan3A_117 step %scan3A_118 iter_args(%scan3A_199 = %scan3A_114) -> (i32)  : i32 {
        %get3A_200 = arith.index_cast %scan3A_198 : i32 to index
        %get3A_201 = arith.constant 0 : index
        %get3A_202 = tpu.vector_load %arg11[%get3A_200, %get3A_201] {strides = array<i32>} : memref<16x1024xf32, #tpu.memory_space<vmem>>, vector<16xf32>,
        %swap3A_203 = arith.index_cast %scan3A_198 : i32 to index
        %swap3A_204 = arith.constant 0 : index
        %swap3A_205 = tpu.vector_load %arg13[%swap3A_203, %swap3A_204] {strides = array<i32>} : memref<16x1000xf32, #tpu.memory_space<vmem>>, vector<16xf32>,
        tpu.vector_store %arg13[%swap3A_203, %swap3A_204], %get3A_202 {strides = array<i32>} : memref<16x1000xf32, #tpu.memory_space<vmem>>, vector<16xf32>,
        %get3A_206 = arith.index_cast %scan3A_198 : i32 to index
        %get3A_207 = arith.constant 16 : index
        %get3A_208 = tpu.vector_load %arg11[%get3A_206, %get3A_207] {strides = array<i32>} : memref<16x1024xf32, #tpu.memory_space<vmem>>, vector<16xf32>,
        %swap3A_209 = arith.index_cast %scan3A_198 : i32 to index
        %swap3A_210 = arith.constant 16 : index
        %swap3A_211 = tpu.vector_load %arg13[%swap3A_209, %swap3A_210] {strides = array<i32>} : memref<16x1000xf32, #tpu.memory_space<vmem>>, vector<16xf32>,
        tpu.vector_store %arg13[%swap3A_209, %swap3A_210], %get3A_208 {strides = array<i32>} : memref<16x1000xf32, #tpu.memory_space<vmem>>, vector<16xf32>,
        %get3A_212 = arith.index_cast %scan3A_198 : i32 to index
        %get3A_213 = arith.constant 32 : index
        %get3A_214 = tpu.vector_load %arg11[%get3A_212, %get3A_213] {strides = array<i32>} : memref<16x1024xf32, #tpu.memory_space<vmem>>, vector<16xf32>,
        %swap3A_215 = arith.index_cast %scan3A_198 : i32 to index
        %swap3A_216 = arith.constant 32 : index
        %swap3A_217 = tpu.vector_load %arg13[%swap3A_215, %swap3A_216] {strides = array<i32>} : memref<16x1000xf32, #tpu.memory_space<vmem>>, vector<16xf32>,
        tpu.vector_store %arg13[%swap3A_215, %swap3A_216], %get3A_214 {strides = array<i32>} : memref<16x1000xf32, #tpu.memory_space<vmem>>, vector<16xf32>,
        %get3A_218 = arith.index_cast %scan3A_198 : i32 to index
        %get3A_219 = arith.constant 48 : index
        %get3A_220 = tpu.vector_load %arg11[%get3A_218, %get3A_219] {strides = array<i32>} : memref<16x1024xf32, #tpu.memory_space<vmem>>, vector<16xf32>,
        %swap3A_221 = arith.index_cast %scan3A_198 : i32 to index
        %swap3A_222 = arith.constant 48 : index
        %swap3A_223 = tpu.vector_load %arg13[%swap3A_221, %swap3A_222] {strides = array<i32>} : memref<16x1000xf32, #tpu.memory_space<vmem>>, vector<16xf32>,
        tpu.vector_store %arg13[%swap3A_221, %swap3A_222], %get3A_220 {strides = array<i32>} : memref<16x1000xf32, #tpu.memory_space<vmem>>, vector<16xf32>,
        %get3A_224 = arith.index_cast %scan3A_198 : i32 to index
        %get3A_225 = arith.constant 64 : index
        %get3A_226 = tpu.vector_load %arg11[%get3A_224, %get3A_225] {strides = array<i32>} : memref<16x1024xf32, #tpu.memory_space<vmem>>, vector<16xf32>,
        %swap3A_227 = arith.index_cast %scan3A_198 : i32 to index
        %swap3A_228 = arith.constant 64 : index
        %swap3A_229 = tpu.vector_load %arg13[%swap3A_227, %swap3A_228] {strides = array<i32>} : memref<16x1000xf32, #tpu.memory_space<vmem>>, vector<16xf32>,
        tpu.vector_store %arg13[%swap3A_227, %swap3A_228], %get3A_226 {strides = array<i32>} : memref<16x1000xf32, #tpu.memory_space<vmem>>, vector<16xf32>,
        %get3A_230 = arith.index_cast %scan3A_198 : i32 to index
        %get3A_231 = arith.constant 80 : index
        %get3A_232 = tpu.vector_load %arg11[%get3A_230, %get3A_231] {strides = array<i32>} : memref<16x1024xf32, #tpu.memory_space<vmem>>, vector<16xf32>,
        %swap3A_233 = arith.index_cast %scan3A_198 : i32 to index
        %swap3A_234 = arith.constant 80 : index
        %swap3A_235 = tpu.vector_load %arg13[%swap3A_233, %swap3A_234] {strides = array<i32>} : memref<16x1000xf32, #tpu.memory_space<vmem>>, vector<16xf32>,
        tpu.vector_store %arg13[%swap3A_233, %swap3A_234], %get3A_232 {strides = array<i32>} : memref<16x1000xf32, #tpu.memory_space<vmem>>, vector<16xf32>,
        %get3A_236 = arith.index_cast %scan3A_198 : i32 to index
        %get3A_237 = arith.constant 96 : index
        %get3A_238 = tpu.vector_load %arg11[%get3A_236, %get3A_237] {strides = array<i32>} : memref<16x1024xf32, #tpu.memory_space<vmem>>, vector<16xf32>,
        %swap3A_239 = arith.index_cast %scan3A_198 : i32 to index
        %swap3A_240 = arith.constant 96 : index
        %swap3A_241 = tpu.vector_load %arg13[%swap3A_239, %swap3A_240] {strides = array<i32>} : memref<16x1000xf32, #tpu.memory_space<vmem>>, vector<16xf32>,
        tpu.vector_store %arg13[%swap3A_239, %swap3A_240], %get3A_238 {strides = array<i32>} : memref<16x1000xf32, #tpu.memory_space<vmem>>, vector<16xf32>,
        %get3A_242 = arith.index_cast %scan3A_198 : i32 to index
        %get3A_243 = arith.constant 112 : index
        %get3A_244 = tpu.vector_load %arg11[%get3A_242, %get3A_243] {strides = array<i32>} : memref<16x1024xf32, #tpu.memory_space<vmem>>, vector<16xf32>,
        %swap3A_245 = arith.index_cast %scan3A_198 : i32 to index
        %swap3A_246 = arith.constant 112 : index
        %swap3A_247 = tpu.vector_load %arg13[%swap3A_245, %swap3A_246] {strides = array<i32>} : memref<16x1000xf32, #tpu.memory_space<vmem>>, vector<16xf32>,
        tpu.vector_store %arg13[%swap3A_245, %swap3A_246], %get3A_244 {strides = array<i32>} : memref<16x1000xf32, #tpu.memory_space<vmem>>, vector<16xf32>,
        %get3A_248 = arith.index_cast %scan3A_198 : i32 to index
        %get3A_249 = arith.constant 128 : index
        %get3A_250 = tpu.vector_load %arg11[%get3A_248, %get3A_249] {strides = array<i32>} : memref<16x1024xf32, #tpu.memory_space<vmem>>, vector<16xf32>,
        %swap3A_251 = arith.index_cast %scan3A_198 : i32 to index
        %swap3A_252 = arith.constant 128 : index
        %swap3A_253 = tpu.vector_load %arg13[%swap3A_251, %swap3A_252] {strides = array<i32>} : memref<16x1000xf32, #tpu.memory_space<vmem>>, vector<16xf32>,
        tpu.vector_store %arg13[%swap3A_251, %swap3A_252], %get3A_250 {strides = array<i32>} : memref<16x1000xf32, #tpu.memory_space<vmem>>, vector<16xf32>,
        %get3A_254 = arith.index_cast %scan3A_198 : i32 to index
        %get3A_255 = arith.constant 144 : index
        %get3A_256 = tpu.vector_load %arg11[%get3A_254, %get3A_255] {strides = array<i32>} : memref<16x1024xf32, #tpu.memory_space<vmem>>, vector<16xf32>,
        %swap3A_257 = arith.index_cast %scan3A_198 : i32 to index
        %swap3A_258 = arith.constant 144 : index
        %swap3A_259 = tpu.vector_load %arg13[%swap3A_257, %swap3A_258] {strides = array<i32>} : memref<16x1000xf32, #tpu.memory_space<vmem>>, vector<16xf32>,
        tpu.vector_store %arg13[%swap3A_257, %swap3A_258], %get3A_256 {strides = array<i32>} : memref<16x1000xf32, #tpu.memory_space<vmem>>, vector<16xf32>,
        %get3A_260 = arith.index_cast %scan3A_198 : i32 to index
        %get3A_261 = arith.constant 160 : index
        %get3A_262 = tpu.vector_load %arg11[%get3A_260, %get3A_261] {strides = array<i32>} : memref<16x1024xf32, #tpu.memory_space<vmem>>, vector<16xf32>,
        %swap3A_263 = arith.index_cast %scan3A_198 : i32 to index
        %swap3A_264 = arith.constant 160 : index
        %swap3A_265 = tpu.vector_load %arg13[%swap3A_263, %swap3A_264] {strides = array<i32>} : memref<16x1000xf32, #tpu.memory_space<vmem>>, vector<16xf32>,
        tpu.vector_store %arg13[%swap3A_263, %swap3A_264], %get3A_262 {strides = array<i32>} : memref<16x1000xf32, #tpu.memory_space<vmem>>, vector<16xf32>,
        %get3A_266 = arith.index_cast %scan3A_198 : i32 to index
        %get3A_267 = arith.constant 176 : index
        %get3A_268 = tpu.vector_load %arg11[%get3A_266, %get3A_267] {strides = array<i32>} : memref<16x1024xf32, #tpu.memory_space<vmem>>, vector<16xf32>,
        %swap3A_269 = arith.index_cast %scan3A_198 : i32 to index
        %swap3A_270 = arith.constant 176 : index
        %swap3A_271 = tpu.vector_load %arg13[%swap3A_269, %swap3A_270] {strides = array<i32>} : memref<16x1000xf32, #tpu.memory_space<vmem>>, vector<16xf32>,
        tpu.vector_store %arg13[%swap3A_269, %swap3A_270], %get3A_268 {strides = array<i32>} : memref<16x1000xf32, #tpu.memory_space<vmem>>, vector<16xf32>,
        %get3A_272 = arith.index_cast %scan3A_198 : i32 to index
        %get3A_273 = arith.constant 192 : index
        %get3A_274 = tpu.vector_load %arg11[%get3A_272, %get3A_273] {strides = array<i32>} : memref<16x1024xf32, #tpu.memory_space<vmem>>, vector<16xf32>,
        %swap3A_275 = arith.index_cast %scan3A_198 : i32 to index
        %swap3A_276 = arith.constant 192 : index
        %swap3A_277 = tpu.vector_load %arg13[%swap3A_275, %swap3A_276] {strides = array<i32>} : memref<16x1000xf32, #tpu.memory_space<vmem>>, vector<16xf32>,
        tpu.vector_store %arg13[%swap3A_275, %swap3A_276], %get3A_274 {strides = array<i32>} : memref<16x1000xf32, #tpu.memory_space<vmem>>, vector<16xf32>,
        %get3A_278 = arith.index_cast %scan3A_198 : i32 to index
        %get3A_279 = arith.constant 208 : index
        %get3A_280 = tpu.vector_load %arg11[%get3A_278, %get3A_279] {strides = array<i32>} : memref<16x1024xf32, #tpu.memory_space<vmem>>, vector<16xf32>,
        %swap3A_281 = arith.index_cast %scan3A_198 : i32 to index
        %swap3A_282 = arith.constant 208 : index
        %swap3A_283 = tpu.vector_load %arg13[%swap3A_281, %swap3A_282] {strides = array<i32>} : memref<16x1000xf32, #tpu.memory_space<vmem>>, vector<16xf32>,
        tpu.vector_store %arg13[%swap3A_281, %swap3A_282], %get3A_280 {strides = array<i32>} : memref<16x1000xf32, #tpu.memory_space<vmem>>, vector<16xf32>,
        %get3A_284 = arith.index_cast %scan3A_198 : i32 to index
        %get3A_285 = arith.constant 224 : index
        %get3A_286 = tpu.vector_load %arg11[%get3A_284, %get3A_285] {strides = array<i32>} : memref<16x1024xf32, #tpu.memory_space<vmem>>, vector<16xf32>,
        %swap3A_287 = arith.index_cast %scan3A_198 : i32 to index
        %swap3A_288 = arith.constant 224 : index
        %swap3A_289 = tpu.vector_load %arg13[%swap3A_287, %swap3A_288] {strides = array<i32>} : memref<16x1000xf32, #tpu.memory_space<vmem>>, vector<16xf32>,
        tpu.vector_store %arg13[%swap3A_287, %swap3A_288], %get3A_286 {strides = array<i32>} : memref<16x1000xf32, #tpu.memory_space<vmem>>, vector<16xf32>,
        %get3A_290 = arith.index_cast %scan3A_198 : i32 to index
        %get3A_291 = arith.constant 240 : index
        %get3A_292 = tpu.vector_load %arg11[%get3A_290, %get3A_291] {strides = array<i32>} : memref<16x1024xf32, #tpu.memory_space<vmem>>, vector<16xf32>,
        %swap3A_293 = arith.index_cast %scan3A_198 : i32 to index
        %swap3A_294 = arith.constant 240 : index
        %swap3A_295 = tpu.vector_load %arg13[%swap3A_293, %swap3A_294] {strides = array<i32>} : memref<16x1000xf32, #tpu.memory_space<vmem>>, vector<16xf32>,
        tpu.vector_store %arg13[%swap3A_293, %swap3A_294], %get3A_292 {strides = array<i32>} : memref<16x1000xf32, #tpu.memory_space<vmem>>, vector<16xf32>,
        %get3A_296 = arith.index_cast %scan3A_198 : i32 to index
        %get3A_297 = arith.constant 256 : index
        %get3A_298 = tpu.vector_load %arg11[%get3A_296, %get3A_297] {strides = array<i32>} : memref<16x1024xf32, #tpu.memory_space<vmem>>, vector<16xf32>,
        %swap3A_299 = arith.index_cast %scan3A_198 : i32 to index
        %swap3A_300 = arith.constant 256 : index
        %swap3A_301 = tpu.vector_load %arg13[%swap3A_299, %swap3A_300] {strides = array<i32>} : memref<16x1000xf32, #tpu.memory_space<vmem>>, vector<16xf32>,
        tpu.vector_store %arg13[%swap3A_299, %swap3A_300], %get3A_298 {strides = array<i32>} : memref<16x1000xf32, #tpu.memory_space<vmem>>, vector<16xf32>,
        %get3A_302 = arith.index_cast %scan3A_198 : i32 to index
        %get3A_303 = arith.constant 272 : index
        %get3A_304 = tpu.vector_load %arg11[%get3A_302, %get3A_303] {strides = array<i32>} : memref<16x1024xf32, #tpu.memory_space<vmem>>, vector<16xf32>,
        %swap3A_305 = arith.index_cast %scan3A_198 : i32 to index
        %swap3A_306 = arith.constant 272 : index
        %swap3A_307 = tpu.vector_load %arg13[%swap3A_305, %swap3A_306] {strides = array<i32>} : memref<16x1000xf32, #tpu.memory_space<vmem>>, vector<16xf32>,
        tpu.vector_store %arg13[%swap3A_305, %swap3A_306], %get3A_304 {strides = array<i32>} : memref<16x1000xf32, #tpu.memory_space<vmem>>, vector<16xf32>,
        %get3A_308 = arith.index_cast %scan3A_198 : i32 to index
        %get3A_309 = arith.constant 288 : index
        %get3A_310 = tpu.vector_load %arg11[%get3A_308, %get3A_309] {strides = array<i32>} : memref<16x1024xf32, #tpu.memory_space<vmem>>, vector<16xf32>,
        %swap3A_311 = arith.index_cast %scan3A_198 : i32 to index
        %swap3A_312 = arith.constant 288 : index
        %swap3A_313 = tpu.vector_load %arg13[%swap3A_311, %swap3A_312] {strides = array<i32>} : memref<16x1000xf32, #tpu.memory_space<vmem>>, vector<16xf32>,
        tpu.vector_store %arg13[%swap3A_311, %swap3A_312], %get3A_310 {strides = array<i32>} : memref<16x1000xf32, #tpu.memory_space<vmem>>, vector<16xf32>,
        %get3A_314 = arith.index_cast %scan3A_198 : i32 to index
        %get3A_315 = arith.constant 304 : index
        %get3A_316 = tpu.vector_load %arg11[%get3A_314, %get3A_315] {strides = array<i32>} : memref<16x1024xf32, #tpu.memory_space<vmem>>, vector<16xf32>,
        %swap3A_317 = arith.index_cast %scan3A_198 : i32 to index
        %swap3A_318 = arith.constant 304 : index
        %swap3A_319 = tpu.vector_load %arg13[%swap3A_317, %swap3A_318] {strides = array<i32>} : memref<16x1000xf32, #tpu.memory_space<vmem>>, vector<16xf32>,
        tpu.vector_store %arg13[%swap3A_317, %swap3A_318], %get3A_316 {strides = array<i32>} : memref<16x1000xf32, #tpu.memory_space<vmem>>, vector<16xf32>,
        %get3A_320 = arith.index_cast %scan3A_198 : i32 to index
        %get3A_321 = arith.constant 320 : index
        %get3A_322 = tpu.vector_load %arg11[%get3A_320, %get3A_321] {strides = array<i32>} : memref<16x1024xf32, #tpu.memory_space<vmem>>, vector<16xf32>,
        %swap3A_323 = arith.index_cast %scan3A_198 : i32 to index
        %swap3A_324 = arith.constant 320 : index
        %swap3A_325 = tpu.vector_load %arg13[%swap3A_323, %swap3A_324] {strides = array<i32>} : memref<16x1000xf32, #tpu.memory_space<vmem>>, vector<16xf32>,
        tpu.vector_store %arg13[%swap3A_323, %swap3A_324], %get3A_322 {strides = array<i32>} : memref<16x1000xf32, #tpu.memory_space<vmem>>, vector<16xf32>,
        %get3A_326 = arith.index_cast %scan3A_198 : i32 to index
        %get3A_327 = arith.constant 336 : index
        %get3A_328 = tpu.vector_load %arg11[%get3A_326, %get3A_327] {strides = array<i32>} : memref<16x1024xf32, #tpu.memory_space<vmem>>, vector<16xf32>,
        %swap3A_329 = arith.index_cast %scan3A_198 : i32 to index
        %swap3A_330 = arith.constant 336 : index
        %swap3A_331 = tpu.vector_load %arg13[%swap3A_329, %swap3A_330] {strides = array<i32>} : memref<16x1000xf32, #tpu.memory_space<vmem>>, vector<16xf32>,
        tpu.vector_store %arg13[%swap3A_329, %swap3A_330], %get3A_328 {strides = array<i32>} : memref<16x1000xf32, #tpu.memory_space<vmem>>, vector<16xf32>,
        %get3A_332 = arith.index_cast %scan3A_198 : i32 to index
        %get3A_333 = arith.constant 352 : index
        %get3A_334 = tpu.vector_load %arg11[%get3A_332, %get3A_333] {strides = array<i32>} : memref<16x1024xf32, #tpu.memory_space<vmem>>, vector<16xf32>,
        %swap3A_335 = arith.index_cast %scan3A_198 : i32 to index
        %swap3A_336 = arith.constant 352 : index
        %swap3A_337 = tpu.vector_load %arg13[%swap3A_335, %swap3A_336] {strides = array<i32>} : memref<16x1000xf32, #tpu.memory_space<vmem>>, vector<16xf32>,
        tpu.vector_store %arg13[%swap3A_335, %swap3A_336], %get3A_334 {strides = array<i32>} : memref<16x1000xf32, #tpu.memory_space<vmem>>, vector<16xf32>,
        %get3A_338 = arith.index_cast %scan3A_198 : i32 to index
        %get3A_339 = arith.constant 368 : index
        %get3A_340 = tpu.vector_load %arg11[%get3A_338, %get3A_339] {strides = array<i32>} : memref<16x1024xf32, #tpu.memory_space<vmem>>, vector<16xf32>,
        %swap3A_341 = arith.index_cast %scan3A_198 : i32 to index
        %swap3A_342 = arith.constant 368 : index
        %swap3A_343 = tpu.vector_load %arg13[%swap3A_341, %swap3A_342] {strides = array<i32>} : memref<16x1000xf32, #tpu.memory_space<vmem>>, vector<16xf32>,
        tpu.vector_store %arg13[%swap3A_341, %swap3A_342], %get3A_340 {strides = array<i32>} : memref<16x1000xf32, #tpu.memory_space<vmem>>, vector<16xf32>,
        %get3A_344 = arith.index_cast %scan3A_198 : i32 to index
        %get3A_345 = arith.constant 384 : index
        %get3A_346 = tpu.vector_load %arg11[%get3A_344, %get3A_345] {strides = array<i32>} : memref<16x1024xf32, #tpu.memory_space<vmem>>, vector<16xf32>,
        %swap3A_347 = arith.index_cast %scan3A_198 : i32 to index
        %swap3A_348 = arith.constant 384 : index
        %swap3A_349 = tpu.vector_load %arg13[%swap3A_347, %swap3A_348] {strides = array<i32>} : memref<16x1000xf32, #tpu.memory_space<vmem>>, vector<16xf32>,
        tpu.vector_store %arg13[%swap3A_347, %swap3A_348], %get3A_346 {strides = array<i32>} : memref<16x1000xf32, #tpu.memory_space<vmem>>, vector<16xf32>,
        %get3A_350 = arith.index_cast %scan3A_198 : i32 to index
        %get3A_351 = arith.constant 400 : index
        %get3A_352 = tpu.vector_load %arg11[%get3A_350, %get3A_351] {strides = array<i32>} : memref<16x1024xf32, #tpu.memory_space<vmem>>, vector<16xf32>,
        %swap3A_353 = arith.index_cast %scan3A_198 : i32 to index
        %swap3A_354 = arith.constant 400 : index
        %swap3A_355 = tpu.vector_load %arg13[%swap3A_353, %swap3A_354] {strides = array<i32>} : memref<16x1000xf32, #tpu.memory_space<vmem>>, vector<16xf32>,
        tpu.vector_store %arg13[%swap3A_353, %swap3A_354], %get3A_352 {strides = array<i32>} : memref<16x1000xf32, #tpu.memory_space<vmem>>, vector<16xf32>,
        %get3A_356 = arith.index_cast %scan3A_198 : i32 to index
        %get3A_357 = arith.constant 416 : index
        %get3A_358 = tpu.vector_load %arg11[%get3A_356, %get3A_357] {strides = array<i32>} : memref<16x1024xf32, #tpu.memory_space<vmem>>, vector<16xf32>,
        %swap3A_359 = arith.index_cast %scan3A_198 : i32 to index
        %swap3A_360 = arith.constant 416 : index
        %swap3A_361 = tpu.vector_load %arg13[%swap3A_359, %swap3A_360] {strides = array<i32>} : memref<16x1000xf32, #tpu.memory_space<vmem>>, vector<16xf32>,
        tpu.vector_store %arg13[%swap3A_359, %swap3A_360], %get3A_358 {strides = array<i32>} : memref<16x1000xf32, #tpu.memory_space<vmem>>, vector<16xf32>,
        %get3A_362 = arith.index_cast %scan3A_198 : i32 to index
        %get3A_363 = arith.constant 432 : index
        %get3A_364 = tpu.vector_load %arg11[%get3A_362, %get3A_363] {strides = array<i32>} : memref<16x1024xf32, #tpu.memory_space<vmem>>, vector<16xf32>,
        %swap3A_365 = arith.index_cast %scan3A_198 : i32 to index
        %swap3A_366 = arith.constant 432 : index
        %swap3A_367 = tpu.vector_load %arg13[%swap3A_365, %swap3A_366] {strides = array<i32>} : memref<16x1000xf32, #tpu.memory_space<vmem>>, vector<16xf32>,
        tpu.vector_store %arg13[%swap3A_365, %swap3A_366], %get3A_364 {strides = array<i32>} : memref<16x1000xf32, #tpu.memory_space<vmem>>, vector<16xf32>,
        %get3A_368 = arith.index_cast %scan3A_198 : i32 to index
        %get3A_369 = arith.constant 448 : index
        %get3A_370 = tpu.vector_load %arg11[%get3A_368, %get3A_369] {strides = array<i32>} : memref<16x1024xf32, #tpu.memory_space<vmem>>, vector<16xf32>,
        %swap3A_371 = arith.index_cast %scan3A_198 : i32 to index
        %swap3A_372 = arith.constant 448 : index
        %swap3A_373 = tpu.vector_load %arg13[%swap3A_371, %swap3A_372] {strides = array<i32>} : memref<16x1000xf32, #tpu.memory_space<vmem>>, vector<16xf32>,
        tpu.vector_store %arg13[%swap3A_371, %swap3A_372], %get3A_370 {strides = array<i32>} : memref<16x1000xf32, #tpu.memory_space<vmem>>, vector<16xf32>,
        %get3A_374 = arith.index_cast %scan3A_198 : i32 to index
        %get3A_375 = arith.constant 464 : index
        %get3A_376 = tpu.vector_load %arg11[%get3A_374, %get3A_375] {strides = array<i32>} : memref<16x1024xf32, #tpu.memory_space<vmem>>, vector<16xf32>,
        %swap3A_377 = arith.index_cast %scan3A_198 : i32 to index
        %swap3A_378 = arith.constant 464 : index
        %swap3A_379 = tpu.vector_load %arg13[%swap3A_377, %swap3A_378] {strides = array<i32>} : memref<16x1000xf32, #tpu.memory_space<vmem>>, vector<16xf32>,
        tpu.vector_store %arg13[%swap3A_377, %swap3A_378], %get3A_376 {strides = array<i32>} : memref<16x1000xf32, #tpu.memory_space<vmem>>, vector<16xf32>,
        %get3A_380 = arith.index_cast %scan3A_198 : i32 to index
        %get3A_381 = arith.constant 480 : index
        %get3A_382 = tpu.vector_load %arg11[%get3A_380, %get3A_381] {strides = array<i32>} : memref<16x1024xf32, #tpu.memory_space<vmem>>, vector<16xf32>,
        %swap3A_383 = arith.index_cast %scan3A_198 : i32 to index
        %swap3A_384 = arith.constant 480 : index
        %swap3A_385 = tpu.vector_load %arg13[%swap3A_383, %swap3A_384] {strides = array<i32>} : memref<16x1000xf32, #tpu.memory_space<vmem>>, vector<16xf32>,
        tpu.vector_store %arg13[%swap3A_383, %swap3A_384], %get3A_382 {strides = array<i32>} : memref<16x1000xf32, #tpu.memory_space<vmem>>, vector<16xf32>,
        %get3A_386 = arith.index_cast %scan3A_198 : i32 to index
        %get3A_387 = arith.constant 496 : index
        %get3A_388 = tpu.vector_load %arg11[%get3A_386, %get3A_387] {strides = array<i32>} : memref<16x1024xf32, #tpu.memory_space<vmem>>, vector<16xf32>,
        %swap3A_389 = arith.index_cast %scan3A_198 : i32 to index
        %swap3A_390 = arith.constant 496 : index
        %swap3A_391 = tpu.vector_load %arg13[%swap3A_389, %swap3A_390] {strides = array<i32>} : memref<16x1000xf32, #tpu.memory_space<vmem>>, vector<16xf32>,
        tpu.vector_store %arg13[%swap3A_389, %swap3A_390], %get3A_388 {strides = array<i32>} : memref<16x1000xf32, #tpu.memory_space<vmem>>, vector<16xf32>,
        %get3A_392 = arith.index_cast %scan3A_198 : i32 to index
        %get3A_393 = arith.constant 512 : index
        %get3A_394 = tpu.vector_load %arg11[%get3A_392, %get3A_393] {strides = array<i32>} : memref<16x1024xf32, #tpu.memory_space<vmem>>, vector<16xf32>,
        %swap3A_395 = arith.index_cast %scan3A_198 : i32 to index
        %swap3A_396 = arith.constant 512 : index
        %swap3A_397 = tpu.vector_load %arg13[%swap3A_395, %swap3A_396] {strides = array<i32>} : memref<16x1000xf32, #tpu.memory_space<vmem>>, vector<16xf32>,
        tpu.vector_store %arg13[%swap3A_395, %swap3A_396], %get3A_394 {strides = array<i32>} : memref<16x1000xf32, #tpu.memory_space<vmem>>, vector<16xf32>,
        %get3A_398 = arith.index_cast %scan3A_198 : i32 to index
        %get3A_399 = arith.constant 528 : index
        %get3A_400 = tpu.vector_load %arg11[%get3A_398, %get3A_399] {strides = array<i32>} : memref<16x1024xf32, #tpu.memory_space<vmem>>, vector<16xf32>,
        %swap3A_401 = arith.index_cast %scan3A_198 : i32 to index
        %swap3A_402 = arith.constant 528 : index
        %swap3A_403 = tpu.vector_load %arg13[%swap3A_401, %swap3A_402] {strides = array<i32>} : memref<16x1000xf32, #tpu.memory_space<vmem>>, vector<16xf32>,
        tpu.vector_store %arg13[%swap3A_401, %swap3A_402], %get3A_400 {strides = array<i32>} : memref<16x1000xf32, #tpu.memory_space<vmem>>, vector<16xf32>,
        %get3A_404 = arith.index_cast %scan3A_198 : i32 to index
        %get3A_405 = arith.constant 544 : index
        %get3A_406 = tpu.vector_load %arg11[%get3A_404, %get3A_405] {strides = array<i32>} : memref<16x1024xf32, #tpu.memory_space<vmem>>, vector<16xf32>,
        %swap3A_407 = arith.index_cast %scan3A_198 : i32 to index
        %swap3A_408 = arith.constant 544 : index
        %swap3A_409 = tpu.vector_load %arg13[%swap3A_407, %swap3A_408] {strides = array<i32>} : memref<16x1000xf32, #tpu.memory_space<vmem>>, vector<16xf32>,
        tpu.vector_store %arg13[%swap3A_407, %swap3A_408], %get3A_406 {strides = array<i32>} : memref<16x1000xf32, #tpu.memory_space<vmem>>, vector<16xf32>,
        %get3A_410 = arith.index_cast %scan3A_198 : i32 to index
        %get3A_411 = arith.constant 560 : index
        %get3A_412 = tpu.vector_load %arg11[%get3A_410, %get3A_411] {strides = array<i32>} : memref<16x1024xf32, #tpu.memory_space<vmem>>, vector<16xf32>,
        %swap3A_413 = arith.index_cast %scan3A_198 : i32 to index
        %swap3A_414 = arith.constant 560 : index
        %swap3A_415 = tpu.vector_load %arg13[%swap3A_413, %swap3A_414] {strides = array<i32>} : memref<16x1000xf32, #tpu.memory_space<vmem>>, vector<16xf32>,
        tpu.vector_store %arg13[%swap3A_413, %swap3A_414], %get3A_412 {strides = array<i32>} : memref<16x1000xf32, #tpu.memory_space<vmem>>, vector<16xf32>,
        %get3A_416 = arith.index_cast %scan3A_198 : i32 to index
        %get3A_417 = arith.constant 576 : index
        %get3A_418 = tpu.vector_load %arg11[%get3A_416, %get3A_417] {strides = array<i32>} : memref<16x1024xf32, #tpu.memory_space<vmem>>, vector<16xf32>,
        %swap3A_419 = arith.index_cast %scan3A_198 : i32 to index
        %swap3A_420 = arith.constant 576 : index
        %swap3A_421 = tpu.vector_load %arg13[%swap3A_419, %swap3A_420] {strides = array<i32>} : memref<16x1000xf32, #tpu.memory_space<vmem>>, vector<16xf32>,
        tpu.vector_store %arg13[%swap3A_419, %swap3A_420], %get3A_418 {strides = array<i32>} : memref<16x1000xf32, #tpu.memory_space<vmem>>, vector<16xf32>,
        %get3A_422 = arith.index_cast %scan3A_198 : i32 to index
        %get3A_423 = arith.constant 592 : index
        %get3A_424 = tpu.vector_load %arg11[%get3A_422, %get3A_423] {strides = array<i32>} : memref<16x1024xf32, #tpu.memory_space<vmem>>, vector<16xf32>,
        %swap3A_425 = arith.index_cast %scan3A_198 : i32 to index
        %swap3A_426 = arith.constant 592 : index
        %swap3A_427 = tpu.vector_load %arg13[%swap3A_425, %swap3A_426] {strides = array<i32>} : memref<16x1000xf32, #tpu.memory_space<vmem>>, vector<16xf32>,
        tpu.vector_store %arg13[%swap3A_425, %swap3A_426], %get3A_424 {strides = array<i32>} : memref<16x1000xf32, #tpu.memory_space<vmem>>, vector<16xf32>,
        %get3A_428 = arith.index_cast %scan3A_198 : i32 to index
        %get3A_429 = arith.constant 608 : index
        %get3A_430 = tpu.vector_load %arg11[%get3A_428, %get3A_429] {strides = array<i32>} : memref<16x1024xf32, #tpu.memory_space<vmem>>, vector<16xf32>,
        %swap3A_431 = arith.index_cast %scan3A_198 : i32 to index
        %swap3A_432 = arith.constant 608 : index
        %swap3A_433 = tpu.vector_load %arg13[%swap3A_431, %swap3A_432] {strides = array<i32>} : memref<16x1000xf32, #tpu.memory_space<vmem>>, vector<16xf32>,
        tpu.vector_store %arg13[%swap3A_431, %swap3A_432], %get3A_430 {strides = array<i32>} : memref<16x1000xf32, #tpu.memory_space<vmem>>, vector<16xf32>,
        %get3A_434 = arith.index_cast %scan3A_198 : i32 to index
        %get3A_435 = arith.constant 624 : index
        %get3A_436 = tpu.vector_load %arg11[%get3A_434, %get3A_435] {strides = array<i32>} : memref<16x1024xf32, #tpu.memory_space<vmem>>, vector<16xf32>,
        %swap3A_437 = arith.index_cast %scan3A_198 : i32 to index
        %swap3A_438 = arith.constant 624 : index
        %swap3A_439 = tpu.vector_load %arg13[%swap3A_437, %swap3A_438] {strides = array<i32>} : memref<16x1000xf32, #tpu.memory_space<vmem>>, vector<16xf32>,
        tpu.vector_store %arg13[%swap3A_437, %swap3A_438], %get3A_436 {strides = array<i32>} : memref<16x1000xf32, #tpu.memory_space<vmem>>, vector<16xf32>,
        %get3A_440 = arith.index_cast %scan3A_198 : i32 to index
        %get3A_441 = arith.constant 640 : index
        %get3A_442 = tpu.vector_load %arg11[%get3A_440, %get3A_441] {strides = array<i32>} : memref<16x1024xf32, #tpu.memory_space<vmem>>, vector<16xf32>,
        %swap3A_443 = arith.index_cast %scan3A_198 : i32 to index
        %swap3A_444 = arith.constant 640 : index
        %swap3A_445 = tpu.vector_load %arg13[%swap3A_443, %swap3A_444] {strides = array<i32>} : memref<16x1000xf32, #tpu.memory_space<vmem>>, vector<16xf32>,
        tpu.vector_store %arg13[%swap3A_443, %swap3A_444], %get3A_442 {strides = array<i32>} : memref<16x1000xf32, #tpu.memory_space<vmem>>, vector<16xf32>,
        %get3A_446 = arith.index_cast %scan3A_198 : i32 to index
        %get3A_447 = arith.constant 656 : index
        %get3A_448 = tpu.vector_load %arg11[%get3A_446, %get3A_447] {strides = array<i32>} : memref<16x1024xf32, #tpu.memory_space<vmem>>, vector<16xf32>,
        %swap3A_449 = arith.index_cast %scan3A_198 : i32 to index
        %swap3A_450 = arith.constant 656 : index
        %swap3A_451 = tpu.vector_load %arg13[%swap3A_449, %swap3A_450] {strides = array<i32>} : memref<16x1000xf32, #tpu.memory_space<vmem>>, vector<16xf32>,
        tpu.vector_store %arg13[%swap3A_449, %swap3A_450], %get3A_448 {strides = array<i32>} : memref<16x1000xf32, #tpu.memory_space<vmem>>, vector<16xf32>,
        %get3A_452 = arith.index_cast %scan3A_198 : i32 to index
        %get3A_453 = arith.constant 672 : index
        %get3A_454 = tpu.vector_load %arg11[%get3A_452, %get3A_453] {strides = array<i32>} : memref<16x1024xf32, #tpu.memory_space<vmem>>, vector<16xf32>,
        %swap3A_455 = arith.index_cast %scan3A_198 : i32 to index
        %swap3A_456 = arith.constant 672 : index
        %swap3A_457 = tpu.vector_load %arg13[%swap3A_455, %swap3A_456] {strides = array<i32>} : memref<16x1000xf32, #tpu.memory_space<vmem>>, vector<16xf32>,
        tpu.vector_store %arg13[%swap3A_455, %swap3A_456], %get3A_454 {strides = array<i32>} : memref<16x1000xf32, #tpu.memory_space<vmem>>, vector<16xf32>,
        %get3A_458 = arith.index_cast %scan3A_198 : i32 to index
        %get3A_459 = arith.constant 688 : index
        %get3A_460 = tpu.vector_load %arg11[%get3A_458, %get3A_459] {strides = array<i32>} : memref<16x1024xf32, #tpu.memory_space<vmem>>, vector<16xf32>,
        %swap3A_461 = arith.index_cast %scan3A_198 : i32 to index
        %swap3A_462 = arith.constant 688 : index
        %swap3A_463 = tpu.vector_load %arg13[%swap3A_461, %swap3A_462] {strides = array<i32>} : memref<16x1000xf32, #tpu.memory_space<vmem>>, vector<16xf32>,
        tpu.vector_store %arg13[%swap3A_461, %swap3A_462], %get3A_460 {strides = array<i32>} : memref<16x1000xf32, #tpu.memory_space<vmem>>, vector<16xf32>,
        %get3A_464 = arith.index_cast %scan3A_198 : i32 to index
        %get3A_465 = arith.constant 704 : index
        %get3A_466 = tpu.vector_load %arg11[%get3A_464, %get3A_465] {strides = array<i32>} : memref<16x1024xf32, #tpu.memory_space<vmem>>, vector<16xf32>,
        %swap3A_467 = arith.index_cast %scan3A_198 : i32 to index
        %swap3A_468 = arith.constant 704 : index
        %swap3A_469 = tpu.vector_load %arg13[%swap3A_467, %swap3A_468] {strides = array<i32>} : memref<16x1000xf32, #tpu.memory_space<vmem>>, vector<16xf32>,
        tpu.vector_store %arg13[%swap3A_467, %swap3A_468], %get3A_466 {strides = array<i32>} : memref<16x1000xf32, #tpu.memory_space<vmem>>, vector<16xf32>,
        %get3A_470 = arith.index_cast %scan3A_198 : i32 to index
        %get3A_471 = arith.constant 720 : index
        %get3A_472 = tpu.vector_load %arg11[%get3A_470, %get3A_471] {strides = array<i32>} : memref<16x1024xf32, #tpu.memory_space<vmem>>, vector<16xf32>,
        %swap3A_473 = arith.index_cast %scan3A_198 : i32 to index
        %swap3A_474 = arith.constant 720 : index
        %swap3A_475 = tpu.vector_load %arg13[%swap3A_473, %swap3A_474] {strides = array<i32>} : memref<16x1000xf32, #tpu.memory_space<vmem>>, vector<16xf32>,
        tpu.vector_store %arg13[%swap3A_473, %swap3A_474], %get3A_472 {strides = array<i32>} : memref<16x1000xf32, #tpu.memory_space<vmem>>, vector<16xf32>,
        %get3A_476 = arith.index_cast %scan3A_198 : i32 to index
        %get3A_477 = arith.constant 736 : index
        %get3A_478 = tpu.vector_load %arg11[%get3A_476, %get3A_477] {strides = array<i32>} : memref<16x1024xf32, #tpu.memory_space<vmem>>, vector<16xf32>,
        %swap3A_479 = arith.index_cast %scan3A_198 : i32 to index
        %swap3A_480 = arith.constant 736 : index
        %swap3A_481 = tpu.vector_load %arg13[%swap3A_479, %swap3A_480] {strides = array<i32>} : memref<16x1000xf32, #tpu.memory_space<vmem>>, vector<16xf32>,
        tpu.vector_store %arg13[%swap3A_479, %swap3A_480], %get3A_478 {strides = array<i32>} : memref<16x1000xf32, #tpu.memory_space<vmem>>, vector<16xf32>,
        %get3A_482 = arith.index_cast %scan3A_198 : i32 to index
        %get3A_483 = arith.constant 752 : index
        %get3A_484 = tpu.vector_load %arg11[%get3A_482, %get3A_483] {strides = array<i32>} : memref<16x1024xf32, #tpu.memory_space<vmem>>, vector<16xf32>,
        %swap3A_485 = arith.index_cast %scan3A_198 : i32 to index
        %swap3A_486 = arith.constant 752 : index
        %swap3A_487 = tpu.vector_load %arg13[%swap3A_485, %swap3A_486] {strides = array<i32>} : memref<16x1000xf32, #tpu.memory_space<vmem>>, vector<16xf32>,
        tpu.vector_store %arg13[%swap3A_485, %swap3A_486], %get3A_484 {strides = array<i32>} : memref<16x1000xf32, #tpu.memory_space<vmem>>, vector<16xf32>,
        %get3A_488 = arith.index_cast %scan3A_198 : i32 to index
        %get3A_489 = arith.constant 768 : index
        %get3A_490 = tpu.vector_load %arg11[%get3A_488, %get3A_489] {strides = array<i32>} : memref<16x1024xf32, #tpu.memory_space<vmem>>, vector<16xf32>,
        %swap3A_491 = arith.index_cast %scan3A_198 : i32 to index
        %swap3A_492 = arith.constant 768 : index
        %swap3A_493 = tpu.vector_load %arg13[%swap3A_491, %swap3A_492] {strides = array<i32>} : memref<16x1000xf32, #tpu.memory_space<vmem>>, vector<16xf32>,
        tpu.vector_store %arg13[%swap3A_491, %swap3A_492], %get3A_490 {strides = array<i32>} : memref<16x1000xf32, #tpu.memory_space<vmem>>, vector<16xf32>,
        %get3A_494 = arith.index_cast %scan3A_198 : i32 to index
        %get3A_495 = arith.constant 784 : index
        %get3A_496 = tpu.vector_load %arg11[%get3A_494, %get3A_495] {strides = array<i32>} : memref<16x1024xf32, #tpu.memory_space<vmem>>, vector<16xf32>,
        %swap3A_497 = arith.index_cast %scan3A_198 : i32 to index
        %swap3A_498 = arith.constant 784 : index
        %swap3A_499 = tpu.vector_load %arg13[%swap3A_497, %swap3A_498] {strides = array<i32>} : memref<16x1000xf32, #tpu.memory_space<vmem>>, vector<16xf32>,
        tpu.vector_store %arg13[%swap3A_497, %swap3A_498], %get3A_496 {strides = array<i32>} : memref<16x1000xf32, #tpu.memory_space<vmem>>, vector<16xf32>,
        %get3A_500 = arith.index_cast %scan3A_198 : i32 to index
        %get3A_501 = arith.constant 800 : index
        %get3A_502 = tpu.vector_load %arg11[%get3A_500, %get3A_501] {strides = array<i32>} : memref<16x1024xf32, #tpu.memory_space<vmem>>, vector<16xf32>,
        %swap3A_503 = arith.index_cast %scan3A_198 : i32 to index
        %swap3A_504 = arith.constant 800 : index
        %swap3A_505 = tpu.vector_load %arg13[%swap3A_503, %swap3A_504] {strides = array<i32>} : memref<16x1000xf32, #tpu.memory_space<vmem>>, vector<16xf32>,
        tpu.vector_store %arg13[%swap3A_503, %swap3A_504], %get3A_502 {strides = array<i32>} : memref<16x1000xf32, #tpu.memory_space<vmem>>, vector<16xf32>,
        %get3A_506 = arith.index_cast %scan3A_198 : i32 to index
        %get3A_507 = arith.constant 816 : index
        %get3A_508 = tpu.vector_load %arg11[%get3A_506, %get3A_507] {strides = array<i32>} : memref<16x1024xf32, #tpu.memory_space<vmem>>, vector<16xf32>,
        %swap3A_509 = arith.index_cast %scan3A_198 : i32 to index
        %swap3A_510 = arith.constant 816 : index
        %swap3A_511 = tpu.vector_load %arg13[%swap3A_509, %swap3A_510] {strides = array<i32>} : memref<16x1000xf32, #tpu.memory_space<vmem>>, vector<16xf32>,
        tpu.vector_store %arg13[%swap3A_509, %swap3A_510], %get3A_508 {strides = array<i32>} : memref<16x1000xf32, #tpu.memory_space<vmem>>, vector<16xf32>,
        %get3A_512 = arith.index_cast %scan3A_198 : i32 to index
        %get3A_513 = arith.constant 832 : index
        %get3A_514 = tpu.vector_load %arg11[%get3A_512, %get3A_513] {strides = array<i32>} : memref<16x1024xf32, #tpu.memory_space<vmem>>, vector<16xf32>,
        %swap3A_515 = arith.index_cast %scan3A_198 : i32 to index
        %swap3A_516 = arith.constant 832 : index
        %swap3A_517 = tpu.vector_load %arg13[%swap3A_515, %swap3A_516] {strides = array<i32>} : memref<16x1000xf32, #tpu.memory_space<vmem>>, vector<16xf32>,
        tpu.vector_store %arg13[%swap3A_515, %swap3A_516], %get3A_514 {strides = array<i32>} : memref<16x1000xf32, #tpu.memory_space<vmem>>, vector<16xf32>,
        %get3A_518 = arith.index_cast %scan3A_198 : i32 to index
        %get3A_519 = arith.constant 848 : index
        %get3A_520 = tpu.vector_load %arg11[%get3A_518, %get3A_519] {strides = array<i32>} : memref<16x1024xf32, #tpu.memory_space<vmem>>, vector<16xf32>,
        %swap3A_521 = arith.index_cast %scan3A_198 : i32 to index
        %swap3A_522 = arith.constant 848 : index
        %swap3A_523 = tpu.vector_load %arg13[%swap3A_521, %swap3A_522] {strides = array<i32>} : memref<16x1000xf32, #tpu.memory_space<vmem>>, vector<16xf32>,
        tpu.vector_store %arg13[%swap3A_521, %swap3A_522], %get3A_520 {strides = array<i32>} : memref<16x1000xf32, #tpu.memory_space<vmem>>, vector<16xf32>,
        %get3A_524 = arith.index_cast %scan3A_198 : i32 to index
        %get3A_525 = arith.constant 864 : index
        %get3A_526 = tpu.vector_load %arg11[%get3A_524, %get3A_525] {strides = array<i32>} : memref<16x1024xf32, #tpu.memory_space<vmem>>, vector<16xf32>,
        %swap3A_527 = arith.index_cast %scan3A_198 : i32 to index
        %swap3A_528 = arith.constant 864 : index
        %swap3A_529 = tpu.vector_load %arg13[%swap3A_527, %swap3A_528] {strides = array<i32>} : memref<16x1000xf32, #tpu.memory_space<vmem>>, vector<16xf32>,
        tpu.vector_store %arg13[%swap3A_527, %swap3A_528], %get3A_526 {strides = array<i32>} : memref<16x1000xf32, #tpu.memory_space<vmem>>, vector<16xf32>,
        %get3A_530 = arith.index_cast %scan3A_198 : i32 to index
        %get3A_531 = arith.constant 880 : index
        %get3A_532 = tpu.vector_load %arg11[%get3A_530, %get3A_531] {strides = array<i32>} : memref<16x1024xf32, #tpu.memory_space<vmem>>, vector<16xf32>,
        %swap3A_533 = arith.index_cast %scan3A_198 : i32 to index
        %swap3A_534 = arith.constant 880 : index
        %swap3A_535 = tpu.vector_load %arg13[%swap3A_533, %swap3A_534] {strides = array<i32>} : memref<16x1000xf32, #tpu.memory_space<vmem>>, vector<16xf32>,
        tpu.vector_store %arg13[%swap3A_533, %swap3A_534], %get3A_532 {strides = array<i32>} : memref<16x1000xf32, #tpu.memory_space<vmem>>, vector<16xf32>,
        %get3A_536 = arith.index_cast %scan3A_198 : i32 to index
        %get3A_537 = arith.constant 896 : index
        %get3A_538 = tpu.vector_load %arg11[%get3A_536, %get3A_537] {strides = array<i32>} : memref<16x1024xf32, #tpu.memory_space<vmem>>, vector<16xf32>,
        %swap3A_539 = arith.index_cast %scan3A_198 : i32 to index
        %swap3A_540 = arith.constant 896 : index
        %swap3A_541 = tpu.vector_load %arg13[%swap3A_539, %swap3A_540] {strides = array<i32>} : memref<16x1000xf32, #tpu.memory_space<vmem>>, vector<16xf32>,
        tpu.vector_store %arg13[%swap3A_539, %swap3A_540], %get3A_538 {strides = array<i32>} : memref<16x1000xf32, #tpu.memory_space<vmem>>, vector<16xf32>,
        %get3A_542 = arith.index_cast %scan3A_198 : i32 to index
        %get3A_543 = arith.constant 912 : index
        %get3A_544 = tpu.vector_load %arg11[%get3A_542, %get3A_543] {strides = array<i32>} : memref<16x1024xf32, #tpu.memory_space<vmem>>, vector<16xf32>,
        %swap3A_545 = arith.index_cast %scan3A_198 : i32 to index
        %swap3A_546 = arith.constant 912 : index
        %swap3A_547 = tpu.vector_load %arg13[%swap3A_545, %swap3A_546] {strides = array<i32>} : memref<16x1000xf32, #tpu.memory_space<vmem>>, vector<16xf32>,
        tpu.vector_store %arg13[%swap3A_545, %swap3A_546], %get3A_544 {strides = array<i32>} : memref<16x1000xf32, #tpu.memory_space<vmem>>, vector<16xf32>,
        %get3A_548 = arith.index_cast %scan3A_198 : i32 to index
        %get3A_549 = arith.constant 928 : index
        %get3A_550 = tpu.vector_load %arg11[%get3A_548, %get3A_549] {strides = array<i32>} : memref<16x1024xf32, #tpu.memory_space<vmem>>, vector<16xf32>,
        %swap3A_551 = arith.index_cast %scan3A_198 : i32 to index
        %swap3A_552 = arith.constant 928 : index
        %swap3A_553 = tpu.vector_load %arg13[%swap3A_551, %swap3A_552] {strides = array<i32>} : memref<16x1000xf32, #tpu.memory_space<vmem>>, vector<16xf32>,
        tpu.vector_store %arg13[%swap3A_551, %swap3A_552], %get3A_550 {strides = array<i32>} : memref<16x1000xf32, #tpu.memory_space<vmem>>, vector<16xf32>,
        %get3A_554 = arith.index_cast %scan3A_198 : i32 to index
        %get3A_555 = arith.constant 944 : index
        %get3A_556 = tpu.vector_load %arg11[%get3A_554, %get3A_555] {strides = array<i32>} : memref<16x1024xf32, #tpu.memory_space<vmem>>, vector<16xf32>,
        %swap3A_557 = arith.index_cast %scan3A_198 : i32 to index
        %swap3A_558 = arith.constant 944 : index
        %swap3A_559 = tpu.vector_load %arg13[%swap3A_557, %swap3A_558] {strides = array<i32>} : memref<16x1000xf32, #tpu.memory_space<vmem>>, vector<16xf32>,
        tpu.vector_store %arg13[%swap3A_557, %swap3A_558], %get3A_556 {strides = array<i32>} : memref<16x1000xf32, #tpu.memory_space<vmem>>, vector<16xf32>,
        %get3A_560 = arith.index_cast %scan3A_198 : i32 to index
        %get3A_561 = arith.constant 960 : index
        %get3A_562 = tpu.vector_load %arg11[%get3A_560, %get3A_561] {strides = array<i32>} : memref<16x1024xf32, #tpu.memory_space<vmem>>, vector<16xf32>,
        %swap3A_563 = arith.index_cast %scan3A_198 : i32 to index
        %swap3A_564 = arith.constant 960 : index
        %swap3A_565 = tpu.vector_load %arg13[%swap3A_563, %swap3A_564] {strides = array<i32>} : memref<16x1000xf32, #tpu.memory_space<vmem>>, vector<16xf32>,
        tpu.vector_store %arg13[%swap3A_563, %swap3A_564], %get3A_562 {strides = array<i32>} : memref<16x1000xf32, #tpu.memory_space<vmem>>, vector<16xf32>,
        %get3A_566 = arith.index_cast %scan3A_198 : i32 to index
        %get3A_567 = arith.constant 976 : index
        %get3A_568 = tpu.vector_load %arg11[%get3A_566, %get3A_567] {strides = array<i32>} : memref<16x1024xf32, #tpu.memory_space<vmem>>, vector<16xf32>,
        %swap3A_569 = arith.index_cast %scan3A_198 : i32 to index
        %swap3A_570 = arith.constant 976 : index
        %swap3A_571 = tpu.vector_load %arg13[%swap3A_569, %swap3A_570] {strides = array<i32>} : memref<16x1000xf32, #tpu.memory_space<vmem>>, vector<16xf32>,
        tpu.vector_store %arg13[%swap3A_569, %swap3A_570], %get3A_568 {strides = array<i32>} : memref<16x1000xf32, #tpu.memory_space<vmem>>, vector<16xf32>,
        %get3A_572 = arith.index_cast %scan3A_198 : i32 to index
        %get3A_573 = arith.constant 984 : index
        %get3A_574 = tpu.vector_load %arg11[%get3A_572, %get3A_573] {strides = array<i32>} : memref<16x1024xf32, #tpu.memory_space<vmem>>, vector<16xf32>,
        %swap3A_575 = arith.index_cast %scan3A_198 : i32 to index
        %swap3A_576 = arith.constant 984 : index
        %swap3A_577 = tpu.vector_load %arg13[%swap3A_575, %swap3A_576] {strides = array<i32>} : memref<16x1000xf32, #tpu.memory_space<vmem>>, vector<16xf32>,
        tpu.vector_store %arg13[%swap3A_575, %swap3A_576], %get3A_574 {strides = array<i32>} : memref<16x1000xf32, #tpu.memory_space<vmem>>, vector<16xf32>,
        %scan3A_578 = arith.constant 0 : i32
        scf.yield %scan3A_578 : i32
      }
      %scan3A_120 = arith.constant 16 : i32
      %mul3A_121 = arith.constant 16 : i32
      %mul3A_122 = arith.muli %add3A_98, %mul3A_121 : i32
      %get3A_123 = arith.index_cast %mul3A_122 : i32 to index
      %get3A_124 = tpu.vector_load %arg8[%get3A_123] {strides = array<i32>} : memref<1600xi32, #tpu.memory_space<vmem>>, vector<16xi32>,
      %mul3A_125 = arith.constant 16 : i32
      %mul3A_126 = arith.muli %add3A_98, %mul3A_125 : i32
      %get3A_127 = arith.index_cast %mul3A_126 : i32 to index
      %get3A_128 = tpu.vector_load %arg9[%get3A_127] {strides = array<i32>} : memref<1600xi32, #tpu.memory_space<vmem>>, vector<16xi32>,
      %gather3A_129 = tpu.vector_load_idx %arg11[%iota3A, %get3A_128] : memref<16x1024xf32, #tpu.memory_space<vmem>>[vector<16xi32>, vector<16xi32>], vector<16xf32>,
      %gather3A_130 = tpu.vector_load_idx %arg10[%get3A_124] : memref<1000xf32, #tpu.memory_space<vmem>>[vector<16xi32>], vector<16xf32>,
      %sub3A_131 = arith.subf %gather3A_130, %gather3A_129 : vector<16xf32>
      %add3A_132 = arith.addf %scan3A_92, %sub3A_131 : vector<16xf32>
      %mul3A_133 = arith.constant 16 : i32
      %mul3A_134 = arith.muli %add3A_98, %mul3A_133 : i32
      %add3A_135 = arith.addi %mul3A_2, %mul3A_134 : i32
      %dma_start3A_136 = arith.constant 0 : i32
      %dma_start3A_137 = tpu.memref_slice %arg6[%add3A_135, %dma_start3A_136] : memref<51200x1000xf32, #tpu.memory_space<hbm>> -> memref<16x1000xf32, #tpu.memory_space<hbm>>
      %dma_start3A_138 = arith.constant 0 : i32
      %dma_start3A_139 = tpu.memref_slice %arg6[%add3A_135, %dma_start3A_138] : memref<51200x1000xf32, #tpu.memory_space<hbm>> -> memref<16x1000xf32, #tpu.memory_space<hbm>>
      tpu.enqueue_dma source(%arg13 : memref<16x1000xf32, #tpu.memory_space<vmem>>) target(%dma_start3A_139 : memref<16x1000xf32, #tpu.memory_space<hbm>>) target_semaphore(%arg18 : memref<!tpu.dma_semaphore, #tpu.memory_space<semaphore_mem>>)
      %add3A_140 = arith.constant 2 : i32
      %add3A_141 = arith.addi %add3A_98, %add3A_140 : i32
      %lt3A = arith.constant 100 : i32
      %lt3A_142 = arith.cmpi slt, %add3A_141, %lt3A : i32
      %convert_element_type3A = arith.extui %lt3A_142 : i1 to i32
      %cond3A = arith.constant 0 : i32
      %cond3A_143 = arith.cmpi ne, %convert_element_type3A, %cond3A : i32
      scf.if %cond3A_143 {
        %add3A_198 = arith.constant 2 : i32
        %add3A_199 = arith.addi %add3A_98, %add3A_198 : i32
        %mul3A_200 = arith.constant 16 : i32
        %mul3A_201 = arith.muli %add3A_199, %mul3A_200 : i32
        %dma_start3A_202 = tpu.memref_slice %arg8[%mul3A_201] : memref<1600xi32, #tpu.memory_space<vmem>> -> memref<16xi32, #tpu.memory_space<vmem>>
        %dma_start3A_203 = arith.constant 0 : i32
        %dma_start3A_204 = arith.constant 0 : i32
        %dma_start3A_205 = tpu.memref_slice %arg2[%dma_start3A_203, %dma_start3A_204] : memref<1000x1024xf32, #tpu.memory_space<hbm>> -> memref<1000x1024xf32, #tpu.memory_space<hbm>>
        tpu.enqueue_indirect_dma source(%dma_start3A_205 : memref<1000x1024xf32, #tpu.memory_space<hbm>>) target(%arg11 : memref<16x1024xf32, #tpu.memory_space<vmem>>) offsets(%dma_start3A_202 : memref<16xi32, #tpu.memory_space<vmem>>) semaphore(%arg16 : memref<!tpu.dma_semaphore, #tpu.memory_space<semaphore_mem>>)
      } else {
      }
      %mul3A_144 = arith.constant 2 : i32
      %mul3A_145 = arith.muli %scan3A_91, %mul3A_144 : i32
      %add3A_146 = arith.constant 2 : i32
      %add3A_147 = arith.addi %add3A_146, %mul3A_145 : i32
      %add3A_148 = arith.constant 1 : i32
      %add3A_149 = arith.addi %add3A_147, %add3A_148 : i32
      %mul3A_150 = arith.constant 16 : i32
      %mul3A_151 = arith.muli %add3A_149, %mul3A_150 : i32
      %dma_wait3A_152 = tpu.memref_slice %arg8[%mul3A_151] : memref<1600xi32, #tpu.memory_space<vmem>> -> memref<16xi32, #tpu.memory_space<vmem>>
      %dma_wait3A_153 = arith.constant 0 : i32
      %dma_wait3A_154 = arith.constant 0 : i32
      %dma_wait3A_155 = tpu.memref_slice %arg2[%dma_wait3A_153, %dma_wait3A_154] : memref<1000x1024xf32, #tpu.memory_space<hbm>> -> memref<1000x1024xf32, #tpu.memory_space<hbm>>
      tpu.wait_indirect_dma semaphore(%arg17 : memref<!tpu.dma_semaphore, #tpu.memory_space<semaphore_mem>>) src(%dma_wait3A_155 : memref<1000x1024xf32, #tpu.memory_space<hbm>>) dst(%arg12 : memref<16x1024xf32, #tpu.memory_space<vmem>>)
      %sub3A_156 = arith.constant 2 : i32
      %sub3A_157 = arith.subi %add3A_149, %sub3A_156 : i32
      %mul3A_158 = arith.constant 16 : i32
      %mul3A_159 = arith.muli %sub3A_157, %mul3A_158 : i32
      %add3A_160 = arith.addi %mul3A_2, %mul3A_159 : i32
      %dma_wait3A_161 = arith.constant 0 : i32
      %dma_wait3A_162 = tpu.memref_slice %arg6[%add3A_160, %dma_wait3A_161] : memref<51200x1000xf32, #tpu.memory_space<hbm>> -> memref<16x1000xf32, #tpu.memory_space<hbm>>
      %dma_wait3A_163 = arith.constant 0 : i32
      %dma_wait3A_164 = tpu.memref_slice %arg6[%add3A_160, %dma_wait3A_163] : memref<51200x1000xf32, #tpu.memory_space<hbm>> -> memref<16x1000xf32, #tpu.memory_space<hbm>>
      tpu.wait_dma2 semaphore(%arg19 : memref<!tpu.dma_semaphore, #tpu.memory_space<semaphore_mem>>) src(%arg14 : memref<16x1000xf32, #tpu.memory_space<vmem>>) dst(%dma_wait3A_164 : memref<16x1000xf32, #tpu.memory_space<hbm>>)
      %scan3A_165 = arith.constant 0 : i32
      %scan3A_166 = arith.constant 0 : i32
      %scan3A_167 = arith.constant 16 : i32
      %scan3A_168 = arith.addi %scan3A_166, %scan3A_167 : i32
      %scan3A_169 = arith.constant 1 : i32
      %scan3A_170 = scf.for %scan3A_198 = %scan3A_166 to %scan3A_168 step %scan3A_169 iter_args(%scan3A_199 = %scan3A_165) -> (i32)  : i32 {
        %get3A_200 = arith.index_cast %scan3A_198 : i32 to index
        %get3A_201 = arith.constant 0 : index
        %get3A_202 = tpu.vector_load %arg12[%get3A_200, %get3A_201] {strides = array<i32>} : memref<16x1024xf32, #tpu.memory_space<vmem>>, vector<16xf32>,
        %swap3A_203 = arith.index_cast %scan3A_198 : i32 to index
        %swap3A_204 = arith.constant 0 : index
        %swap3A_205 = tpu.vector_load %arg14[%swap3A_203, %swap3A_204] {strides = array<i32>} : memref<16x1000xf32, #tpu.memory_space<vmem>>, vector<16xf32>,
        tpu.vector_store %arg14[%swap3A_203, %swap3A_204], %get3A_202 {strides = array<i32>} : memref<16x1000xf32, #tpu.memory_space<vmem>>, vector<16xf32>,
        %get3A_206 = arith.index_cast %scan3A_198 : i32 to index
        %get3A_207 = arith.constant 16 : index
        %get3A_208 = tpu.vector_load %arg12[%get3A_206, %get3A_207] {strides = array<i32>} : memref<16x1024xf32, #tpu.memory_space<vmem>>, vector<16xf32>,
        %swap3A_209 = arith.index_cast %scan3A_198 : i32 to index
        %swap3A_210 = arith.constant 16 : index
        %swap3A_211 = tpu.vector_load %arg14[%swap3A_209, %swap3A_210] {strides = array<i32>} : memref<16x1000xf32, #tpu.memory_space<vmem>>, vector<16xf32>,
        tpu.vector_store %arg14[%swap3A_209, %swap3A_210], %get3A_208 {strides = array<i32>} : memref<16x1000xf32, #tpu.memory_space<vmem>>, vector<16xf32>,
        %get3A_212 = arith.index_cast %scan3A_198 : i32 to index
        %get3A_213 = arith.constant 32 : index
        %get3A_214 = tpu.vector_load %arg12[%get3A_212, %get3A_213] {strides = array<i32>} : memref<16x1024xf32, #tpu.memory_space<vmem>>, vector<16xf32>,
        %swap3A_215 = arith.index_cast %scan3A_198 : i32 to index
        %swap3A_216 = arith.constant 32 : index
        %swap3A_217 = tpu.vector_load %arg14[%swap3A_215, %swap3A_216] {strides = array<i32>} : memref<16x1000xf32, #tpu.memory_space<vmem>>, vector<16xf32>,
        tpu.vector_store %arg14[%swap3A_215, %swap3A_216], %get3A_214 {strides = array<i32>} : memref<16x1000xf32, #tpu.memory_space<vmem>>, vector<16xf32>,
        %get3A_218 = arith.index_cast %scan3A_198 : i32 to index
        %get3A_219 = arith.constant 48 : index
        %get3A_220 = tpu.vector_load %arg12[%get3A_218, %get3A_219] {strides = array<i32>} : memref<16x1024xf32, #tpu.memory_space<vmem>>, vector<16xf32>,
        %swap3A_221 = arith.index_cast %scan3A_198 : i32 to index
        %swap3A_222 = arith.constant 48 : index
        %swap3A_223 = tpu.vector_load %arg14[%swap3A_221, %swap3A_222] {strides = array<i32>} : memref<16x1000xf32, #tpu.memory_space<vmem>>, vector<16xf32>,
        tpu.vector_store %arg14[%swap3A_221, %swap3A_222], %get3A_220 {strides = array<i32>} : memref<16x1000xf32, #tpu.memory_space<vmem>>, vector<16xf32>,
        %get3A_224 = arith.index_cast %scan3A_198 : i32 to index
        %get3A_225 = arith.constant 64 : index
        %get3A_226 = tpu.vector_load %arg12[%get3A_224, %get3A_225] {strides = array<i32>} : memref<16x1024xf32, #tpu.memory_space<vmem>>, vector<16xf32>,
        %swap3A_227 = arith.index_cast %scan3A_198 : i32 to index
        %swap3A_228 = arith.constant 64 : index
        %swap3A_229 = tpu.vector_load %arg14[%swap3A_227, %swap3A_228] {strides = array<i32>} : memref<16x1000xf32, #tpu.memory_space<vmem>>, vector<16xf32>,
        tpu.vector_store %arg14[%swap3A_227, %swap3A_228], %get3A_226 {strides = array<i32>} : memref<16x1000xf32, #tpu.memory_space<vmem>>, vector<16xf32>,
        %get3A_230 = arith.index_cast %scan3A_198 : i32 to index
        %get3A_231 = arith.constant 80 : index
        %get3A_232 = tpu.vector_load %arg12[%get3A_230, %get3A_231] {strides = array<i32>} : memref<16x1024xf32, #tpu.memory_space<vmem>>, vector<16xf32>,
        %swap3A_233 = arith.index_cast %scan3A_198 : i32 to index
        %swap3A_234 = arith.constant 80 : index
        %swap3A_235 = tpu.vector_load %arg14[%swap3A_233, %swap3A_234] {strides = array<i32>} : memref<16x1000xf32, #tpu.memory_space<vmem>>, vector<16xf32>,
        tpu.vector_store %arg14[%swap3A_233, %swap3A_234], %get3A_232 {strides = array<i32>} : memref<16x1000xf32, #tpu.memory_space<vmem>>, vector<16xf32>,
        %get3A_236 = arith.index_cast %scan3A_198 : i32 to index
        %get3A_237 = arith.constant 96 : index
        %get3A_238 = tpu.vector_load %arg12[%get3A_236, %get3A_237] {strides = array<i32>} : memref<16x1024xf32, #tpu.memory_space<vmem>>, vector<16xf32>,
        %swap3A_239 = arith.index_cast %scan3A_198 : i32 to index
        %swap3A_240 = arith.constant 96 : index
        %swap3A_241 = tpu.vector_load %arg14[%swap3A_239, %swap3A_240] {strides = array<i32>} : memref<16x1000xf32, #tpu.memory_space<vmem>>, vector<16xf32>,
        tpu.vector_store %arg14[%swap3A_239, %swap3A_240], %get3A_238 {strides = array<i32>} : memref<16x1000xf32, #tpu.memory_space<vmem>>, vector<16xf32>,
        %get3A_242 = arith.index_cast %scan3A_198 : i32 to index
        %get3A_243 = arith.constant 112 : index
        %get3A_244 = tpu.vector_load %arg12[%get3A_242, %get3A_243] {strides = array<i32>} : memref<16x1024xf32, #tpu.memory_space<vmem>>, vector<16xf32>,
        %swap3A_245 = arith.index_cast %scan3A_198 : i32 to index
        %swap3A_246 = arith.constant 112 : index
        %swap3A_247 = tpu.vector_load %arg14[%swap3A_245, %swap3A_246] {strides = array<i32>} : memref<16x1000xf32, #tpu.memory_space<vmem>>, vector<16xf32>,
        tpu.vector_store %arg14[%swap3A_245, %swap3A_246], %get3A_244 {strides = array<i32>} : memref<16x1000xf32, #tpu.memory_space<vmem>>, vector<16xf32>,
        %get3A_248 = arith.index_cast %scan3A_198 : i32 to index
        %get3A_249 = arith.constant 128 : index
        %get3A_250 = tpu.vector_load %arg12[%get3A_248, %get3A_249] {strides = array<i32>} : memref<16x1024xf32, #tpu.memory_space<vmem>>, vector<16xf32>,
        %swap3A_251 = arith.index_cast %scan3A_198 : i32 to index
        %swap3A_252 = arith.constant 128 : index
        %swap3A_253 = tpu.vector_load %arg14[%swap3A_251, %swap3A_252] {strides = array<i32>} : memref<16x1000xf32, #tpu.memory_space<vmem>>, vector<16xf32>,
        tpu.vector_store %arg14[%swap3A_251, %swap3A_252], %get3A_250 {strides = array<i32>} : memref<16x1000xf32, #tpu.memory_space<vmem>>, vector<16xf32>,
        %get3A_254 = arith.index_cast %scan3A_198 : i32 to index
        %get3A_255 = arith.constant 144 : index
        %get3A_256 = tpu.vector_load %arg12[%get3A_254, %get3A_255] {strides = array<i32>} : memref<16x1024xf32, #tpu.memory_space<vmem>>, vector<16xf32>,
        %swap3A_257 = arith.index_cast %scan3A_198 : i32 to index
        %swap3A_258 = arith.constant 144 : index
        %swap3A_259 = tpu.vector_load %arg14[%swap3A_257, %swap3A_258] {strides = array<i32>} : memref<16x1000xf32, #tpu.memory_space<vmem>>, vector<16xf32>,
        tpu.vector_store %arg14[%swap3A_257, %swap3A_258], %get3A_256 {strides = array<i32>} : memref<16x1000xf32, #tpu.memory_space<vmem>>, vector<16xf32>,
        %get3A_260 = arith.index_cast %scan3A_198 : i32 to index
        %get3A_261 = arith.constant 160 : index
        %get3A_262 = tpu.vector_load %arg12[%get3A_260, %get3A_261] {strides = array<i32>} : memref<16x1024xf32, #tpu.memory_space<vmem>>, vector<16xf32>,
        %swap3A_263 = arith.index_cast %scan3A_198 : i32 to index
        %swap3A_264 = arith.constant 160 : index
        %swap3A_265 = tpu.vector_load %arg14[%swap3A_263, %swap3A_264] {strides = array<i32>} : memref<16x1000xf32, #tpu.memory_space<vmem>>, vector<16xf32>,
        tpu.vector_store %arg14[%swap3A_263, %swap3A_264], %get3A_262 {strides = array<i32>} : memref<16x1000xf32, #tpu.memory_space<vmem>>, vector<16xf32>,
        %get3A_266 = arith.index_cast %scan3A_198 : i32 to index
        %get3A_267 = arith.constant 176 : index
        %get3A_268 = tpu.vector_load %arg12[%get3A_266, %get3A_267] {strides = array<i32>} : memref<16x1024xf32, #tpu.memory_space<vmem>>, vector<16xf32>,
        %swap3A_269 = arith.index_cast %scan3A_198 : i32 to index
        %swap3A_270 = arith.constant 176 : index
        %swap3A_271 = tpu.vector_load %arg14[%swap3A_269, %swap3A_270] {strides = array<i32>} : memref<16x1000xf32, #tpu.memory_space<vmem>>, vector<16xf32>,
        tpu.vector_store %arg14[%swap3A_269, %swap3A_270], %get3A_268 {strides = array<i32>} : memref<16x1000xf32, #tpu.memory_space<vmem>>, vector<16xf32>,
        %get3A_272 = arith.index_cast %scan3A_198 : i32 to index
        %get3A_273 = arith.constant 192 : index
        %get3A_274 = tpu.vector_load %arg12[%get3A_272, %get3A_273] {strides = array<i32>} : memref<16x1024xf32, #tpu.memory_space<vmem>>, vector<16xf32>,
        %swap3A_275 = arith.index_cast %scan3A_198 : i32 to index
        %swap3A_276 = arith.constant 192 : index
        %swap3A_277 = tpu.vector_load %arg14[%swap3A_275, %swap3A_276] {strides = array<i32>} : memref<16x1000xf32, #tpu.memory_space<vmem>>, vector<16xf32>,
        tpu.vector_store %arg14[%swap3A_275, %swap3A_276], %get3A_274 {strides = array<i32>} : memref<16x1000xf32, #tpu.memory_space<vmem>>, vector<16xf32>,
        %get3A_278 = arith.index_cast %scan3A_198 : i32 to index
        %get3A_279 = arith.constant 208 : index
        %get3A_280 = tpu.vector_load %arg12[%get3A_278, %get3A_279] {strides = array<i32>} : memref<16x1024xf32, #tpu.memory_space<vmem>>, vector<16xf32>,
        %swap3A_281 = arith.index_cast %scan3A_198 : i32 to index
        %swap3A_282 = arith.constant 208 : index
        %swap3A_283 = tpu.vector_load %arg14[%swap3A_281, %swap3A_282] {strides = array<i32>} : memref<16x1000xf32, #tpu.memory_space<vmem>>, vector<16xf32>,
        tpu.vector_store %arg14[%swap3A_281, %swap3A_282], %get3A_280 {strides = array<i32>} : memref<16x1000xf32, #tpu.memory_space<vmem>>, vector<16xf32>,
        %get3A_284 = arith.index_cast %scan3A_198 : i32 to index
        %get3A_285 = arith.constant 224 : index
        %get3A_286 = tpu.vector_load %arg12[%get3A_284, %get3A_285] {strides = array<i32>} : memref<16x1024xf32, #tpu.memory_space<vmem>>, vector<16xf32>,
        %swap3A_287 = arith.index_cast %scan3A_198 : i32 to index
        %swap3A_288 = arith.constant 224 : index
        %swap3A_289 = tpu.vector_load %arg14[%swap3A_287, %swap3A_288] {strides = array<i32>} : memref<16x1000xf32, #tpu.memory_space<vmem>>, vector<16xf32>,
        tpu.vector_store %arg14[%swap3A_287, %swap3A_288], %get3A_286 {strides = array<i32>} : memref<16x1000xf32, #tpu.memory_space<vmem>>, vector<16xf32>,
        %get3A_290 = arith.index_cast %scan3A_198 : i32 to index
        %get3A_291 = arith.constant 240 : index
        %get3A_292 = tpu.vector_load %arg12[%get3A_290, %get3A_291] {strides = array<i32>} : memref<16x1024xf32, #tpu.memory_space<vmem>>, vector<16xf32>,
        %swap3A_293 = arith.index_cast %scan3A_198 : i32 to index
        %swap3A_294 = arith.constant 240 : index
        %swap3A_295 = tpu.vector_load %arg14[%swap3A_293, %swap3A_294] {strides = array<i32>} : memref<16x1000xf32, #tpu.memory_space<vmem>>, vector<16xf32>,
        tpu.vector_store %arg14[%swap3A_293, %swap3A_294], %get3A_292 {strides = array<i32>} : memref<16x1000xf32, #tpu.memory_space<vmem>>, vector<16xf32>,
        %get3A_296 = arith.index_cast %scan3A_198 : i32 to index
        %get3A_297 = arith.constant 256 : index
        %get3A_298 = tpu.vector_load %arg12[%get3A_296, %get3A_297] {strides = array<i32>} : memref<16x1024xf32, #tpu.memory_space<vmem>>, vector<16xf32>,
        %swap3A_299 = arith.index_cast %scan3A_198 : i32 to index
        %swap3A_300 = arith.constant 256 : index
        %swap3A_301 = tpu.vector_load %arg14[%swap3A_299, %swap3A_300] {strides = array<i32>} : memref<16x1000xf32, #tpu.memory_space<vmem>>, vector<16xf32>,
        tpu.vector_store %arg14[%swap3A_299, %swap3A_300], %get3A_298 {strides = array<i32>} : memref<16x1000xf32, #tpu.memory_space<vmem>>, vector<16xf32>,
        %get3A_302 = arith.index_cast %scan3A_198 : i32 to index
        %get3A_303 = arith.constant 272 : index
        %get3A_304 = tpu.vector_load %arg12[%get3A_302, %get3A_303] {strides = array<i32>} : memref<16x1024xf32, #tpu.memory_space<vmem>>, vector<16xf32>,
        %swap3A_305 = arith.index_cast %scan3A_198 : i32 to index
        %swap3A_306 = arith.constant 272 : index
        %swap3A_307 = tpu.vector_load %arg14[%swap3A_305, %swap3A_306] {strides = array<i32>} : memref<16x1000xf32, #tpu.memory_space<vmem>>, vector<16xf32>,
        tpu.vector_store %arg14[%swap3A_305, %swap3A_306], %get3A_304 {strides = array<i32>} : memref<16x1000xf32, #tpu.memory_space<vmem>>, vector<16xf32>,
        %get3A_308 = arith.index_cast %scan3A_198 : i32 to index
        %get3A_309 = arith.constant 288 : index
        %get3A_310 = tpu.vector_load %arg12[%get3A_308, %get3A_309] {strides = array<i32>} : memref<16x1024xf32, #tpu.memory_space<vmem>>, vector<16xf32>,
        %swap3A_311 = arith.index_cast %scan3A_198 : i32 to index
        %swap3A_312 = arith.constant 288 : index
        %swap3A_313 = tpu.vector_load %arg14[%swap3A_311, %swap3A_312] {strides = array<i32>} : memref<16x1000xf32, #tpu.memory_space<vmem>>, vector<16xf32>,
        tpu.vector_store %arg14[%swap3A_311, %swap3A_312], %get3A_310 {strides = array<i32>} : memref<16x1000xf32, #tpu.memory_space<vmem>>, vector<16xf32>,
        %get3A_314 = arith.index_cast %scan3A_198 : i32 to index
        %get3A_315 = arith.constant 304 : index
        %get3A_316 = tpu.vector_load %arg12[%get3A_314, %get3A_315] {strides = array<i32>} : memref<16x1024xf32, #tpu.memory_space<vmem>>, vector<16xf32>,
        %swap3A_317 = arith.index_cast %scan3A_198 : i32 to index
        %swap3A_318 = arith.constant 304 : index
        %swap3A_319 = tpu.vector_load %arg14[%swap3A_317, %swap3A_318] {strides = array<i32>} : memref<16x1000xf32, #tpu.memory_space<vmem>>, vector<16xf32>,
        tpu.vector_store %arg14[%swap3A_317, %swap3A_318], %get3A_316 {strides = array<i32>} : memref<16x1000xf32, #tpu.memory_space<vmem>>, vector<16xf32>,
        %get3A_320 = arith.index_cast %scan3A_198 : i32 to index
        %get3A_321 = arith.constant 320 : index
        %get3A_322 = tpu.vector_load %arg12[%get3A_320, %get3A_321] {strides = array<i32>} : memref<16x1024xf32, #tpu.memory_space<vmem>>, vector<16xf32>,
        %swap3A_323 = arith.index_cast %scan3A_198 : i32 to index
        %swap3A_324 = arith.constant 320 : index
        %swap3A_325 = tpu.vector_load %arg14[%swap3A_323, %swap3A_324] {strides = array<i32>} : memref<16x1000xf32, #tpu.memory_space<vmem>>, vector<16xf32>,
        tpu.vector_store %arg14[%swap3A_323, %swap3A_324], %get3A_322 {strides = array<i32>} : memref<16x1000xf32, #tpu.memory_space<vmem>>, vector<16xf32>,
        %get3A_326 = arith.index_cast %scan3A_198 : i32 to index
        %get3A_327 = arith.constant 336 : index
        %get3A_328 = tpu.vector_load %arg12[%get3A_326, %get3A_327] {strides = array<i32>} : memref<16x1024xf32, #tpu.memory_space<vmem>>, vector<16xf32>,
        %swap3A_329 = arith.index_cast %scan3A_198 : i32 to index
        %swap3A_330 = arith.constant 336 : index
        %swap3A_331 = tpu.vector_load %arg14[%swap3A_329, %swap3A_330] {strides = array<i32>} : memref<16x1000xf32, #tpu.memory_space<vmem>>, vector<16xf32>,
        tpu.vector_store %arg14[%swap3A_329, %swap3A_330], %get3A_328 {strides = array<i32>} : memref<16x1000xf32, #tpu.memory_space<vmem>>, vector<16xf32>,
        %get3A_332 = arith.index_cast %scan3A_198 : i32 to index
        %get3A_333 = arith.constant 352 : index
        %get3A_334 = tpu.vector_load %arg12[%get3A_332, %get3A_333] {strides = array<i32>} : memref<16x1024xf32, #tpu.memory_space<vmem>>, vector<16xf32>,
        %swap3A_335 = arith.index_cast %scan3A_198 : i32 to index
        %swap3A_336 = arith.constant 352 : index
        %swap3A_337 = tpu.vector_load %arg14[%swap3A_335, %swap3A_336] {strides = array<i32>} : memref<16x1000xf32, #tpu.memory_space<vmem>>, vector<16xf32>,
        tpu.vector_store %arg14[%swap3A_335, %swap3A_336], %get3A_334 {strides = array<i32>} : memref<16x1000xf32, #tpu.memory_space<vmem>>, vector<16xf32>,
        %get3A_338 = arith.index_cast %scan3A_198 : i32 to index
        %get3A_339 = arith.constant 368 : index
        %get3A_340 = tpu.vector_load %arg12[%get3A_338, %get3A_339] {strides = array<i32>} : memref<16x1024xf32, #tpu.memory_space<vmem>>, vector<16xf32>,
        %swap3A_341 = arith.index_cast %scan3A_198 : i32 to index
        %swap3A_342 = arith.constant 368 : index
        %swap3A_343 = tpu.vector_load %arg14[%swap3A_341, %swap3A_342] {strides = array<i32>} : memref<16x1000xf32, #tpu.memory_space<vmem>>, vector<16xf32>,
        tpu.vector_store %arg14[%swap3A_341, %swap3A_342], %get3A_340 {strides = array<i32>} : memref<16x1000xf32, #tpu.memory_space<vmem>>, vector<16xf32>,
        %get3A_344 = arith.index_cast %scan3A_198 : i32 to index
        %get3A_345 = arith.constant 384 : index
        %get3A_346 = tpu.vector_load %arg12[%get3A_344, %get3A_345] {strides = array<i32>} : memref<16x1024xf32, #tpu.memory_space<vmem>>, vector<16xf32>,
        %swap3A_347 = arith.index_cast %scan3A_198 : i32 to index
        %swap3A_348 = arith.constant 384 : index
        %swap3A_349 = tpu.vector_load %arg14[%swap3A_347, %swap3A_348] {strides = array<i32>} : memref<16x1000xf32, #tpu.memory_space<vmem>>, vector<16xf32>,
        tpu.vector_store %arg14[%swap3A_347, %swap3A_348], %get3A_346 {strides = array<i32>} : memref<16x1000xf32, #tpu.memory_space<vmem>>, vector<16xf32>,
        %get3A_350 = arith.index_cast %scan3A_198 : i32 to index
        %get3A_351 = arith.constant 400 : index
        %get3A_352 = tpu.vector_load %arg12[%get3A_350, %get3A_351] {strides = array<i32>} : memref<16x1024xf32, #tpu.memory_space<vmem>>, vector<16xf32>,
        %swap3A_353 = arith.index_cast %scan3A_198 : i32 to index
        %swap3A_354 = arith.constant 400 : index
        %swap3A_355 = tpu.vector_load %arg14[%swap3A_353, %swap3A_354] {strides = array<i32>} : memref<16x1000xf32, #tpu.memory_space<vmem>>, vector<16xf32>,
        tpu.vector_store %arg14[%swap3A_353, %swap3A_354], %get3A_352 {strides = array<i32>} : memref<16x1000xf32, #tpu.memory_space<vmem>>, vector<16xf32>,
        %get3A_356 = arith.index_cast %scan3A_198 : i32 to index
        %get3A_357 = arith.constant 416 : index
        %get3A_358 = tpu.vector_load %arg12[%get3A_356, %get3A_357] {strides = array<i32>} : memref<16x1024xf32, #tpu.memory_space<vmem>>, vector<16xf32>,
        %swap3A_359 = arith.index_cast %scan3A_198 : i32 to index
        %swap3A_360 = arith.constant 416 : index
        %swap3A_361 = tpu.vector_load %arg14[%swap3A_359, %swap3A_360] {strides = array<i32>} : memref<16x1000xf32, #tpu.memory_space<vmem>>, vector<16xf32>,
        tpu.vector_store %arg14[%swap3A_359, %swap3A_360], %get3A_358 {strides = array<i32>} : memref<16x1000xf32, #tpu.memory_space<vmem>>, vector<16xf32>,
        %get3A_362 = arith.index_cast %scan3A_198 : i32 to index
        %get3A_363 = arith.constant 432 : index
        %get3A_364 = tpu.vector_load %arg12[%get3A_362, %get3A_363] {strides = array<i32>} : memref<16x1024xf32, #tpu.memory_space<vmem>>, vector<16xf32>,
        %swap3A_365 = arith.index_cast %scan3A_198 : i32 to index
        %swap3A_366 = arith.constant 432 : index
        %swap3A_367 = tpu.vector_load %arg14[%swap3A_365, %swap3A_366] {strides = array<i32>} : memref<16x1000xf32, #tpu.memory_space<vmem>>, vector<16xf32>,
        tpu.vector_store %arg14[%swap3A_365, %swap3A_366], %get3A_364 {strides = array<i32>} : memref<16x1000xf32, #tpu.memory_space<vmem>>, vector<16xf32>,
        %get3A_368 = arith.index_cast %scan3A_198 : i32 to index
        %get3A_369 = arith.constant 448 : index
        %get3A_370 = tpu.vector_load %arg12[%get3A_368, %get3A_369] {strides = array<i32>} : memref<16x1024xf32, #tpu.memory_space<vmem>>, vector<16xf32>,
        %swap3A_371 = arith.index_cast %scan3A_198 : i32 to index
        %swap3A_372 = arith.constant 448 : index
        %swap3A_373 = tpu.vector_load %arg14[%swap3A_371, %swap3A_372] {strides = array<i32>} : memref<16x1000xf32, #tpu.memory_space<vmem>>, vector<16xf32>,
        tpu.vector_store %arg14[%swap3A_371, %swap3A_372], %get3A_370 {strides = array<i32>} : memref<16x1000xf32, #tpu.memory_space<vmem>>, vector<16xf32>,
        %get3A_374 = arith.index_cast %scan3A_198 : i32 to index
        %get3A_375 = arith.constant 464 : index
        %get3A_376 = tpu.vector_load %arg12[%get3A_374, %get3A_375] {strides = array<i32>} : memref<16x1024xf32, #tpu.memory_space<vmem>>, vector<16xf32>,
        %swap3A_377 = arith.index_cast %scan3A_198 : i32 to index
        %swap3A_378 = arith.constant 464 : index
        %swap3A_379 = tpu.vector_load %arg14[%swap3A_377, %swap3A_378] {strides = array<i32>} : memref<16x1000xf32, #tpu.memory_space<vmem>>, vector<16xf32>,
        tpu.vector_store %arg14[%swap3A_377, %swap3A_378], %get3A_376 {strides = array<i32>} : memref<16x1000xf32, #tpu.memory_space<vmem>>, vector<16xf32>,
        %get3A_380 = arith.index_cast %scan3A_198 : i32 to index
        %get3A_381 = arith.constant 480 : index
        %get3A_382 = tpu.vector_load %arg12[%get3A_380, %get3A_381] {strides = array<i32>} : memref<16x1024xf32, #tpu.memory_space<vmem>>, vector<16xf32>,
        %swap3A_383 = arith.index_cast %scan3A_198 : i32 to index
        %swap3A_384 = arith.constant 480 : index
        %swap3A_385 = tpu.vector_load %arg14[%swap3A_383, %swap3A_384] {strides = array<i32>} : memref<16x1000xf32, #tpu.memory_space<vmem>>, vector<16xf32>,
        tpu.vector_store %arg14[%swap3A_383, %swap3A_384], %get3A_382 {strides = array<i32>} : memref<16x1000xf32, #tpu.memory_space<vmem>>, vector<16xf32>,
        %get3A_386 = arith.index_cast %scan3A_198 : i32 to index
        %get3A_387 = arith.constant 496 : index
        %get3A_388 = tpu.vector_load %arg12[%get3A_386, %get3A_387] {strides = array<i32>} : memref<16x1024xf32, #tpu.memory_space<vmem>>, vector<16xf32>,
        %swap3A_389 = arith.index_cast %scan3A_198 : i32 to index
        %swap3A_390 = arith.constant 496 : index
        %swap3A_391 = tpu.vector_load %arg14[%swap3A_389, %swap3A_390] {strides = array<i32>} : memref<16x1000xf32, #tpu.memory_space<vmem>>, vector<16xf32>,
        tpu.vector_store %arg14[%swap3A_389, %swap3A_390], %get3A_388 {strides = array<i32>} : memref<16x1000xf32, #tpu.memory_space<vmem>>, vector<16xf32>,
        %get3A_392 = arith.index_cast %scan3A_198 : i32 to index
        %get3A_393 = arith.constant 512 : index
        %get3A_394 = tpu.vector_load %arg12[%get3A_392, %get3A_393] {strides = array<i32>} : memref<16x1024xf32, #tpu.memory_space<vmem>>, vector<16xf32>,
        %swap3A_395 = arith.index_cast %scan3A_198 : i32 to index
        %swap3A_396 = arith.constant 512 : index
        %swap3A_397 = tpu.vector_load %arg14[%swap3A_395, %swap3A_396] {strides = array<i32>} : memref<16x1000xf32, #tpu.memory_space<vmem>>, vector<16xf32>,
        tpu.vector_store %arg14[%swap3A_395, %swap3A_396], %get3A_394 {strides = array<i32>} : memref<16x1000xf32, #tpu.memory_space<vmem>>, vector<16xf32>,
        %get3A_398 = arith.index_cast %scan3A_198 : i32 to index
        %get3A_399 = arith.constant 528 : index
        %get3A_400 = tpu.vector_load %arg12[%get3A_398, %get3A_399] {strides = array<i32>} : memref<16x1024xf32, #tpu.memory_space<vmem>>, vector<16xf32>,
        %swap3A_401 = arith.index_cast %scan3A_198 : i32 to index
        %swap3A_402 = arith.constant 528 : index
        %swap3A_403 = tpu.vector_load %arg14[%swap3A_401, %swap3A_402] {strides = array<i32>} : memref<16x1000xf32, #tpu.memory_space<vmem>>, vector<16xf32>,
        tpu.vector_store %arg14[%swap3A_401, %swap3A_402], %get3A_400 {strides = array<i32>} : memref<16x1000xf32, #tpu.memory_space<vmem>>, vector<16xf32>,
        %get3A_404 = arith.index_cast %scan3A_198 : i32 to index
        %get3A_405 = arith.constant 544 : index
        %get3A_406 = tpu.vector_load %arg12[%get3A_404, %get3A_405] {strides = array<i32>} : memref<16x1024xf32, #tpu.memory_space<vmem>>, vector<16xf32>,
        %swap3A_407 = arith.index_cast %scan3A_198 : i32 to index
        %swap3A_408 = arith.constant 544 : index
        %swap3A_409 = tpu.vector_load %arg14[%swap3A_407, %swap3A_408] {strides = array<i32>} : memref<16x1000xf32, #tpu.memory_space<vmem>>, vector<16xf32>,
        tpu.vector_store %arg14[%swap3A_407, %swap3A_408], %get3A_406 {strides = array<i32>} : memref<16x1000xf32, #tpu.memory_space<vmem>>, vector<16xf32>,
        %get3A_410 = arith.index_cast %scan3A_198 : i32 to index
        %get3A_411 = arith.constant 560 : index
        %get3A_412 = tpu.vector_load %arg12[%get3A_410, %get3A_411] {strides = array<i32>} : memref<16x1024xf32, #tpu.memory_space<vmem>>, vector<16xf32>,
        %swap3A_413 = arith.index_cast %scan3A_198 : i32 to index
        %swap3A_414 = arith.constant 560 : index
        %swap3A_415 = tpu.vector_load %arg14[%swap3A_413, %swap3A_414] {strides = array<i32>} : memref<16x1000xf32, #tpu.memory_space<vmem>>, vector<16xf32>,
        tpu.vector_store %arg14[%swap3A_413, %swap3A_414], %get3A_412 {strides = array<i32>} : memref<16x1000xf32, #tpu.memory_space<vmem>>, vector<16xf32>,
        %get3A_416 = arith.index_cast %scan3A_198 : i32 to index
        %get3A_417 = arith.constant 576 : index
        %get3A_418 = tpu.vector_load %arg12[%get3A_416, %get3A_417] {strides = array<i32>} : memref<16x1024xf32, #tpu.memory_space<vmem>>, vector<16xf32>,
        %swap3A_419 = arith.index_cast %scan3A_198 : i32 to index
        %swap3A_420 = arith.constant 576 : index
        %swap3A_421 = tpu.vector_load %arg14[%swap3A_419, %swap3A_420] {strides = array<i32>} : memref<16x1000xf32, #tpu.memory_space<vmem>>, vector<16xf32>,
        tpu.vector_store %arg14[%swap3A_419, %swap3A_420], %get3A_418 {strides = array<i32>} : memref<16x1000xf32, #tpu.memory_space<vmem>>, vector<16xf32>,
        %get3A_422 = arith.index_cast %scan3A_198 : i32 to index
        %get3A_423 = arith.constant 592 : index
        %get3A_424 = tpu.vector_load %arg12[%get3A_422, %get3A_423] {strides = array<i32>} : memref<16x1024xf32, #tpu.memory_space<vmem>>, vector<16xf32>,
        %swap3A_425 = arith.index_cast %scan3A_198 : i32 to index
        %swap3A_426 = arith.constant 592 : index
        %swap3A_427 = tpu.vector_load %arg14[%swap3A_425, %swap3A_426] {strides = array<i32>} : memref<16x1000xf32, #tpu.memory_space<vmem>>, vector<16xf32>,
        tpu.vector_store %arg14[%swap3A_425, %swap3A_426], %get3A_424 {strides = array<i32>} : memref<16x1000xf32, #tpu.memory_space<vmem>>, vector<16xf32>,
        %get3A_428 = arith.index_cast %scan3A_198 : i32 to index
        %get3A_429 = arith.constant 608 : index
        %get3A_430 = tpu.vector_load %arg12[%get3A_428, %get3A_429] {strides = array<i32>} : memref<16x1024xf32, #tpu.memory_space<vmem>>, vector<16xf32>,
        %swap3A_431 = arith.index_cast %scan3A_198 : i32 to index
        %swap3A_432 = arith.constant 608 : index
        %swap3A_433 = tpu.vector_load %arg14[%swap3A_431, %swap3A_432] {strides = array<i32>} : memref<16x1000xf32, #tpu.memory_space<vmem>>, vector<16xf32>,
        tpu.vector_store %arg14[%swap3A_431, %swap3A_432], %get3A_430 {strides = array<i32>} : memref<16x1000xf32, #tpu.memory_space<vmem>>, vector<16xf32>,
        %get3A_434 = arith.index_cast %scan3A_198 : i32 to index
        %get3A_435 = arith.constant 624 : index
        %get3A_436 = tpu.vector_load %arg12[%get3A_434, %get3A_435] {strides = array<i32>} : memref<16x1024xf32, #tpu.memory_space<vmem>>, vector<16xf32>,
        %swap3A_437 = arith.index_cast %scan3A_198 : i32 to index
        %swap3A_438 = arith.constant 624 : index
        %swap3A_439 = tpu.vector_load %arg14[%swap3A_437, %swap3A_438] {strides = array<i32>} : memref<16x1000xf32, #tpu.memory_space<vmem>>, vector<16xf32>,
        tpu.vector_store %arg14[%swap3A_437, %swap3A_438], %get3A_436 {strides = array<i32>} : memref<16x1000xf32, #tpu.memory_space<vmem>>, vector<16xf32>,
        %get3A_440 = arith.index_cast %scan3A_198 : i32 to index
        %get3A_441 = arith.constant 640 : index
        %get3A_442 = tpu.vector_load %arg12[%get3A_440, %get3A_441] {strides = array<i32>} : memref<16x1024xf32, #tpu.memory_space<vmem>>, vector<16xf32>,
        %swap3A_443 = arith.index_cast %scan3A_198 : i32 to index
        %swap3A_444 = arith.constant 640 : index
        %swap3A_445 = tpu.vector_load %arg14[%swap3A_443, %swap3A_444] {strides = array<i32>} : memref<16x1000xf32, #tpu.memory_space<vmem>>, vector<16xf32>,
        tpu.vector_store %arg14[%swap3A_443, %swap3A_444], %get3A_442 {strides = array<i32>} : memref<16x1000xf32, #tpu.memory_space<vmem>>, vector<16xf32>,
        %get3A_446 = arith.index_cast %scan3A_198 : i32 to index
        %get3A_447 = arith.constant 656 : index
        %get3A_448 = tpu.vector_load %arg12[%get3A_446, %get3A_447] {strides = array<i32>} : memref<16x1024xf32, #tpu.memory_space<vmem>>, vector<16xf32>,
        %swap3A_449 = arith.index_cast %scan3A_198 : i32 to index
        %swap3A_450 = arith.constant 656 : index
        %swap3A_451 = tpu.vector_load %arg14[%swap3A_449, %swap3A_450] {strides = array<i32>} : memref<16x1000xf32, #tpu.memory_space<vmem>>, vector<16xf32>,
        tpu.vector_store %arg14[%swap3A_449, %swap3A_450], %get3A_448 {strides = array<i32>} : memref<16x1000xf32, #tpu.memory_space<vmem>>, vector<16xf32>,
        %get3A_452 = arith.index_cast %scan3A_198 : i32 to index
        %get3A_453 = arith.constant 672 : index
        %get3A_454 = tpu.vector_load %arg12[%get3A_452, %get3A_453] {strides = array<i32>} : memref<16x1024xf32, #tpu.memory_space<vmem>>, vector<16xf32>,
        %swap3A_455 = arith.index_cast %scan3A_198 : i32 to index
        %swap3A_456 = arith.constant 672 : index
        %swap3A_457 = tpu.vector_load %arg14[%swap3A_455, %swap3A_456] {strides = array<i32>} : memref<16x1000xf32, #tpu.memory_space<vmem>>, vector<16xf32>,
        tpu.vector_store %arg14[%swap3A_455, %swap3A_456], %get3A_454 {strides = array<i32>} : memref<16x1000xf32, #tpu.memory_space<vmem>>, vector<16xf32>,
        %get3A_458 = arith.index_cast %scan3A_198 : i32 to index
        %get3A_459 = arith.constant 688 : index
        %get3A_460 = tpu.vector_load %arg12[%get3A_458, %get3A_459] {strides = array<i32>} : memref<16x1024xf32, #tpu.memory_space<vmem>>, vector<16xf32>,
        %swap3A_461 = arith.index_cast %scan3A_198 : i32 to index
        %swap3A_462 = arith.constant 688 : index
        %swap3A_463 = tpu.vector_load %arg14[%swap3A_461, %swap3A_462] {strides = array<i32>} : memref<16x1000xf32, #tpu.memory_space<vmem>>, vector<16xf32>,
        tpu.vector_store %arg14[%swap3A_461, %swap3A_462], %get3A_460 {strides = array<i32>} : memref<16x1000xf32, #tpu.memory_space<vmem>>, vector<16xf32>,
        %get3A_464 = arith.index_cast %scan3A_198 : i32 to index
        %get3A_465 = arith.constant 704 : index
        %get3A_466 = tpu.vector_load %arg12[%get3A_464, %get3A_465] {strides = array<i32>} : memref<16x1024xf32, #tpu.memory_space<vmem>>, vector<16xf32>,
        %swap3A_467 = arith.index_cast %scan3A_198 : i32 to index
        %swap3A_468 = arith.constant 704 : index
        %swap3A_469 = tpu.vector_load %arg14[%swap3A_467, %swap3A_468] {strides = array<i32>} : memref<16x1000xf32, #tpu.memory_space<vmem>>, vector<16xf32>,
        tpu.vector_store %arg14[%swap3A_467, %swap3A_468], %get3A_466 {strides = array<i32>} : memref<16x1000xf32, #tpu.memory_space<vmem>>, vector<16xf32>,
        %get3A_470 = arith.index_cast %scan3A_198 : i32 to index
        %get3A_471 = arith.constant 720 : index
        %get3A_472 = tpu.vector_load %arg12[%get3A_470, %get3A_471] {strides = array<i32>} : memref<16x1024xf32, #tpu.memory_space<vmem>>, vector<16xf32>,
        %swap3A_473 = arith.index_cast %scan3A_198 : i32 to index
        %swap3A_474 = arith.constant 720 : index
        %swap3A_475 = tpu.vector_load %arg14[%swap3A_473, %swap3A_474] {strides = array<i32>} : memref<16x1000xf32, #tpu.memory_space<vmem>>, vector<16xf32>,
        tpu.vector_store %arg14[%swap3A_473, %swap3A_474], %get3A_472 {strides = array<i32>} : memref<16x1000xf32, #tpu.memory_space<vmem>>, vector<16xf32>,
        %get3A_476 = arith.index_cast %scan3A_198 : i32 to index
        %get3A_477 = arith.constant 736 : index
        %get3A_478 = tpu.vector_load %arg12[%get3A_476, %get3A_477] {strides = array<i32>} : memref<16x1024xf32, #tpu.memory_space<vmem>>, vector<16xf32>,
        %swap3A_479 = arith.index_cast %scan3A_198 : i32 to index
        %swap3A_480 = arith.constant 736 : index
        %swap3A_481 = tpu.vector_load %arg14[%swap3A_479, %swap3A_480] {strides = array<i32>} : memref<16x1000xf32, #tpu.memory_space<vmem>>, vector<16xf32>,
        tpu.vector_store %arg14[%swap3A_479, %swap3A_480], %get3A_478 {strides = array<i32>} : memref<16x1000xf32, #tpu.memory_space<vmem>>, vector<16xf32>,
        %get3A_482 = arith.index_cast %scan3A_198 : i32 to index
        %get3A_483 = arith.constant 752 : index
        %get3A_484 = tpu.vector_load %arg12[%get3A_482, %get3A_483] {strides = array<i32>} : memref<16x1024xf32, #tpu.memory_space<vmem>>, vector<16xf32>,
        %swap3A_485 = arith.index_cast %scan3A_198 : i32 to index
        %swap3A_486 = arith.constant 752 : index
        %swap3A_487 = tpu.vector_load %arg14[%swap3A_485, %swap3A_486] {strides = array<i32>} : memref<16x1000xf32, #tpu.memory_space<vmem>>, vector<16xf32>,
        tpu.vector_store %arg14[%swap3A_485, %swap3A_486], %get3A_484 {strides = array<i32>} : memref<16x1000xf32, #tpu.memory_space<vmem>>, vector<16xf32>,
        %get3A_488 = arith.index_cast %scan3A_198 : i32 to index
        %get3A_489 = arith.constant 768 : index
        %get3A_490 = tpu.vector_load %arg12[%get3A_488, %get3A_489] {strides = array<i32>} : memref<16x1024xf32, #tpu.memory_space<vmem>>, vector<16xf32>,
        %swap3A_491 = arith.index_cast %scan3A_198 : i32 to index
        %swap3A_492 = arith.constant 768 : index
        %swap3A_493 = tpu.vector_load %arg14[%swap3A_491, %swap3A_492] {strides = array<i32>} : memref<16x1000xf32, #tpu.memory_space<vmem>>, vector<16xf32>,
        tpu.vector_store %arg14[%swap3A_491, %swap3A_492], %get3A_490 {strides = array<i32>} : memref<16x1000xf32, #tpu.memory_space<vmem>>, vector<16xf32>,
        %get3A_494 = arith.index_cast %scan3A_198 : i32 to index
        %get3A_495 = arith.constant 784 : index
        %get3A_496 = tpu.vector_load %arg12[%get3A_494, %get3A_495] {strides = array<i32>} : memref<16x1024xf32, #tpu.memory_space<vmem>>, vector<16xf32>,
        %swap3A_497 = arith.index_cast %scan3A_198 : i32 to index
        %swap3A_498 = arith.constant 784 : index
        %swap3A_499 = tpu.vector_load %arg14[%swap3A_497, %swap3A_498] {strides = array<i32>} : memref<16x1000xf32, #tpu.memory_space<vmem>>, vector<16xf32>,
        tpu.vector_store %arg14[%swap3A_497, %swap3A_498], %get3A_496 {strides = array<i32>} : memref<16x1000xf32, #tpu.memory_space<vmem>>, vector<16xf32>,
        %get3A_500 = arith.index_cast %scan3A_198 : i32 to index
        %get3A_501 = arith.constant 800 : index
        %get3A_502 = tpu.vector_load %arg12[%get3A_500, %get3A_501] {strides = array<i32>} : memref<16x1024xf32, #tpu.memory_space<vmem>>, vector<16xf32>,
        %swap3A_503 = arith.index_cast %scan3A_198 : i32 to index
        %swap3A_504 = arith.constant 800 : index
        %swap3A_505 = tpu.vector_load %arg14[%swap3A_503, %swap3A_504] {strides = array<i32>} : memref<16x1000xf32, #tpu.memory_space<vmem>>, vector<16xf32>,
        tpu.vector_store %arg14[%swap3A_503, %swap3A_504], %get3A_502 {strides = array<i32>} : memref<16x1000xf32, #tpu.memory_space<vmem>>, vector<16xf32>,
        %get3A_506 = arith.index_cast %scan3A_198 : i32 to index
        %get3A_507 = arith.constant 816 : index
        %get3A_508 = tpu.vector_load %arg12[%get3A_506, %get3A_507] {strides = array<i32>} : memref<16x1024xf32, #tpu.memory_space<vmem>>, vector<16xf32>,
        %swap3A_509 = arith.index_cast %scan3A_198 : i32 to index
        %swap3A_510 = arith.constant 816 : index
        %swap3A_511 = tpu.vector_load %arg14[%swap3A_509, %swap3A_510] {strides = array<i32>} : memref<16x1000xf32, #tpu.memory_space<vmem>>, vector<16xf32>,
        tpu.vector_store %arg14[%swap3A_509, %swap3A_510], %get3A_508 {strides = array<i32>} : memref<16x1000xf32, #tpu.memory_space<vmem>>, vector<16xf32>,
        %get3A_512 = arith.index_cast %scan3A_198 : i32 to index
        %get3A_513 = arith.constant 832 : index
        %get3A_514 = tpu.vector_load %arg12[%get3A_512, %get3A_513] {strides = array<i32>} : memref<16x1024xf32, #tpu.memory_space<vmem>>, vector<16xf32>,
        %swap3A_515 = arith.index_cast %scan3A_198 : i32 to index
        %swap3A_516 = arith.constant 832 : index
        %swap3A_517 = tpu.vector_load %arg14[%swap3A_515, %swap3A_516] {strides = array<i32>} : memref<16x1000xf32, #tpu.memory_space<vmem>>, vector<16xf32>,
        tpu.vector_store %arg14[%swap3A_515, %swap3A_516], %get3A_514 {strides = array<i32>} : memref<16x1000xf32, #tpu.memory_space<vmem>>, vector<16xf32>,
        %get3A_518 = arith.index_cast %scan3A_198 : i32 to index
        %get3A_519 = arith.constant 848 : index
        %get3A_520 = tpu.vector_load %arg12[%get3A_518, %get3A_519] {strides = array<i32>} : memref<16x1024xf32, #tpu.memory_space<vmem>>, vector<16xf32>,
        %swap3A_521 = arith.index_cast %scan3A_198 : i32 to index
        %swap3A_522 = arith.constant 848 : index
        %swap3A_523 = tpu.vector_load %arg14[%swap3A_521, %swap3A_522] {strides = array<i32>} : memref<16x1000xf32, #tpu.memory_space<vmem>>, vector<16xf32>,
        tpu.vector_store %arg14[%swap3A_521, %swap3A_522], %get3A_520 {strides = array<i32>} : memref<16x1000xf32, #tpu.memory_space<vmem>>, vector<16xf32>,
        %get3A_524 = arith.index_cast %scan3A_198 : i32 to index
        %get3A_525 = arith.constant 864 : index
        %get3A_526 = tpu.vector_load %arg12[%get3A_524, %get3A_525] {strides = array<i32>} : memref<16x1024xf32, #tpu.memory_space<vmem>>, vector<16xf32>,
        %swap3A_527 = arith.index_cast %scan3A_198 : i32 to index
        %swap3A_528 = arith.constant 864 : index
        %swap3A_529 = tpu.vector_load %arg14[%swap3A_527, %swap3A_528] {strides = array<i32>} : memref<16x1000xf32, #tpu.memory_space<vmem>>, vector<16xf32>,
        tpu.vector_store %arg14[%swap3A_527, %swap3A_528], %get3A_526 {strides = array<i32>} : memref<16x1000xf32, #tpu.memory_space<vmem>>, vector<16xf32>,
        %get3A_530 = arith.index_cast %scan3A_198 : i32 to index
        %get3A_531 = arith.constant 880 : index
        %get3A_532 = tpu.vector_load %arg12[%get3A_530, %get3A_531] {strides = array<i32>} : memref<16x1024xf32, #tpu.memory_space<vmem>>, vector<16xf32>,
        %swap3A_533 = arith.index_cast %scan3A_198 : i32 to index
        %swap3A_534 = arith.constant 880 : index
        %swap3A_535 = tpu.vector_load %arg14[%swap3A_533, %swap3A_534] {strides = array<i32>} : memref<16x1000xf32, #tpu.memory_space<vmem>>, vector<16xf32>,
        tpu.vector_store %arg14[%swap3A_533, %swap3A_534], %get3A_532 {strides = array<i32>} : memref<16x1000xf32, #tpu.memory_space<vmem>>, vector<16xf32>,
        %get3A_536 = arith.index_cast %scan3A_198 : i32 to index
        %get3A_537 = arith.constant 896 : index
        %get3A_538 = tpu.vector_load %arg12[%get3A_536, %get3A_537] {strides = array<i32>} : memref<16x1024xf32, #tpu.memory_space<vmem>>, vector<16xf32>,
        %swap3A_539 = arith.index_cast %scan3A_198 : i32 to index
        %swap3A_540 = arith.constant 896 : index
        %swap3A_541 = tpu.vector_load %arg14[%swap3A_539, %swap3A_540] {strides = array<i32>} : memref<16x1000xf32, #tpu.memory_space<vmem>>, vector<16xf32>,
        tpu.vector_store %arg14[%swap3A_539, %swap3A_540], %get3A_538 {strides = array<i32>} : memref<16x1000xf32, #tpu.memory_space<vmem>>, vector<16xf32>,
        %get3A_542 = arith.index_cast %scan3A_198 : i32 to index
        %get3A_543 = arith.constant 912 : index
        %get3A_544 = tpu.vector_load %arg12[%get3A_542, %get3A_543] {strides = array<i32>} : memref<16x1024xf32, #tpu.memory_space<vmem>>, vector<16xf32>,
        %swap3A_545 = arith.index_cast %scan3A_198 : i32 to index
        %swap3A_546 = arith.constant 912 : index
        %swap3A_547 = tpu.vector_load %arg14[%swap3A_545, %swap3A_546] {strides = array<i32>} : memref<16x1000xf32, #tpu.memory_space<vmem>>, vector<16xf32>,
        tpu.vector_store %arg14[%swap3A_545, %swap3A_546], %get3A_544 {strides = array<i32>} : memref<16x1000xf32, #tpu.memory_space<vmem>>, vector<16xf32>,
        %get3A_548 = arith.index_cast %scan3A_198 : i32 to index
        %get3A_549 = arith.constant 928 : index
        %get3A_550 = tpu.vector_load %arg12[%get3A_548, %get3A_549] {strides = array<i32>} : memref<16x1024xf32, #tpu.memory_space<vmem>>, vector<16xf32>,
        %swap3A_551 = arith.index_cast %scan3A_198 : i32 to index
        %swap3A_552 = arith.constant 928 : index
        %swap3A_553 = tpu.vector_load %arg14[%swap3A_551, %swap3A_552] {strides = array<i32>} : memref<16x1000xf32, #tpu.memory_space<vmem>>, vector<16xf32>,
        tpu.vector_store %arg14[%swap3A_551, %swap3A_552], %get3A_550 {strides = array<i32>} : memref<16x1000xf32, #tpu.memory_space<vmem>>, vector<16xf32>,
        %get3A_554 = arith.index_cast %scan3A_198 : i32 to index
        %get3A_555 = arith.constant 944 : index
        %get3A_556 = tpu.vector_load %arg12[%get3A_554, %get3A_555] {strides = array<i32>} : memref<16x1024xf32, #tpu.memory_space<vmem>>, vector<16xf32>,
        %swap3A_557 = arith.index_cast %scan3A_198 : i32 to index
        %swap3A_558 = arith.constant 944 : index
        %swap3A_559 = tpu.vector_load %arg14[%swap3A_557, %swap3A_558] {strides = array<i32>} : memref<16x1000xf32, #tpu.memory_space<vmem>>, vector<16xf32>,
        tpu.vector_store %arg14[%swap3A_557, %swap3A_558], %get3A_556 {strides = array<i32>} : memref<16x1000xf32, #tpu.memory_space<vmem>>, vector<16xf32>,
        %get3A_560 = arith.index_cast %scan3A_198 : i32 to index
        %get3A_561 = arith.constant 960 : index
        %get3A_562 = tpu.vector_load %arg12[%get3A_560, %get3A_561] {strides = array<i32>} : memref<16x1024xf32, #tpu.memory_space<vmem>>, vector<16xf32>,
        %swap3A_563 = arith.index_cast %scan3A_198 : i32 to index
        %swap3A_564 = arith.constant 960 : index
        %swap3A_565 = tpu.vector_load %arg14[%swap3A_563, %swap3A_564] {strides = array<i32>} : memref<16x1000xf32, #tpu.memory_space<vmem>>, vector<16xf32>,
        tpu.vector_store %arg14[%swap3A_563, %swap3A_564], %get3A_562 {strides = array<i32>} : memref<16x1000xf32, #tpu.memory_space<vmem>>, vector<16xf32>,
        %get3A_566 = arith.index_cast %scan3A_198 : i32 to index
        %get3A_567 = arith.constant 976 : index
        %get3A_568 = tpu.vector_load %arg12[%get3A_566, %get3A_567] {strides = array<i32>} : memref<16x1024xf32, #tpu.memory_space<vmem>>, vector<16xf32>,
        %swap3A_569 = arith.index_cast %scan3A_198 : i32 to index
        %swap3A_570 = arith.constant 976 : index
        %swap3A_571 = tpu.vector_load %arg14[%swap3A_569, %swap3A_570] {strides = array<i32>} : memref<16x1000xf32, #tpu.memory_space<vmem>>, vector<16xf32>,
        tpu.vector_store %arg14[%swap3A_569, %swap3A_570], %get3A_568 {strides = array<i32>} : memref<16x1000xf32, #tpu.memory_space<vmem>>, vector<16xf32>,
        %get3A_572 = arith.index_cast %scan3A_198 : i32 to index
        %get3A_573 = arith.constant 984 : index
        %get3A_574 = tpu.vector_load %arg12[%get3A_572, %get3A_573] {strides = array<i32>} : memref<16x1024xf32, #tpu.memory_space<vmem>>, vector<16xf32>,
        %swap3A_575 = arith.index_cast %scan3A_198 : i32 to index
        %swap3A_576 = arith.constant 984 : index
        %swap3A_577 = tpu.vector_load %arg14[%swap3A_575, %swap3A_576] {strides = array<i32>} : memref<16x1000xf32, #tpu.memory_space<vmem>>, vector<16xf32>,
        tpu.vector_store %arg14[%swap3A_575, %swap3A_576], %get3A_574 {strides = array<i32>} : memref<16x1000xf32, #tpu.memory_space<vmem>>, vector<16xf32>,
        %scan3A_578 = arith.constant 0 : i32
        scf.yield %scan3A_578 : i32
      }
      %scan3A_171 = arith.constant 16 : i32
      %mul3A_172 = arith.constant 16 : i32
      %mul3A_173 = arith.muli %add3A_149, %mul3A_172 : i32
      %get3A_174 = arith.index_cast %mul3A_173 : i32 to index
      %get3A_175 = tpu.vector_load %arg8[%get3A_174] {strides = array<i32>} : memref<1600xi32, #tpu.memory_space<vmem>>, vector<16xi32>,
      %mul3A_176 = arith.constant 16 : i32
      %mul3A_177 = arith.muli %add3A_149, %mul3A_176 : i32
      %get3A_178 = arith.index_cast %mul3A_177 : i32 to index
      %get3A_179 = tpu.vector_load %arg9[%get3A_178] {strides = array<i32>} : memref<1600xi32, #tpu.memory_space<vmem>>, vector<16xi32>,
      %gather3A_180 = tpu.vector_load_idx %arg12[%iota3A, %get3A_179] : memref<16x1024xf32, #tpu.memory_space<vmem>>[vector<16xi32>, vector<16xi32>], vector<16xf32>,
      %gather3A_181 = tpu.vector_load_idx %arg10[%get3A_175] : memref<1000xf32, #tpu.memory_space<vmem>>[vector<16xi32>], vector<16xf32>,
      %sub3A_182 = arith.subf %gather3A_181, %gather3A_180 : vector<16xf32>
      %add3A_183 = arith.addf %add3A_132, %sub3A_182 : vector<16xf32>
      %mul3A_184 = arith.constant 16 : i32
      %mul3A_185 = arith.muli %add3A_149, %mul3A_184 : i32
      %add3A_186 = arith.addi %mul3A_2, %mul3A_185 : i32
      %dma_start3A_187 = arith.constant 0 : i32
      %dma_start3A_188 = tpu.memref_slice %arg6[%add3A_186, %dma_start3A_187] : memref<51200x1000xf32, #tpu.memory_space<hbm>> -> memref<16x1000xf32, #tpu.memory_space<hbm>>
      %dma_start3A_189 = arith.constant 0 : i32
      %dma_start3A_190 = tpu.memref_slice %arg6[%add3A_186, %dma_start3A_189] : memref<51200x1000xf32, #tpu.memory_space<hbm>> -> memref<16x1000xf32, #tpu.memory_space<hbm>>
      tpu.enqueue_dma source(%arg14 : memref<16x1000xf32, #tpu.memory_space<vmem>>) target(%dma_start3A_190 : memref<16x1000xf32, #tpu.memory_space<hbm>>) target_semaphore(%arg19 : memref<!tpu.dma_semaphore, #tpu.memory_space<semaphore_mem>>)
      %add3A_191 = arith.constant 2 : i32
      %add3A_192 = arith.addi %add3A_149, %add3A_191 : i32
      %lt3A_193 = arith.constant 100 : i32
      %lt3A_194 = arith.cmpi slt, %add3A_192, %lt3A_193 : i32
      %convert_element_type3A_195 = arith.extui %lt3A_194 : i1 to i32
      %cond3A_196 = arith.constant 0 : i32
      %cond3A_197 = arith.cmpi ne, %convert_element_type3A_195, %cond3A_196 : i32
      scf.if %cond3A_197 {
        %add3A_198 = arith.constant 2 : i32
        %add3A_199 = arith.addi %add3A_149, %add3A_198 : i32
        %mul3A_200 = arith.constant 16 : i32
        %mul3A_201 = arith.muli %add3A_199, %mul3A_200 : i32
        %dma_start3A_202 = tpu.memref_slice %arg8[%mul3A_201] : memref<1600xi32, #tpu.memory_space<vmem>> -> memref<16xi32, #tpu.memory_space<vmem>>
        %dma_start3A_203 = arith.constant 0 : i32
        %dma_start3A_204 = arith.constant 0 : i32
        %dma_start3A_205 = tpu.memref_slice %arg2[%dma_start3A_203, %dma_start3A_204] : memref<1000x1024xf32, #tpu.memory_space<hbm>> -> memref<1000x1024xf32, #tpu.memory_space<hbm>>
        tpu.enqueue_indirect_dma source(%dma_start3A_205 : memref<1000x1024xf32, #tpu.memory_space<hbm>>) target(%arg12 : memref<16x1024xf32, #tpu.memory_space<vmem>>) offsets(%dma_start3A_202 : memref<16xi32, #tpu.memory_space<vmem>>) semaphore(%arg17 : memref<!tpu.dma_semaphore, #tpu.memory_space<semaphore_mem>>)
      } else {
      }
      scf.yield %add3A_183 : vector<16xf32>
    }
    %scan3A_75 = arith.constant 49 : i32
    %swap3A = arith.constant 0 : index
    %swap3A_76 = tpu.vector_load %arg15[%swap3A] {strides = array<i32>} : memref<16xf32, #tpu.memory_space<vmem>>, vector<16xf32>,
    tpu.vector_store %arg15[%swap3A], %scan3A_74 {strides = array<i32>} : memref<16xf32, #tpu.memory_space<vmem>>, vector<16xf32>,
    %add3A_77 = arith.constant 1568 : i32
    %add3A_78 = arith.addi %mul3A_2, %add3A_77 : i32
    %dma_wait3A_79 = arith.constant 0 : i32
    %dma_wait3A_80 = tpu.memref_slice %arg6[%add3A_78, %dma_wait3A_79] : memref<51200x1000xf32, #tpu.memory_space<hbm>> -> memref<16x1000xf32, #tpu.memory_space<hbm>>
    %dma_wait3A_81 = arith.constant 0 : i32
    %dma_wait3A_82 = tpu.memref_slice %arg6[%add3A_78, %dma_wait3A_81] : memref<51200x1000xf32, #tpu.memory_space<hbm>> -> memref<16x1000xf32, #tpu.memory_space<hbm>>
    tpu.wait_dma2 semaphore(%arg18 : memref<!tpu.dma_semaphore, #tpu.memory_space<semaphore_mem>>) src(%arg13 : memref<16x1000xf32, #tpu.memory_space<vmem>>) dst(%dma_wait3A_82 : memref<16x1000xf32, #tpu.memory_space<hbm>>)
    %add3A_83 = arith.constant 1584 : i32
    %add3A_84 = arith.addi %mul3A_2, %add3A_83 : i32
    %dma_wait3A_85 = arith.constant 0 : i32
    %dma_wait3A_86 = tpu.memref_slice %arg6[%add3A_84, %dma_wait3A_85] : memref<51200x1000xf32, #tpu.memory_space<hbm>> -> memref<16x1000xf32, #tpu.memory_space<hbm>>
    %dma_wait3A_87 = arith.constant 0 : i32
    %dma_wait3A_88 = tpu.memref_slice %arg6[%add3A_84, %dma_wait3A_87] : memref<51200x1000xf32, #tpu.memory_space<hbm>> -> memref<16x1000xf32, #tpu.memory_space<hbm>>
    tpu.wait_dma2 semaphore(%arg19 : memref<!tpu.dma_semaphore, #tpu.memory_space<semaphore_mem>>) src(%arg14 : memref<16x1000xf32, #tpu.memory_space<vmem>>) dst(%dma_wait3A_88 : memref<16x1000xf32, #tpu.memory_space<hbm>>)
    %mul3A_89 = arith.constant 16 : i32
    %mul3A_90 = arith.muli %add3A, %mul3A_89 : i32
    "tpu.region"() ({
      %run_scoped3A = tpu.sem_alloc : memref<!tpu.dma_semaphore, #tpu.memory_space<semaphore_mem>>
      %dma_start3A_91 = tpu.memref_slice %arg7[%mul3A_90] : memref<512xf32, #tpu.memory_space<hbm>> -> memref<16xf32, #tpu.memory_space<hbm>>
      %dma_start3A_92 = tpu.memref_slice %arg7[%mul3A_90] : memref<512xf32, #tpu.memory_space<hbm>> -> memref<16xf32, #tpu.memory_space<hbm>>
      tpu.enqueue_dma source(%arg15 : memref<16xf32, #tpu.memory_space<vmem>>) target(%dma_start3A_92 : memref<16xf32, #tpu.memory_space<hbm>>) target_semaphore(%run_scoped3A : memref<!tpu.dma_semaphore, #tpu.memory_space<semaphore_mem>>)
      %dma_wait3A_93 = tpu.memref_slice %arg7[%mul3A_90] : memref<512xf32, #tpu.memory_space<hbm>> -> memref<16xf32, #tpu.memory_space<hbm>>
      %dma_wait3A_94 = tpu.memref_slice %arg7[%mul3A_90] : memref<512xf32, #tpu.memory_space<hbm>> -> memref<16xf32, #tpu.memory_space<hbm>>
      tpu.wait_dma2 semaphore(%run_scoped3A : memref<!tpu.dma_semaphore, #tpu.memory_space<semaphore_mem>>) src(%arg15 : memref<16xf32, #tpu.memory_space<vmem>>) dst(%dma_wait3A_94 : memref<16xf32, #tpu.memory_space<hbm>>)
      tpu.yield
    }) : () -> ()
    return
  }
}

module attributes {stable_mosaic.version = 14 : i64} {
  func.func @_lse_body(%arg0: memref<1000x1000xf32, #tpu.memory_space<vmem>>, %arg1: memref<1000x1xf32, #tpu.memory_space<vmem>>) attributes {dimension_semantics = [], scalar_prefetch = 0 : i64, scratch_operands = 0 : i64, tpu.core_type = #tpu.core_type<tc>} {
    %get3A = arith.constant 0 : index
    %get3A_0 = arith.constant 0 : index
    %get3A_1 = vector.load %arg0[%get3A, %get3A_0] : memref<1000x1000xf32, #tpu.memory_space<vmem>>, vector<1000x1000xf32>
    %reduce_max3A = arith.constant dense<0xFF800000> : vector<1000xf32>
    %reduce_max3A_2 = vector.multi_reduction <maximumf>, %get3A_1, %reduce_max3A [1] : vector<1000x1000xf32> to vector<1000xf32>
    %broadcast_in_dim3A = vector.shape_cast %reduce_max3A_2 : vector<1000xf32> to vector<1000x1xf32>
    %sub3A = vector.broadcast %broadcast_in_dim3A : vector<1000x1xf32> to vector<1000x1000xf32>
    %sub3A_3 = arith.subf %get3A_1, %sub3A : vector<1000x1000xf32>
    %exp3A = math.exp %sub3A_3 : vector<1000x1000xf32>
    %reduce_sum3A = arith.constant dense<0.000000e+00> : vector<1000xf32>
    %reduce_sum3A_4 = vector.multi_reduction <add>, %exp3A, %reduce_sum3A [1] : vector<1000x1000xf32> to vector<1000xf32>
    %broadcast_in_dim3A_5 = vector.shape_cast %reduce_sum3A_4 : vector<1000xf32> to vector<1000x1xf32>
    %log3A = math.log %broadcast_in_dim3A_5 : vector<1000x1xf32>
    %add3A = arith.addf %broadcast_in_dim3A, %log3A : vector<1000x1xf32>
    %swap3A = arith.constant 0 : index
    %swap3A_6 = arith.constant 0 : index
    %swap3A_7 = vector.load %arg1[%swap3A, %swap3A_6] : memref<1000x1xf32, #tpu.memory_space<vmem>>, vector<1000x1xf32>
    tpu.vector_store %arg1[%swap3A, %swap3A_6], %add3A {strides = array<i32>} : memref<1000x1xf32, #tpu.memory_space<vmem>>, vector<1000x1xf32>,
    return
  }
}

module attributes {stable_mosaic.version = 14 : i64} {
  func.func @_sum_body(%arg0: memref<32x16xf32, #tpu.memory_space<vmem>>, %arg1: memref<1x1xf32, #tpu.memory_space<vmem>>) attributes {dimension_semantics = [], scalar_prefetch = 0 : i64, scratch_operands = 0 : i64, tpu.core_type = #tpu.core_type<tc>} {
    %get3A = arith.constant 0 : index
    %get3A_0 = arith.constant 0 : index
    %get3A_1 = vector.load %arg0[%get3A, %get3A_0] : memref<32x16xf32, #tpu.memory_space<vmem>>, vector<32x16xf32>
    %reduce_sum3A = vector.shape_cast %get3A_1 : vector<32x16xf32> to vector<1x32x16xf32>
    %reduce_sum3A_2 = arith.constant dense<0.000000e+00> : vector<1xf32>
    %reduce_sum3A_3 = vector.multi_reduction <add>, %reduce_sum3A, %reduce_sum3A_2 [1, 2] : vector<1x32x16xf32> to vector<1xf32>
    %reduce_sum3A_4 = vector.shape_cast %reduce_sum3A_3 : vector<1xf32> to vector<1x1x1xf32>
    %reduce_sum3A_5 = vector.extract %reduce_sum3A_4[0, 0, 0] : f32 from vector<1x1x1xf32>
    %broadcast_in_dim3A = vector.broadcast %reduce_sum3A_5 : f32 to vector<1x1xf32>
    %mul3A = arith.constant 1.95312496E-5 : f32
    %mul3A_6 = vector.broadcast %mul3A : f32 to vector<1x1xf32>
    %mul3A_7 = arith.mulf %broadcast_in_dim3A, %mul3A_6 : vector<1x1xf32>
    %swap3A = arith.constant 0 : index
    %swap3A_8 = arith.constant 0 : index
    %swap3A_9 = vector.load %arg1[%swap3A, %swap3A_8] : memref<1x1xf32, #tpu.memory_space<vmem>>, vector<1x1xf32>
    tpu.vector_store %arg1[%swap3A, %swap3A_8], %mul3A_7 {strides = array<i32>} : memref<1x1xf32, #tpu.memory_space<vmem>>, vector<1x1xf32>,
    return
  }
}

</mosaic_0001>

<sc_bundles>
// kernel: kernel.5.cloned.1.call-start
scs
__scs_entry_jumppad:
0x0: {  	(pc) =	sbr.rel $0x88, $3  }
0x1: {  	(tag) =	ssettag $0x0;
	lr =	simm.s32 $0x1  }
0x2: {  	[smem:$0x3F9E] =	sst lr;
	_ =	strace $0xD0000000  }
0x3: {  	_ = 	snop  }
0x4: {  	_ = 	snop  }
0x5: {  	_ = 	snop  }
0x6: {  	_ = 	snop  }
0x7: {  	_ = 	snop  }
__scs_overlays_trampoline_lowered:
0x8: {  	[smem:$0x3FAD] =	sst s0  }
0x9: {  	[smem:$0x3FAE] =	sst s1  }
0xa: {  	[smem:$0x3FAF] =	sst s2  }
0xb: {  	[smem:$0x3FB0] =	sst s3  }
0xc: {  	[smem:$0x3FB1] =	sst s4  }
0xd: {  	[smem:$0x3FB2] =	sst s5  }
0xe: {  	[smem:$0x3FB3] =	sst s6  }
0xf: {  	[smem:$0x3FB4] =	sst s7  }
0x10: {  	[smem:$0x3FB5] =	sst s8  }
0x11: {  	[smem:$0x3FB6] =	sst s9;
	s0 =	simm.s32 @!p0 $0x0  }
0x12: {  	s1 =	sld [smem:$0x3F9C];
	s0 =	simm.s32 @p0 $0x1  }
0x13: {  	[smem:$0x3FB7] =	sst s0;
	s0 =	simm.s32 @!p1 $0x0  }
0x14: {  	s2 =	sld [smem:$0x3F9B];
	s0 =	simm.s32 @p1 $0x1  }
0x15: {  	[smem:$0x3FB8] =	sst s0;
	s0 =	simm.s32 @!p2 $0x0  }
0x16: {  	s3 =	sld [smem:$0x3FDB];
	s0 =	simm.s32 @p2 $0x1  }
0x17: {  	s4 =	simm.s32 $0x1BF5;
	[smem:$0x3FBA] =	sst s0  }
0x18: {  	s0 =	sld [smem:$0x3F9D];
	_ =	swait.ge [sflag:s4], $0x0  }
0x19: {  	s7 =	sld [smem:$0x3F9E]  }
0x1a: {  	s8 =	sadd.s32 $0xFFFFE003, lr  }
0x1b: {  	s9 =	sadd.s32 $0xFFFFFEF7, lr;
	s5 =	simm.s32 $0xFFFFFFFF;
	p2 =	slt.u32 s8, $0xFFFFF086  }
0x1c: {  	p1 =	slt.u32 s9, $0xF7A;
	s5 =	simm.s32 @!p2 $0x0  }
0x1d: {  	s5 =	simm.s32 @p1 $0x1;
	p0 =	seq.s32 s7, s2  }
0x1e: {  	s7 =	smul.u32 @!p0 $0xF7A, s2;
	p2 =	seq.s32 @!p0 s5, $0x0  }
0x1f: {  	s9 =	smul.u32 $0xF7A, s1;
	s8 =	simm.s32 @!p0 $0x1BF5;
	p2 =	por !p2, p0  }
0x20: {  	[sflag:s8] =	ssyncset.s32 @!p0 $0xFFFFF086;
	s6 =	sadd.s32 @!p0 s3, s7;
	s7 =	simm.s32 @!p0 $0x108  }
0x21: {  	s3 =	sadd.s32 s3, s9;
	s6 =	sadd.s32 @!p0 $0x88, s6;
	s7 =	simm.s32 @p2 $0x1082  }
0x22: {  	[simem:s7], [sflag:s8] =	dma.local @!p0 [hbm:s6], $0xF7A  }
0x23: {  	s9 =	sor.u32 $0xD0000000, s2;
	s6 =	simm.s32 $0x108;
	_ =	swait.ge @!p0 [sflag:s8], $0x0  }
0x24: {  	s3 =	sadd.s32 $0x88, s3;
	s6 =	simm.s32 @!p1 $0x1082;
	[sflag:s4] =	ssyncset.s32 $0xFFFFF086  }
0x25: {  	[simem:s6], [sflag:s4] =	dma.local [hbm:s3], $0xF7A  }
0x26: {  	[smem:$0x3F9E] =	sst s1;
	(tag) =	ssettag s2;
	_ =	strace s9  }
0x27: {  	s1 =	sld [smem:$0x3FAE]  }
0x28: {  	s2 =	sld [smem:$0x3FAF]  }
0x29: {  	s4 =	sld [smem:$0x3FB1]  }
0x2a: {  	p0 =	seq.s32 s5, $0x0;
	s5 =	sld [smem:$0x3FB2]  }
0x2b: {  	s6 =	sld [smem:$0x3FB3]  }
0x2c: {  	s7 =	sld [smem:$0x3FB4]  }
0x2d: {  	s3 =	simm.s32 $0x108;
	s8 =	sld [smem:$0x3FB5]  }
0x2e: {  	s3 =	simm.s32 @!p0 $0x1082;
	s9 =	sld [smem:$0x3FB6]  }
0x2f: {  	lr =	sadd.s32 s0, s3;
	s0 =	sld [smem:$0x3FAD]  }
0x30: {  	s3 =	sld [smem:$0x3FB0]  }
0x31: {  	[smem:$0x3FB9] =	sst s10  }
0x32: {  	s10 =	sld [smem:$0x3FB7];
	_ =	sdelay $0x3  }
0x33: {  	p0 =	seq.s32 s10, $0x1;
	s10 =	sld [smem:$0x3FB9];
	_ =	sdelay $0x3  }
0x34: {  	[smem:$0x3FB9] =	sst s10  }
0x35: {  	s10 =	sld [smem:$0x3FB8];
	_ =	sdelay $0x3  }
0x36: {  	p1 =	seq.s32 s10, $0x1;
	s10 =	sld [smem:$0x3FB9];
	_ =	sdelay $0x3  }
0x37: {  	[smem:$0x3FB9] =	sst s10  }
0x38: {  	s10 =	sld [smem:$0x3FBA]  }
0x39: {  	_ = 	snop;
	(pc) =	sbr.ind lr, $3  }
0x3a: {  	_ = 	snop  }
0x3b: {  	_ = 	snop  }
0x3c: {  	p2 =	seq.s32 s10, $0x1;
	s10 =	sld [smem:$0x3FB9]  }
0x3d: {  	_ =	shalt  }
0x3e: {  	_ =	shalt  }
0x3f: {  	_ =	shalt  }
0x40: {  	_ =	shalt  }
0x41: {  	_ =	shalt  }
0x42: {  	_ =	shalt  }
0x43: {  	_ =	shalt  }
0x44: {  	_ =	shalt  }
0x45: {  	_ =	shalt  }
0x46: {  	_ =	shalt  }
0x47: {  	_ =	shalt  }
0x48: {  	_ =	shalt  }
0x49: {  	_ =	shalt  }
0x4a: {  	_ =	shalt  }
0x4b: {  	_ =	shalt  }
0x4c: {  	_ =	shalt  }
0x4d: {  	_ =	shalt  }
0x4e: {  	_ =	shalt  }
0x4f: {  	_ =	shalt  }
0x50: {  	_ =	shalt  }
0x51: {  	_ =	shalt  }
0x52: {  	_ =	shalt  }
0x53: {  	_ =	shalt  }
0x54: {  	_ =	shalt  }
0x55: {  	_ =	shalt  }
0x56: {  	_ =	shalt  }
0x57: {  	_ =	shalt  }
0x58: {  	_ =	shalt  }
0x59: {  	_ =	shalt  }
0x5a: {  	_ =	shalt  }
0x5b: {  	_ =	shalt  }
0x5c: {  	_ =	shalt  }
0x5d: {  	_ =	shalt  }
0x5e: {  	_ =	shalt  }
0x5f: {  	_ =	shalt  }
0x60: {  	_ =	shalt  }
0x61: {  	_ =	shalt  }
0x62: {  	_ =	shalt  }
0x63: {  	_ =	shalt  }
0x64: {  	_ =	shalt  }
0x65: {  	_ =	shalt  }
0x66: {  	_ =	shalt  }
0x67: {  	_ =	shalt  }
0x68: {  	_ =	shalt  }
0x69: {  	_ =	shalt  }
0x6a: {  	_ =	shalt  }
0x6b: {  	_ =	shalt  }
0x6c: {  	_ =	shalt  }
0x6d: {  	_ =	shalt  }
0x6e: {  	_ =	shalt  }
0x6f: {  	_ =	shalt  }
0x70: {  	_ =	shalt  }
0x71: {  	_ =	shalt  }
0x72: {  	_ =	shalt  }
0x73: {  	_ =	shalt  }
0x74: {  	_ =	shalt  }
0x75: {  	_ =	shalt  }
0x76: {  	_ =	shalt  }
0x77: {  	_ =	shalt  }
0x78: {  	_ =	shalt  }
0x79: {  	_ =	shalt  }
0x7a: {  	_ =	shalt  }
0x7b: {  	_ =	shalt  }
0x7c: {  	_ =	shalt  }
0x7d: {  	_ =	shalt  }
0x7e: {  	_ =	shalt  }
0x7f: {  	_ =	shalt  }
0x80: {  	_ =	shalt  }
0x81: {  	_ =	shalt  }
0x82: {  	_ =	shalt  }
0x83: {  	_ =	shalt  }
0x84: {  	_ =	shalt  }
0x85: {  	_ =	shalt  }
0x86: {  	_ =	shalt  }
0x87: {  	_ =	shalt  }
.Lfunc_end0:
.L_simem_size_0:
called_computation_lowered:
.L_overlay_start_0:
0x88: {  	s2 =	sld [smem:$0x3FD9]  }
0x89: {  	s3 =	sld [smem:$0x3FFE];
	_ =	sdelay $0x1  }
0x8a: {  	s1 =	srdreg.scid  }
0x8b: {  	s0 =	sand.u32 $0x1, s1  }
0x8c: {  	s14 =	sshll.u32 s0, $0xA;
	s2 =	sadd.s32 s3, s2  }
0x8d: {  	s2 =	sadd.s32 s2, s14  }
0x8e: {  	[smem:$0x3FC5] =	sst s2  }
0x8f: {  	_ = 	snop  }
0x90: {  	s2 =	sld [smem:$0x3FD0];
	_ =	sdelay $0x2  }
0x91: {  	s15 =	simm.s32 $0xA;
	s4 =	simm.s32 $0x10  }
0x92: {  	[smem:s4], [sflag:s15] =	dma.local [hbm:s2], $0x1  }
0x93: {  	_ =	swait.eq [sflag:s15], $0x1  }
0x94: {  	[sflag:s15] =	ssyncset.done $0x0  }
0x95: {  	[sflag:s15] =	ssyncadd.s32 $0xFFFFFFFF  }
0x96: {  	s16 =	sld [smem:$0x10];
	(tm) =	ssettm $0x1  }
0x97: {  	s17 =	sld [smem:$0x3FFB];
	_ =	sdelay $0x3  }
0x98: {  	_ =	strace s17  }
0x99: {  	s3 =	sld [smem:$0x3FFC];
	_ =	sdelay $0x3  }
0x9a: {  	_ =	strace s3  }
0x9b: {  	s3 =	sld [smem:$0x3FFD];
	_ =	sdelay $0x3  }
0x9c: {  	_ =	strace s3  }
0x9d: {  	_ =	strace $0x8FFFFFFF  }
0x9e: {  	s18 =	sld [smem:$0x3FDB];
	_ =	sdelay $0x1  }
0x9f: {  	s19 =	simm.s32 $_scs_section_size  }
0xa0: {  	s5 =	simm.s32 $_size__tile_overlayer_lowered;
	s6 =	simm.s32 $_tile_overlayer_lowered  }
0xa1: {  	s22 =	simm.s32 $0x1BFF;
	s21 =	sshll.u32 s6, $0x1;
	s3 =	sadd.s32 s19, s18  }
0xa2: {  	s7 =	simm.s32 $0x0;
	s20 =	sshll.u32 s5, $0x1;
	s5 =	sadd.s32 s21, s3  }
0xa3: {  	[timem:s7], [sflag:s22] =	dma.local [hbm:s5], s20  }
0xa4: {  	_ =	swait.ge [sflag:s22], s20  }
0xa5: {  	s4 =	ssub.s32 $0x0, s20;
	[sflag:s22] =	ssyncset.done $0x0  }
0xa6: {  	[sflag:s22] =	ssyncadd.s32 s4;
	_ =	sdelay $0x1  }
0xa7: {  	s23 =	simm.s32 $0x1B8B  }
0xa8: {  	_ =	swait.ge [sflag:s23], $0x1  }
0xa9: {  	[sflag:s23] =	ssyncset.done $0x0  }
0xaa: {  	s25 =	simm.s32 $0x1B8E;
	s24 =	sld [smem:$0x3FFE];
	[sflag:s23] =	ssyncadd.s32 $0xFFFFFFFF  }
0xab: {  	s26 =	simm.s32 $execute0_lowered;
	[smem:$0x3FD2] =	sst s25  }
0xac: {  	s5 =	sshll.u32 s26, $0x1;
	_ =	strace $0x80000046;
	[dreg:$0x1] =	wrdreg $0xFFFFFFFF  }
0xad: {  	s28 =	simm.s32 $_size_execute0_lowered;
	s3 =	sadd.s32 s3, s5;
	[dreg:$0x0] =	wrdreg $0x0  }
0xae: {  	s5 =	sshll.u32 s28, $0x1;
	[dreg:$0x2] =	wrdreg s3  }
0xaf: {  	[dreg:$0x3] =	wrdreg s5  }
0xb0: {  	[dreg:$0x4] =	wrdreg $0xC0  }
0xb1: {  	_ =	task [dreg:s7], $0x5FFFF  }
0xb2: {  	[dreg:$0x1] =	wrdreg $0xFFFFFFFF  }
0xb3: {  	[dreg:$0x0] =	wrdreg $0x60  }
0xb4: {  	[dreg:$0x2] =	wrdreg s16  }
0xb5: {  	[dreg:$0x3] =	wrdreg s24  }
0xb6: {  	[dreg:$0x4] =	wrdreg $0x9  }
0xb7: {  	_ =	task.clear_ibuf [dreg:s7], $0x5FFFF;
	_ =	strace $0x90000046  }
0xb8: {  	s29 =	simm.s32 $0x9;
	_ =	strace $0x80000048  }
0xb9: {  	_ =	swait.ge [sflag:s29], $0x1  }
0xba: {  	[sflag:s29] =	ssyncadd.s32 $0xFFFFFFFF  }
0xbb: {  	_ =	strace $0x90000048  }
0xbc: {  	_ =	sfence  }
0xbd: {  	s30 =	sld [smem:$0x0];
	_ =	sdelay $0x2  }
0xbe: {  	s31 =	sshll.u32 s1, $0xD;
	s1 =	sshrl.u32 s1, $0x2  }
0xbf: {  	s3 =	sand.u32 $0x4000, s31;
	s1 =	sadd.s32 s1, s30  }
0xc0: {  	s0 =	sor.u32 s3, s0;
	s1 =	sshll.u32 s1, $0x11  }
0xc1: {  	s0 =	sor.u32 s1, s0  }
0xc2: {  	s0 =	sadd.s32 $0x8F2B, s0  }
0xc3: {  	[sflag:s0] =	ssyncadd.remote.s32 $0x1  }
0xc4: {  	_ =	sfence.sel $0xFFFF  }
0xc5: {  	[dreg:$0x0] =	wrdreg $0xFFFFFFFF;
	(pc) =	sbr.abs _section_cstart, $3  }
0xc6: {  	[dreg:$0x1] =	wrdreg $0xFFFFFFFF  }
0xc7: {  	_ =	task.clear_ibuf [dreg:s7], $0x2FFFF;
	_ =	strace $0x9FFFFFFF  }
0xc8: {  	(tm) =	ssettm $0x7FFFFFFF  }
0xc9: {  	_ =	shalt  }
tec
execute0_lowered:
.L_overlay_start_1:
0x0: {  	(tag) =	ssettag $0x1  }
0x1: {  	s0 =	srdreg.scid;
	s2 =	rddreg [dreg:$0x0]  }
0x2: {  	s1 =	stileid.u32;
	s5 =	rddreg [dreg:$0x1];
	s3 =	simm.s32 $0x0  }
0x3: {  	s15 =	simm.s32 $0x5;
	s18 =	simm.s32 $0xD00;
	s19 =	simm.s32 $0x1100  }
0x4: {  	v0 =	vimm.s32 $0x2380;
	vm0 =	vcmask $0x300;
	s28 =	simm.s32 $0x5100;
	s30 =	simm.s32 $0x6100;
	s31 =	simm.s32 $0x6900  }
0x5: {  	s17 =	simm.s32 $0x8100;
	s20 =	simm.s32 $0x2;
	s21 =	simm.s32 $0xD100;
	v0 =	vsel vm0, $0x0, v0;
	vm0 =	vcmask $0x704  }
0x6: {  	s13 =	simm.s32 $0x3;
	s14 =	simm.s32 $0x4;
	s16 =	simm.s32 $0x0;
	v0 =	vsel vm0, $0x80, v0;
	vm0 =	vcmask $0xB08  }
0x7: {  	s0 =	sand.u32 $0x1, s0;
	s1 =	sshll.u32 s1, $0x1;
	[smem:$0x7FF] =	sst s3;
	v0 =	vsel vm0, $0x100, v0;
	vm0 =	vcmask $0xF0C  }
0x8: {  	s25 =	sadd.s32 $0x3C00, s5;
	s10 =	sadd.s32 $0x200, s2;
	s11 =	sadd.s32 $0x300, s2;
	v0 =	vsel vm0, $0x180, v0;
	vm0 =	vcmask $0x1310  }
0x9: {  	s1 =	sor.u32 s0, s1;
	_ =	strace $0x80000047;
	[dreg:$0x3] =	wrdreg s25;
	v0 =	vsel vm0, $0x200, v0;
	vm0 =	vcmask $0x1714  }
0xa: {  	s0 =	ssub.s32 $0x2, s0;
	s25 =	simm.s32 $0x1900;
	s4 =	smul.u32 $0x640, s1;
	v0 =	vsel vm0, $0x280, v0;
	vm0 =	vcmask $0x1B18  }
0xb: {  	s8 =	sshll.u32 s1, $0x1;
	s9 =	sshrl.u32 s0, $0x1;
	s1 =	smul.u32 $0x32000, s1;
	v0 =	vsel vm0, $0x300, v0;
	vm0 =	vcmask $0x1F1C  }
0xc: {  	s0 =	ssub.s32 s0, s9;
	s9 =	sadd.s32 $0x100, s2;
	s6 =	sshrl.u32 s4, $0x3;
	v0 =	vsel vm0, $0x380, v0;
	vm0 =	vcmask $0x2320  }
0xd: {  	s0 =	smax.u32 s0, $0x1;
	s7 =	sadd.s32 s6, s5;
	s6 =	sadd.s32 $0x3E00, s5;
	v0 =	vsel vm0, $0x2000, v0;
	vm0 =	vcmask $0x2724  }
0xe: {  	s5 =	sadd.s32 s8, s5;
	[dreg:$0x9] =	wrdreg s0;
	s26 =	sadd.s32 $0x800, s7;
	v0 =	vsel vm0, $0x2080, v0;
	vm0 =	vcmask $0x2B28  }
.Ltmp0:
0xf: {  	v2 =	vlaneseq.u32;
	s7 =	sadd.s32 $0x2200, s7;
	[dreg:$0x4] =	wrdreg s26;
	v1 =	vsel vm0, $0x2100, v0;
	vm0 =	vcmask $0x2F2C;
	(pc) =	sbr.rel .LBB2_1-.Ltmp0, $4  }
0x10: {  	vm1 =	vcmask $0x3B38;
	s0 =	simm.s32 $0x7900;
	s1 =	sadd.s32 s6, s1;
	[dreg:$0x5] =	wrdreg s7;
	v1 =	vsel vm0, $0x2180, v1;
	vm0 =	vcmask $0x3330  }
0x11: {  	v3 =	vshrl.u32 v2, $0x3;
	s8 =	simm.s32 $0x9100;
	s29 =	sadd.s32 $0x643E00, s5;
	[dreg:$0x6] =	wrdreg s1;
	v4 =	vsel vm0, $0x2200, v1;
	vm0 =	vcmask $0x3734  }
0x12: {  	s5 =	simm.s32 $0x8900;
	s1 =	sadd.s32 $0x800, s1;
	[dreg:$0x8] =	wrdreg s29;
	v0 =	vand.u32 $0x7, v2;
	v1 =	vmul.u32 $0x8, v3;
	v3 =	vsel vm0, $0x2280, v4  }
0x13: {  	s7 =	simm.s32 $0x1;
	[dreg:$0x7] =	wrdreg s1;
	s1 =	simm.s32 $0x7100;
	v2 =	vor.u32 $0x8, v2;
	vm0 =	vmmov $0xffff;
	v3 =	vsel vm1, $0x2300, v3  }
.LBB2_12:
0x14: {  	[tilespmem:$0x11100] =	vst v4  }
0x15: {  	_ =	swait.ge [sflag:s13], $0x4000  }
0x16: {  	[sflag:s13] =	ssyncset.done $0x0  }
0x17: {  	[sflag:s13] =	ssyncadd.s32 $0xFFFFC000  }
0x18: {  	_ =	swait.ge [sflag:s14], $0x4000  }
0x19: {  	[sflag:s14] =	ssyncset.done $0x0  }
0x1a: {  	s15 =	simm.s32 $0x11100;
	s12 =	rddreg [dreg:$0x8];
	[sflag:s14] =	ssyncadd.s32 $0xFFFFC000  }
0x1b: {  	[hbm4b:s12+s3] =	stream.linear.scatter [tilespmem:s15], [sflag:$0x5], $0x10, $0x38;
	[tilespmem:$0x11180] =	vst v63  }
0x1c: {  	s15 =	simm.s32 $0x5  }
0x1d: {  	_ =	swait.ge [sflag:s15], $0x10  }
0x1e: {  	s16 =	rddreg [dreg:$0xa]  }
0x1f: {  	s29 =	rddreg [dreg:$0x9];
	s16 =	sadd.s32 $0x1, s16  }
0x20: {  	p0 =	sne.s32 s16, s29  }
.Ltmp1:
0x21: {  	_ = 	snop;
	(pc) =	sbr.rel @!p0 .LBB2_13-.Ltmp1, $3  }
0x22: {  	_ =	sdelay $0x1  }
0x23: {  	[sflag:s15] =	ssyncset.done $0x0  }
0x24: {  	s25 =	simm.s32 $0x1900;
	[sflag:s15] =	ssyncadd.s32 $0xFFFFFFF0  }
.LBB2_1:
0x25: {  	[dreg:$0xa] =	wrdreg s16  }
0x26: {  	s12 =	rddreg [dreg:$0x4]  }
0x27: {  	[tilespmem:s3], [sflag:$0x5] =	stream.linear.gather [hbm4b:s12+s3], $0x640, $0x38;
	[tilespmem:$0x11180] =	vst v63  }
0x28: {  	_ =	swait.ge [sflag:s15], $0x640  }
0x29: {  	[sflag:s15] =	ssyncset.done $0x0  }
0x2a: {  	s26 =	simm.s32 $0x680;
	s24 =	rddreg [dreg:$0x5];
	[sflag:s15] =	ssyncadd.s32 $0xFFFFF9C0  }
0x2b: {  	[tilespmem:s26], [sflag:$0x5] =	stream.linear.gather [hbm4b:s24+s3], $0x640, $0x38;
	[tilespmem:$0x11180] =	vst v63  }
0x2c: {  	_ =	swait.ge [sflag:s15], $0x640  }
0x2d: {  	[sflag:s15] =	ssyncset.done $0x0  }
0x2e: {  	s29 =	rddreg [dreg:$0x3];
	[sflag:s15] =	ssyncadd.s32 $0xFFFFF9C0  }
0x2f: {  	[tilespmem:s18], [sflag:$0x5] =	stream.linear.gather [hbm4b:s29+s3], $0x400, $0x38;
	[tilespmem:$0x11180] =	vst v63  }
0x30: {  	_ =	swait.ge [sflag:s15], $0x400  }
0x31: {  	[sflag:s15] =	ssyncset.done $0x0  }
0x32: {  	[sflag:s15] =	ssyncadd.s32 $0xFFFFFC00  }
0x33: {  	v4 =	vld [tilespmem:$0x0];
	_ =	sdelay $0x4  }
0x34: {  	v5 =	vshll.u32 v4, $0x3  }
0x35: {  	v4 =	vand.u32 $0x7, v4;
	v5 =	vand.u32 $0xFFFFFFC0, v5  }
0x36: {  	v4 =	vor.u32 v4, v5  }
0x37: {  	v5 =	vperm.xlane v4, v0;
	_ =	sdelay $0x1  }
0x38: {  	v5 =	vadd.s32 v1, v5;
	_ =	sdelay $0x4  }
0x39: {  	[tilespmem:s19], [sflag:$0x1] =	stream.indirect_vreg.gather [hbm4b:s2+s3], $0x80, v5, vm0, $0xb8;
	[tilespmem:$0x11180] =	vst v63  }
0x3a: {  	v4 =	vperm.xlane v4, v2  }
0x3b: {  	[tilespmem:s25], [sflag:$0x1] =	stream.indirect_vreg.gather [hbm4b:s9+s3], $0x80, v5, vm0, $0xb8;
	[tilespmem:$0x11180] =	vst v63  }
0x3c: {  	s15 =	simm.s32 $0x2100;
	v4 =	vadd.s32 v1, v4  }
0x3d: {  	[tilespmem:s15], [sflag:$0x1] =	stream.indirect_vreg.gather [hbm4b:s10+s3], $0x80, v5, vm0, $0xb8;
	[tilespmem:$0x11180] =	vst v63  }
0x3e: {  	s16 =	simm.s32 $0x2900  }
0x3f: {  	[tilespmem:s16], [sflag:$0x1] =	stream.indirect_vreg.gather [hbm4b:s11+s3], $0x80, v5, vm0, $0xb8;
	[tilespmem:$0x11180] =	vst v63  }
0x40: {  	s22 =	simm.s32 $0x3100  }
0x41: {  	[tilespmem:s22], [sflag:$0x1] =	stream.indirect_vreg.gather [hbm4b:s2+s3], $0x80, v4, vm0, $0xb8;
	[tilespmem:$0x11180] =	vst v63  }
0x42: {  	s23 =	simm.s32 $0x3900  }
0x43: {  	[tilespmem:s23], [sflag:$0x1] =	stream.indirect_vreg.gather [hbm4b:s9+s3], $0x80, v4, vm0, $0xb8;
	[tilespmem:$0x11180] =	vst v63  }
0x44: {  	s24 =	simm.s32 $0x4100  }
0x45: {  	[tilespmem:s24], [sflag:$0x1] =	stream.indirect_vreg.gather [hbm4b:s10+s3], $0x80, v4, vm0, $0xb8;
	[tilespmem:$0x11180] =	vst v63  }
0x46: {  	s26 =	simm.s32 $0x4900  }
0x47: {  	[tilespmem:s26], [sflag:$0x1] =	stream.indirect_vreg.gather [hbm4b:s11+s3], $0x80, v4, vm0, $0xb8;
	[tilespmem:$0x11180] =	vst v63  }
0x48: {  	v4 =	vld [tilespmem:$0x10];
	_ =	sdelay $0x4  }
0x49: {  	v5 =	vshll.u32 v4, $0x3  }
0x4a: {  	v4 =	vand.u32 $0x7, v4;
	v5 =	vand.u32 $0xFFFFFFC0, v5  }
0x4b: {  	v4 =	vor.u32 v4, v5  }
0x4c: {  	v5 =	vperm.xlane v4, v0;
	_ =	sdelay $0x1  }
0x4d: {  	v5 =	vadd.s32 v1, v5;
	_ =	sdelay $0x4  }
0x4e: {  	[tilespmem:s28], [sflag:$0x2] =	stream.indirect_vreg.gather [hbm4b:s2+s3], $0x80, v5, vm0, $0xb8;
	[tilespmem:$0x11180] =	vst v63  }
0x4f: {  	s29 =	simm.s32 $0x5900;
	v4 =	vperm.xlane v4, v2  }
0x50: {  	[tilespmem:s29], [sflag:$0x2] =	stream.indirect_vreg.gather [hbm4b:s9+s3], $0x80, v5, vm0, $0xb8;
	[tilespmem:$0x11180] =	vst v63  }
0x51: {  	v4 =	vadd.s32 v1, v4  }
0x52: {  	[tilespmem:s30], [sflag:$0x2] =	stream.indirect_vreg.gather [hbm4b:s10+s3], $0x80, v5, vm0, $0xb8;
	[tilespmem:$0x11180] =	vst v63  }
0x53: {  	_ = 	snop  }
0x54: {  	[tilespmem:s31], [sflag:$0x2] =	stream.indirect_vreg.gather [hbm4b:s11+s3], $0x80, v5, vm0, $0xb8;
	[tilespmem:$0x11180] =	vst v63  }
0x55: {  	_ = 	snop  }
0x56: {  	[tilespmem:s1], [sflag:$0x2] =	stream.indirect_vreg.gather [hbm4b:s2+s3], $0x80, v4, vm0, $0xb8;
	[tilespmem:$0x11180] =	vst v63  }
0x57: {  	_ = 	snop  }
0x58: {  	[tilespmem:s0], [sflag:$0x2] =	stream.indirect_vreg.gather [hbm4b:s9+s3], $0x80, v4, vm0, $0xb8;
	[tilespmem:$0x11180] =	vst v63  }
0x59: {  	_ = 	snop  }
0x5a: {  	[tilespmem:s17], [sflag:$0x2] =	stream.indirect_vreg.gather [hbm4b:s10+s3], $0x80, v4, vm0, $0xb8;
	[tilespmem:$0x11180] =	vst v63  }
0x5b: {  	_ = 	snop  }
0x5c: {  	[tilespmem:s5], [sflag:$0x2] =	stream.indirect_vreg.gather [hbm4b:s11+s3], $0x80, v4, vm0, $0xb8;
	[tilespmem:$0x11180] =	vst v63  }
0x5d: {  	_ =	swait.ge [sflag:s7], $0x4000  }
0x5e: {  	s12 =	simm.s32 $0x0;
	s15 =	simm.s32 $0xFFFFC000;
	[sflag:s7] =	ssyncset.done $0x0  }
0x5f: {  	s23 =	simm.s32 $0x0;
	s24 =	simm.s32 $0x0;
	[sflag:s7] =	ssyncadd.s32 $0xFFFFC000  }
.LBB2_2:
0x60: {  	s16 =	sadd.s32 $0x4000, s15  }
0x61: {  	s22 =	sand.u32 $0x380, s12;
	s16 =	sand.u32 $0x2000, s16  }
0x62: {  	s16 =	sor.u32 s22, s16  }
0x63: {  	v4 =	vld [tilespmem:s16+$0x1100]  }
0x64: {  	v5 =	vld [tilespmem:s16+$0x1110]  }
0x65: {  	v6 =	vld [tilespmem:s16+$0x1120]  }
0x66: {  	v7 =	vld [tilespmem:s16+$0x1130]  }
0x67: {  	v8 =	vld [tilespmem:s16+$0x1140]  }
0x68: {  	[tilespmem:s16+$0x9100] =	vst v4;
	v4 =	vld [tilespmem:s16+$0x1150]  }
0x69: {  	v34 =	vld [tilespmem:s16+$0x1170];
	[tilespmem:s16+$0x9110] =	vst v5  }
0x6a: {  	v35 =	vld [tilespmem:s16+$0x1500];
	[tilespmem:s16+$0x9120] =	vst v6  }
0x6b: {  	v36 =	vld [tilespmem:s16+$0x1510];
	[tilespmem:s16+$0x9130] =	vst v7  }
0x6c: {  	v5 =	vld [tilespmem:s16+$0x1160];
	[tilespmem:s16+$0x9140] =	vst v8  }
0x6d: {  	[tilespmem:s16+$0x9150] =	vst v4;
	v4 =	vld [tilespmem:s16+$0x1520]  }
0x6e: {  	v37 =	vld [tilespmem:s16+$0x1540];
	[tilespmem:s16+$0x9170] =	vst v34  }
0x6f: {  	v38 =	vld [tilespmem:s16+$0x1550];
	[tilespmem:s16+$0x9500] =	vst v35  }
0x70: {  	v39 =	vld [tilespmem:s16+$0x1560];
	[tilespmem:s16+$0x9510] =	vst v36  }
0x71: {  	[tilespmem:s16+$0x9160] =	vst v5;
	v5 =	vld [tilespmem:s16+$0x1530]  }
0x72: {  	[tilespmem:s16+$0x9520] =	vst v4;
	v4 =	vld [tilespmem:s16+$0x1570]  }
0x73: {  	v40 =	vld [tilespmem:s16+$0x1910];
	[tilespmem:s16+$0x9540] =	vst v37  }
0x74: {  	v41 =	vld [tilespmem:s16+$0x1920];
	[tilespmem:s16+$0x9550] =	vst v38  }
0x75: {  	v42 =	vld [tilespmem:s16+$0x1930];
	[tilespmem:s16+$0x9560] =	vst v39  }
0x76: {  	[tilespmem:s16+$0x9530] =	vst v5;
	v5 =	vld [tilespmem:s16+$0x1900]  }
0x77: {  	[tilespmem:s16+$0x9570] =	vst v4;
	v4 =	vld [tilespmem:s16+$0x1940]  }
0x78: {  	v43 =	vld [tilespmem:s16+$0x1960];
	[tilespmem:s16+$0x9910] =	vst v40  }
0x79: {  	v44 =	vld [tilespmem:s16+$0x1970];
	[tilespmem:s16+$0x9920] =	vst v41  }
0x7a: {  	v45 =	vld [tilespmem:s16+$0x1D00];
	[tilespmem:s16+$0x9930] =	vst v42  }
0x7b: {  	[tilespmem:s16+$0x9900] =	vst v5;
	v5 =	vld [tilespmem:s16+$0x1950]  }
0x7c: {  	[tilespmem:s16+$0x9940] =	vst v4;
	v4 =	vld [tilespmem:s16+$0x1D10]  }
0x7d: {  	v46 =	vld [tilespmem:s16+$0x1D30];
	[tilespmem:s16+$0x9960] =	vst v43  }
0x7e: {  	v47 =	vld [tilespmem:s16+$0x1D40];
	[tilespmem:s16+$0x9970] =	vst v44  }
0x7f: {  	v48 =	vld [tilespmem:s16+$0x1D50];
	[tilespmem:s16+$0x9D00] =	vst v45  }
0x80: {  	[tilespmem:s16+$0x9950] =	vst v5;
	v5 =	vld [tilespmem:s16+$0x1D20]  }
0x81: {  	[tilespmem:s16+$0x9D10] =	vst v4;
	v4 =	vld [tilespmem:s16+$0x1D60]  }
0x82: {  	v49 =	vld [tilespmem:s16+$0x2100];
	[tilespmem:s16+$0x9D30] =	vst v46  }
0x83: {  	v50 =	vld [tilespmem:s16+$0x2110];
	[tilespmem:s16+$0x9D40] =	vst v47  }
0x84: {  	v51 =	vld [tilespmem:s16+$0x2120];
	[tilespmem:s16+$0x9D50] =	vst v48  }
0x85: {  	[tilespmem:s16+$0x9D20] =	vst v5;
	v5 =	vld [tilespmem:s16+$0x1D70]  }
0x86: {  	[tilespmem:s16+$0x9D60] =	vst v4;
	v4 =	vld [tilespmem:s16+$0x2130]  }
0x87: {  	v52 =	vld [tilespmem:s16+$0x2150];
	[tilespmem:s16+$0xA100] =	vst v49  }
0x88: {  	v53 =	vld [tilespmem:s16+$0x2160];
	[tilespmem:s16+$0xA110] =	vst v50  }
0x89: {  	v54 =	vld [tilespmem:s16+$0x2170];
	[tilespmem:s16+$0xA120] =	vst v51  }
0x8a: {  	[tilespmem:s16+$0x9D70] =	vst v5;
	v5 =	vld [tilespmem:s16+$0x2140]  }
0x8b: {  	[tilespmem:s16+$0xA130] =	vst v4;
	v4 =	vld [tilespmem:s16+$0x2500]  }
0x8c: {  	v55 =	vld [tilespmem:s16+$0x2520];
	[tilespmem:s16+$0xA150] =	vst v52  }
0x8d: {  	v56 =	vld [tilespmem:s16+$0x2530];
	[tilespmem:s16+$0xA160] =	vst v53  }
0x8e: {  	v57 =	vld [tilespmem:s16+$0x2540];
	[tilespmem:s16+$0xA170] =	vst v54  }
0x8f: {  	[tilespmem:s16+$0xA140] =	vst v5;
	v5 =	vld [tilespmem:s16+$0x2510]  }
0x90: {  	[tilespmem:s16+$0xA500] =	vst v4;
	v4 =	vld [tilespmem:s16+$0x2550]  }
0x91: {  	v58 =	vld [tilespmem:s16+$0x2570];
	[tilespmem:s16+$0xA520] =	vst v55  }
0x92: {  	v59 =	vld [tilespmem:s16+$0x2900];
	[tilespmem:s16+$0xA530] =	vst v56  }
0x93: {  	v60 =	vld [tilespmem:s16+$0x2910];
	[tilespmem:s16+$0xA540] =	vst v57  }
0x94: {  	[tilespmem:s16+$0xA510] =	vst v5;
	v5 =	vld [tilespmem:s16+$0x2560]  }
0x95: {  	[tilespmem:s16+$0xA550] =	vst v4;
	v4 =	vld [tilespmem:s16+$0x2920]  }
0x96: {  	v61 =	vld [tilespmem:s16+$0x2940];
	[tilespmem:s16+$0xA570] =	vst v58  }
0x97: {  	v62 =	vld [tilespmem:s16+$0x2950];
	[tilespmem:s16+$0xA900] =	vst v59  }
0x98: {  	v63 =	vld [tilespmem:s16+$0x2960];
	[tilespmem:s16+$0xA910] =	vst v60  }
0x99: {  	[tilespmem:s16+$0xA560] =	vst v5;
	v5 =	vld [tilespmem:s16+$0x2930]  }
0x9a: {  	[tilespmem:s16+$0xA920] =	vst v4;
	v4 =	vld [tilespmem:s16+$0x2970]  }
0x9b: {  	[tilespmem:s16+$0xA940] =	vst v61  }
0x9c: {  	s26 =	sand.u32 $0x7, s23;
	[tilespmem:s16+$0xA950] =	vst v62  }
0x9d: {  	s22 =	sshll.u32 s26, $0x7;
	[tilespmem:s16+$0xA960] =	vst v63  }
0x9e: {  	s22 =	sadd.s32 s22, s24;
	[tilespmem:s16+$0xA930] =	vst v5  }
0x9f: {  	s29 =	sor.u32 $0x1C00, s22;
	[tilespmem:s16+$0xA970] =	vst v4  }
0xa0: {  	v4 =	vld [tilespmem:s29+$0x1100];
	_ =	sdelay $0x4  }
0xa1: {  	s26 =	sor.u32 $0x1C10, s22;
	[tilespmem:s29+$0x9100] =	vst v4  }
0xa2: {  	v4 =	vld [tilespmem:s26+$0x1100];
	_ =	sdelay $0x4  }
0xa3: {  	s29 =	sor.u32 $0x1C20, s22;
	[tilespmem:s26+$0x9100] =	vst v4  }
0xa4: {  	v4 =	vld [tilespmem:s29+$0x1100];
	_ =	sdelay $0x4  }
0xa5: {  	s26 =	sor.u32 $0x1C30, s22;
	[tilespmem:s29+$0x9100] =	vst v4  }
0xa6: {  	v4 =	vld [tilespmem:s26+$0x1100];
	_ =	sdelay $0x4  }
0xa7: {  	s29 =	sor.u32 $0x1C40, s22;
	[tilespmem:s26+$0x9100] =	vst v4  }
0xa8: {  	v4 =	vld [tilespmem:s29+$0x1100];
	_ =	sdelay $0x4  }
0xa9: {  	s26 =	sor.u32 $0x1C50, s22;
	[tilespmem:s29+$0x9100] =	vst v4  }
0xaa: {  	v4 =	vld [tilespmem:s26+$0x1100];
	_ =	sdelay $0x4  }
0xab: {  	s29 =	sor.u32 $0x1C58, s22;
	[tilespmem:s26+$0x9100] =	vst v4  }
0xac: {  	p0 =	sne.s32 s12, $0x780;
	v4 =	vld [tilespmem:s29+$0x1100]  }
.Ltmp2:
0xad: {  	_ = 	snop;
	(pc) =	sbr.rel @p0 .LBB2_2-.Ltmp2, $3  }
0xae: {  	_ =	sdelay $0x1  }
0xaf: {  	s23 =	sadd.s32 $0x1, s23  }
0xb0: {  	s15 =	sadd.s32 $0x400, s15;
	s12 =	sadd.s32 $0x80, s12;
	s24 =	sadd.s32 $0x400, s24;
	[tilespmem:s29+$0x9100] =	vst v4  }
0xb1: {  	v4 =	vld [tilespmem:$0x680];
	_ =	sdelay $0x3  }
0xb2: {  	v6 =	vld [tilespmem:$0x0]  }
0xb3: {  	v5 =	vshll.u32 v4, $0x3  }
0xb4: {  	v4 =	vand.u32 $0x7F, v4;
	v5 =	vand.u32 $0xFFFFFC00, v5  }
0xb5: {  	v4 =	vor.u32 v4, v5  }
0xb6: {  	v4 =	vadd.s32 v3, v4;
	_ =	sdelay $0x3  }
0xb7: {  	s15 =	simm.s32 $0x0;
	s12 =	rddreg [dreg:$0x6];
	v5 =	vld.idx.msk [tilespmem:v6+s18+$0x0], $0xffff  }
0xb8: {  	v4 =	vld.idx.msk [tilespmem:v4+s19+$0x0], $0xffff;
	[hbm4b:s12+s15] =	stream.linear.scatter [tilespmem:s8], [sflag:$0x3], $0x4000, $0x38  }
0xb9: {  	v6 =	vld [tilespmem:$0x20];
	_ =	sdelay $0x4  }
0xba: {  	v7 =	vshll.u32 v6, $0x3  }
0xbb: {  	v6 =	vand.u32 $0x7, v6;
	v7 =	vand.u32 $0xFFFFFFC0, v7  }
0xbc: {  	v6 =	vor.u32 v6, v7  }
0xbd: {  	v7 =	vperm.xlane v6, v0;
	_ =	sdelay $0x1  }
0xbe: {  	v7 =	vadd.s32 v1, v7;
	_ =	sdelay $0x4  }
0xbf: {  	[tilespmem:s19], [sflag:$0x1] =	stream.indirect_vreg.gather [hbm4b:s2+s15], $0x80, v7, vm0, $0xb8;
	[tilespmem:$0x11180] =	vst v63  }
0xc0: {  	v6 =	vperm.xlane v6, v2  }
0xc1: {  	[tilespmem:s25], [sflag:$0x1] =	stream.indirect_vreg.gather [hbm4b:s9+s15], $0x80, v7, vm0, $0xb8;
	[tilespmem:$0x11180] =	vst v63  }
0xc2: {  	s22 =	simm.s32 $0x2100;
	v6 =	vadd.s32 v1, v6  }
0xc3: {  	[tilespmem:s22], [sflag:$0x1] =	stream.indirect_vreg.gather [hbm4b:s10+s15], $0x80, v7, vm0, $0xb8;
	[tilespmem:$0x11180] =	vst v63  }
0xc4: {  	s23 =	simm.s32 $0x2900  }
0xc5: {  	[tilespmem:s23], [sflag:$0x1] =	stream.indirect_vreg.gather [hbm4b:s11+s15], $0x80, v7, vm0, $0xb8;
	[tilespmem:$0x11180] =	vst v63  }
0xc6: {  	s24 =	simm.s32 $0x3100  }
0xc7: {  	[tilespmem:s24], [sflag:$0x1] =	stream.indirect_vreg.gather [hbm4b:s2+s15], $0x80, v6, vm0, $0xb8;
	[tilespmem:$0x11180] =	vst v63  }
0xc8: {  	s25 =	simm.s32 $0x3900  }
0xc9: {  	[tilespmem:s25], [sflag:$0x1] =	stream.indirect_vreg.gather [hbm4b:s9+s15], $0x80, v6, vm0, $0xb8;
	[tilespmem:$0x11180] =	vst v63  }
0xca: {  	s26 =	simm.s32 $0x4100  }
0xcb: {  	[tilespmem:s26], [sflag:$0x1] =	stream.indirect_vreg.gather [hbm4b:s10+s15], $0x80, v6, vm0, $0xb8;
	[tilespmem:$0x11180] =	vst v63  }
0xcc: {  	s29 =	simm.s32 $0x4900  }
0xcd: {  	[tilespmem:s29], [sflag:$0x1] =	stream.indirect_vreg.gather [hbm4b:s11+s15], $0x80, v6, vm0, $0xb8;
	[tilespmem:$0x11180] =	vst v63  }
0xce: {  	_ =	swait.ge [sflag:s20], $0x4000  }
0xcf: {  	s12 =	simm.s32 $0x0;
	[sflag:s20] =	ssyncset.done $0x0  }
0xd0: {  	s23 =	simm.s32 $0xFFFFC000;
	s24 =	simm.s32 $0x0;
	[sflag:s20] =	ssyncadd.s32 $0xFFFFC000  }
.LBB2_4:
0xd1: {  	s16 =	sadd.s32 $0x4000, s23  }
0xd2: {  	s22 =	sand.u32 $0x380, s12;
	s16 =	sand.u32 $0x2000, s16  }
0xd3: {  	s16 =	sor.u32 s22, s16  }
0xd4: {  	v6 =	vld [tilespmem:s16+$0x5100]  }
0xd5: {  	v7 =	vld [tilespmem:s16+$0x5110]  }
0xd6: {  	v8 =	vld [tilespmem:s16+$0x5120]  }
0xd7: {  	v9 =	vld [tilespmem:s16+$0x5130]  }
0xd8: {  	v10 =	vld [tilespmem:s16+$0x5140]  }
0xd9: {  	[tilespmem:s16+$0xD100] =	vst v6;
	v6 =	vld [tilespmem:s16+$0x5150]  }
0xda: {  	v34 =	vld [tilespmem:s16+$0x5170];
	[tilespmem:s16+$0xD110] =	vst v7  }
0xdb: {  	v35 =	vld [tilespmem:s16+$0x5500];
	[tilespmem:s16+$0xD120] =	vst v8  }
0xdc: {  	v36 =	vld [tilespmem:s16+$0x5510];
	[tilespmem:s16+$0xD130] =	vst v9  }
0xdd: {  	v7 =	vld [tilespmem:s16+$0x5160];
	[tilespmem:s16+$0xD140] =	vst v10  }
0xde: {  	[tilespmem:s16+$0xD150] =	vst v6;
	v6 =	vld [tilespmem:s16+$0x5520]  }
0xdf: {  	v37 =	vld [tilespmem:s16+$0x5540];
	[tilespmem:s16+$0xD170] =	vst v34  }
0xe0: {  	v38 =	vld [tilespmem:s16+$0x5550];
	[tilespmem:s16+$0xD500] =	vst v35  }
0xe1: {  	v39 =	vld [tilespmem:s16+$0x5560];
	[tilespmem:s16+$0xD510] =	vst v36  }
0xe2: {  	[tilespmem:s16+$0xD160] =	vst v7;
	v7 =	vld [tilespmem:s16+$0x5530]  }
0xe3: {  	[tilespmem:s16+$0xD520] =	vst v6;
	v6 =	vld [tilespmem:s16+$0x5570]  }
0xe4: {  	v40 =	vld [tilespmem:s16+$0x5910];
	[tilespmem:s16+$0xD540] =	vst v37  }
0xe5: {  	v41 =	vld [tilespmem:s16+$0x5920];
	[tilespmem:s16+$0xD550] =	vst v38  }
0xe6: {  	v42 =	vld [tilespmem:s16+$0x5930];
	[tilespmem:s16+$0xD560] =	vst v39  }
0xe7: {  	[tilespmem:s16+$0xD530] =	vst v7;
	v7 =	vld [tilespmem:s16+$0x5900]  }
0xe8: {  	[tilespmem:s16+$0xD570] =	vst v6;
	v6 =	vld [tilespmem:s16+$0x5940]  }
0xe9: {  	v43 =	vld [tilespmem:s16+$0x5960];
	[tilespmem:s16+$0xD910] =	vst v40  }
0xea: {  	v44 =	vld [tilespmem:s16+$0x5970];
	[tilespmem:s16+$0xD920] =	vst v41  }
0xeb: {  	v45 =	vld [tilespmem:s16+$0x5D00];
	[tilespmem:s16+$0xD930] =	vst v42  }
0xec: {  	[tilespmem:s16+$0xD900] =	vst v7;
	v7 =	vld [tilespmem:s16+$0x5950]  }
0xed: {  	[tilespmem:s16+$0xD940] =	vst v6;
	v6 =	vld [tilespmem:s16+$0x5D10]  }
0xee: {  	v46 =	vld [tilespmem:s16+$0x5D30];
	[tilespmem:s16+$0xD960] =	vst v43  }
0xef: {  	v47 =	vld [tilespmem:s16+$0x5D40];
	[tilespmem:s16+$0xD970] =	vst v44  }
0xf0: {  	v48 =	vld [tilespmem:s16+$0x5D50];
	[tilespmem:s16+$0xDD00] =	vst v45  }
0xf1: {  	[tilespmem:s16+$0xD950] =	vst v7;
	v7 =	vld [tilespmem:s16+$0x5D20]  }
0xf2: {  	[tilespmem:s16+$0xDD10] =	vst v6;
	v6 =	vld [tilespmem:s16+$0x5D60]  }
0xf3: {  	v49 =	vld [tilespmem:s16+$0x6100];
	[tilespmem:s16+$0xDD30] =	vst v46  }
0xf4: {  	v50 =	vld [tilespmem:s16+$0x6110];
	[tilespmem:s16+$0xDD40] =	vst v47  }
0xf5: {  	v51 =	vld [tilespmem:s16+$0x6120];
	[tilespmem:s16+$0xDD50] =	vst v48  }
0xf6: {  	[tilespmem:s16+$0xDD20] =	vst v7;
	v7 =	vld [tilespmem:s16+$0x5D70]  }
0xf7: {  	[tilespmem:s16+$0xDD60] =	vst v6;
	v6 =	vld [tilespmem:s16+$0x6130]  }
0xf8: {  	v52 =	vld [tilespmem:s16+$0x6150];
	[tilespmem:s16+$0xE100] =	vst v49  }
0xf9: {  	v53 =	vld [tilespmem:s16+$0x6160];
	[tilespmem:s16+$0xE110] =	vst v50  }
0xfa: {  	v54 =	vld [tilespmem:s16+$0x6170];
	[tilespmem:s16+$0xE120] =	vst v51  }
0xfb: {  	[tilespmem:s16+$0xDD70] =	vst v7;
	v7 =	vld [tilespmem:s16+$0x6140]  }
0xfc: {  	[tilespmem:s16+$0xE130] =	vst v6;
	v6 =	vld [tilespmem:s16+$0x6500]  }
0xfd: {  	v55 =	vld [tilespmem:s16+$0x6520];
	[tilespmem:s16+$0xE150] =	vst v52  }
0xfe: {  	v56 =	vld [tilespmem:s16+$0x6530];
	[tilespmem:s16+$0xE160] =	vst v53  }
0xff: {  	v57 =	vld [tilespmem:s16+$0x6540];
	[tilespmem:s16+$0xE170] =	vst v54  }
0x100: {  	[tilespmem:s16+$0xE140] =	vst v7;
	v7 =	vld [tilespmem:s16+$0x6510]  }
0x101: {  	[tilespmem:s16+$0xE500] =	vst v6;
	v6 =	vld [tilespmem:s16+$0x6550]  }
0x102: {  	v58 =	vld [tilespmem:s16+$0x6570];
	[tilespmem:s16+$0xE520] =	vst v55  }
0x103: {  	v59 =	vld [tilespmem:s16+$0x6900];
	[tilespmem:s16+$0xE530] =	vst v56  }
0x104: {  	v60 =	vld [tilespmem:s16+$0x6910];
	[tilespmem:s16+$0xE540] =	vst v57  }
0x105: {  	[tilespmem:s16+$0xE510] =	vst v7;
	v7 =	vld [tilespmem:s16+$0x6560]  }
0x106: {  	[tilespmem:s16+$0xE550] =	vst v6;
	v6 =	vld [tilespmem:s16+$0x6920]  }
0x107: {  	v61 =	vld [tilespmem:s16+$0x6940];
	[tilespmem:s16+$0xE570] =	vst v58  }
0x108: {  	v62 =	vld [tilespmem:s16+$0x6950];
	[tilespmem:s16+$0xE900] =	vst v59  }
0x109: {  	v63 =	vld [tilespmem:s16+$0x6960];
	[tilespmem:s16+$0xE910] =	vst v60  }
0x10a: {  	[tilespmem:s16+$0xE560] =	vst v7;
	v7 =	vld [tilespmem:s16+$0x6930]  }
0x10b: {  	[tilespmem:s16+$0xE920] =	vst v6;
	v6 =	vld [tilespmem:s16+$0x6970]  }
0x10c: {  	[tilespmem:s16+$0xE940] =	vst v61  }
0x10d: {  	s26 =	sand.u32 $0x7, s15;
	[tilespmem:s16+$0xE950] =	vst v62  }
0x10e: {  	s22 =	sshll.u32 s26, $0x7;
	[tilespmem:s16+$0xE960] =	vst v63  }
0x10f: {  	s22 =	sadd.s32 s22, s24;
	[tilespmem:s16+$0xE930] =	vst v7  }
0x110: {  	s29 =	sor.u32 $0x1C00, s22;
	[tilespmem:s16+$0xE970] =	vst v6  }
0x111: {  	v6 =	vld [tilespmem:s29+$0x5100];
	_ =	sdelay $0x4  }
0x112: {  	s25 =	sor.u32 $0x1C10, s22;
	[tilespmem:s29+$0xD100] =	vst v6  }
0x113: {  	v6 =	vld [tilespmem:s25+$0x5100];
	_ =	sdelay $0x4  }
0x114: {  	s26 =	sor.u32 $0x1C20, s22;
	[tilespmem:s25+$0xD100] =	vst v6  }
0x115: {  	v6 =	vld [tilespmem:s26+$0x5100];
	_ =	sdelay $0x4  }
0x116: {  	s29 =	sor.u32 $0x1C30, s22;
	[tilespmem:s26+$0xD100] =	vst v6  }
0x117: {  	v6 =	vld [tilespmem:s29+$0x5100];
	_ =	sdelay $0x4  }
0x118: {  	s25 =	sor.u32 $0x1C40, s22;
	[tilespmem:s29+$0xD100] =	vst v6  }
0x119: {  	v6 =	vld [tilespmem:s25+$0x5100];
	_ =	sdelay $0x4  }
0x11a: {  	s26 =	sor.u32 $0x1C50, s22;
	[tilespmem:s25+$0xD100] =	vst v6  }
0x11b: {  	v6 =	vld [tilespmem:s26+$0x5100];
	_ =	sdelay $0x4  }
0x11c: {  	s29 =	sor.u32 $0x1C58, s22;
	[tilespmem:s26+$0xD100] =	vst v6  }
0x11d: {  	p0 =	sne.s32 s12, $0x780;
	v6 =	vld [tilespmem:s29+$0x5100]  }
.Ltmp3:
0x11e: {  	_ = 	snop;
	(pc) =	sbr.rel @p0 .LBB2_4-.Ltmp3, $3  }
0x11f: {  	_ =	sdelay $0x1  }
0x120: {  	s15 =	sadd.s32 $0x1, s15  }
0x121: {  	s23 =	sadd.s32 $0x400, s23;
	s12 =	sadd.s32 $0x80, s12;
	s24 =	sadd.s32 $0x400, s24;
	[tilespmem:s29+$0xD100] =	vst v6  }
0x122: {  	v6 =	vld [tilespmem:$0x690];
	_ =	sdelay $0x3  }
0x123: {  	v8 =	vld [tilespmem:$0x10]  }
0x124: {  	v7 =	vshll.u32 v6, $0x3  }
0x125: {  	v6 =	vand.u32 $0x7F, v6;
	v7 =	vand.u32 $0xFFFFFC00, v7  }
0x126: {  	v6 =	vor.u32 v6, v7  }
0x127: {  	v6 =	vadd.s32 v3, v6;
	_ =	sdelay $0x3  }
0x128: {  	s15 =	simm.s32 $0x0;
	s12 =	rddreg [dreg:$0x7];
	v7 =	vld.idx.msk [tilespmem:v8+s18+$0x0], $0xffff  }
0x129: {  	v6 =	vld.idx.msk [tilespmem:v6+s28+$0x0], $0xffff;
	[hbm4b:s12+s15] =	stream.linear.scatter [tilespmem:s21], [sflag:$0x4], $0x4000, $0x38  }
0x12a: {  	v63 =	vld [tilespmem:$0x30];
	_ =	sdelay $0x4  }
0x12b: {  	v9 =	vshll.u32 v63, $0x3  }
0x12c: {  	v8 =	vand.u32 $0x7, v63;
	v9 =	vand.u32 $0xFFFFFFC0, v9  }
0x12d: {  	v8 =	vor.u32 v8, v9  }
0x12e: {  	v9 =	vperm.xlane v8, v0;
	_ =	sdelay $0x1  }
0x12f: {  	v9 =	vadd.s32 v1, v9;
	_ =	sdelay $0x4  }
0x130: {  	[tilespmem:s28], [sflag:$0x2] =	stream.indirect_vreg.gather [hbm4b:s2+s15], $0x80, v9, vm0, $0xb8;
	[tilespmem:$0x11180] =	vst v63  }
0x131: {  	s29 =	simm.s32 $0x5900;
	v8 =	vperm.xlane v8, v2  }
0x132: {  	[tilespmem:s29], [sflag:$0x2] =	stream.indirect_vreg.gather [hbm4b:s9+s15], $0x80, v9, vm0, $0xb8;
	[tilespmem:$0x11180] =	vst v63  }
0x133: {  	v8 =	vadd.s32 v1, v8  }
0x134: {  	[tilespmem:s30], [sflag:$0x2] =	stream.indirect_vreg.gather [hbm4b:s10+s15], $0x80, v9, vm0, $0xb8;
	[tilespmem:$0x11180] =	vst v63  }
0x135: {  	_ = 	snop  }
0x136: {  	[tilespmem:s31], [sflag:$0x2] =	stream.indirect_vreg.gather [hbm4b:s11+s15], $0x80, v9, vm0, $0xb8;
	[tilespmem:$0x11180] =	vst v63  }
0x137: {  	_ = 	snop  }
0x138: {  	[tilespmem:s1], [sflag:$0x2] =	stream.indirect_vreg.gather [hbm4b:s2+s15], $0x80, v8, vm0, $0xb8;
	[tilespmem:$0x11180] =	vst v63  }
0x139: {  	_ = 	snop  }
0x13a: {  	v4 =	vsub.f32 v5, v4;
	[tilespmem:s0], [sflag:$0x2] =	stream.indirect_vreg.gather [hbm4b:s9+s15], $0x80, v8, vm0, $0xb8;
	[tilespmem:$0x11180] =	vst v63  }
0x13b: {  	_ = 	snop  }
0x13c: {  	v4 =	vadd.f32 $0.0e+00, v4;
	v5 =	vsub.f32 v7, v6;
	[tilespmem:s17], [sflag:$0x2] =	stream.indirect_vreg.gather [hbm4b:s10+s15], $0x80, v8, vm0, $0xb8;
	[tilespmem:$0x11180] =	vst v63  }
0x13d: {  	_ = 	snop  }
0x13e: {  	v4 =	vadd.f32 v5, v4;
	[tilespmem:s5], [sflag:$0x2] =	stream.indirect_vreg.gather [hbm4b:s11+s15], $0x80, v8, vm0, $0xb8;
	[tilespmem:$0x11180] =	vst v63  }
.LBB2_6:
0x13f: {  	_ =	swait.ge [sflag:s7], $0x4000  }
0x140: {  	[sflag:s7] =	ssyncset.done $0x0  }
0x141: {  	[sflag:s7] =	ssyncadd.s32 $0xFFFFC000  }
0x142: {  	_ =	swait.ge [sflag:s13], $0x4000  }
0x143: {  	s23 =	simm.s32 $0xFFFFC000;
	s24 =	simm.s32 $0x0;
	[sflag:s13] =	ssyncset.done $0x0  }
0x144: {  	s25 =	simm.s32 $0x0;
	s12 =	simm.s32 $0x0;
	[sflag:s13] =	ssyncadd.s32 $0xFFFFC000  }
.LBB2_7:
0x145: {  	s16 =	sadd.s32 $0x4000, s23  }
0x146: {  	s22 =	sand.u32 $0x380, s12;
	s16 =	sand.u32 $0x2000, s16  }
0x147: {  	s16 =	sor.u32 s22, s16  }
0x148: {  	v5 =	vld [tilespmem:s16+$0x1100]  }
0x149: {  	v6 =	vld [tilespmem:s16+$0x1110]  }
0x14a: {  	v7 =	vld [tilespmem:s16+$0x1120]  }
0x14b: {  	v8 =	vld [tilespmem:s16+$0x1130]  }
0x14c: {  	v9 =	vld [tilespmem:s16+$0x1140]  }
0x14d: {  	[tilespmem:s16+$0x9100] =	vst v5;
	v5 =	vld [tilespmem:s16+$0x1150]  }
0x14e: {  	v44 =	vld [tilespmem:s16+$0x1500];
	[tilespmem:s16+$0x9110] =	vst v6  }
0x14f: {  	v45 =	vld [tilespmem:s16+$0x1510];
	[tilespmem:s16+$0x9120] =	vst v7  }
0x150: {  	v6 =	vld [tilespmem:s16+$0x1160];
	[tilespmem:s16+$0x9130] =	vst v8  }
0x151: {  	v7 =	vld [tilespmem:s16+$0x1170];
	[tilespmem:s16+$0x9140] =	vst v9  }
0x152: {  	[tilespmem:s16+$0x9150] =	vst v5;
	v5 =	vld [tilespmem:s16+$0x1520]  }
0x153: {  	v46 =	vld [tilespmem:s16+$0x1550];
	[tilespmem:s16+$0x9500] =	vst v44  }
0x154: {  	v47 =	vld [tilespmem:s16+$0x1560];
	[tilespmem:s16+$0x9510] =	vst v45  }
0x155: {  	[tilespmem:s16+$0x9160] =	vst v6;
	v6 =	vld [tilespmem:s16+$0x1530]  }
0x156: {  	[tilespmem:s16+$0x9170] =	vst v7;
	v7 =	vld [tilespmem:s16+$0x1540]  }
0x157: {  	[tilespmem:s16+$0x9520] =	vst v5;
	v5 =	vld [tilespmem:s16+$0x1570]  }
0x158: {  	v48 =	vld [tilespmem:s16+$0x1920];
	[tilespmem:s16+$0x9550] =	vst v46  }
0x159: {  	v49 =	vld [tilespmem:s16+$0x1930];
	[tilespmem:s16+$0x9560] =	vst v47  }
0x15a: {  	[tilespmem:s16+$0x9530] =	vst v6;
	v6 =	vld [tilespmem:s16+$0x1900]  }
0x15b: {  	[tilespmem:s16+$0x9540] =	vst v7;
	v7 =	vld [tilespmem:s16+$0x1910]  }
0x15c: {  	[tilespmem:s16+$0x9570] =	vst v5;
	v5 =	vld [tilespmem:s16+$0x1940]  }
0x15d: {  	v50 =	vld [tilespmem:s16+$0x1970];
	[tilespmem:s16+$0x9920] =	vst v48  }
0x15e: {  	v51 =	vld [tilespmem:s16+$0x1D00];
	[tilespmem:s16+$0x9930] =	vst v49  }
0x15f: {  	[tilespmem:s16+$0x9900] =	vst v6;
	v6 =	vld [tilespmem:s16+$0x1950]  }
0x160: {  	[tilespmem:s16+$0x9910] =	vst v7;
	v7 =	vld [tilespmem:s16+$0x1960]  }
0x161: {  	[tilespmem:s16+$0x9940] =	vst v5;
	v5 =	vld [tilespmem:s16+$0x1D10]  }
0x162: {  	v52 =	vld [tilespmem:s16+$0x1D40];
	[tilespmem:s16+$0x9970] =	vst v50  }
0x163: {  	v53 =	vld [tilespmem:s16+$0x1D50];
	[tilespmem:s16+$0x9D00] =	vst v51  }
0x164: {  	[tilespmem:s16+$0x9950] =	vst v6;
	v6 =	vld [tilespmem:s16+$0x1D20]  }
0x165: {  	[tilespmem:s16+$0x9960] =	vst v7;
	v7 =	vld [tilespmem:s16+$0x1D30]  }
0x166: {  	[tilespmem:s16+$0x9D10] =	vst v5;
	v5 =	vld [tilespmem:s16+$0x1D60]  }
0x167: {  	v54 =	vld [tilespmem:s16+$0x2110];
	[tilespmem:s16+$0x9D40] =	vst v52  }
0x168: {  	v55 =	vld [tilespmem:s16+$0x2120];
	[tilespmem:s16+$0x9D50] =	vst v53  }
0x169: {  	[tilespmem:s16+$0x9D20] =	vst v6;
	v6 =	vld [tilespmem:s16+$0x1D70]  }
0x16a: {  	[tilespmem:s16+$0x9D30] =	vst v7;
	v7 =	vld [tilespmem:s16+$0x2100]  }
0x16b: {  	[tilespmem:s16+$0x9D60] =	vst v5;
	v5 =	vld [tilespmem:s16+$0x2130]  }
0x16c: {  	v56 =	vld [tilespmem:s16+$0x2160];
	[tilespmem:s16+$0xA110] =	vst v54  }
0x16d: {  	v57 =	vld [tilespmem:s16+$0x2170];
	[tilespmem:s16+$0xA120] =	vst v55  }
0x16e: {  	[tilespmem:s16+$0x9D70] =	vst v6;
	v6 =	vld [tilespmem:s16+$0x2140]  }
0x16f: {  	[tilespmem:s16+$0xA100] =	vst v7;
	v7 =	vld [tilespmem:s16+$0x2150]  }
0x170: {  	[tilespmem:s16+$0xA130] =	vst v5;
	v5 =	vld [tilespmem:s16+$0x2500]  }
0x171: {  	v58 =	vld [tilespmem:s16+$0x2530];
	[tilespmem:s16+$0xA160] =	vst v56  }
0x172: {  	v59 =	vld [tilespmem:s16+$0x2540];
	[tilespmem:s16+$0xA170] =	vst v57  }
0x173: {  	[tilespmem:s16+$0xA140] =	vst v6;
	v6 =	vld [tilespmem:s16+$0x2510]  }
0x174: {  	[tilespmem:s16+$0xA150] =	vst v7;
	v7 =	vld [tilespmem:s16+$0x2520]  }
0x175: {  	[tilespmem:s16+$0xA500] =	vst v5;
	v5 =	vld [tilespmem:s16+$0x2550]  }
0x176: {  	v60 =	vld [tilespmem:s16+$0x2900];
	[tilespmem:s16+$0xA530] =	vst v58  }
0x177: {  	v61 =	vld [tilespmem:s16+$0x2910];
	[tilespmem:s16+$0xA540] =	vst v59  }
0x178: {  	[tilespmem:s16+$0xA510] =	vst v6;
	v6 =	vld [tilespmem:s16+$0x2560]  }
0x179: {  	[tilespmem:s16+$0xA520] =	vst v7;
	v7 =	vld [tilespmem:s16+$0x2570]  }
0x17a: {  	[tilespmem:s16+$0xA550] =	vst v5;
	v5 =	vld [tilespmem:s16+$0x2920]  }
0x17b: {  	v62 =	vld [tilespmem:s16+$0x2950];
	[tilespmem:s16+$0xA900] =	vst v60  }
0x17c: {  	v63 =	vld [tilespmem:s16+$0x2960];
	[tilespmem:s16+$0xA910] =	vst v61  }
0x17d: {  	[tilespmem:s16+$0xA560] =	vst v6;
	v6 =	vld [tilespmem:s16+$0x2930]  }
0x17e: {  	[tilespmem:s16+$0xA570] =	vst v7;
	v7 =	vld [tilespmem:s16+$0x2940]  }
0x17f: {  	[tilespmem:s16+$0xA920] =	vst v5;
	v5 =	vld [tilespmem:s16+$0x2970]  }
0x180: {  	[tilespmem:s16+$0xA950] =	vst v62  }
0x181: {  	s26 =	sand.u32 $0x7, s24;
	[tilespmem:s16+$0xA960] =	vst v63  }
0x182: {  	s22 =	sshll.u32 s26, $0x7;
	[tilespmem:s16+$0xA930] =	vst v6  }
0x183: {  	s22 =	sadd.s32 s22, s25;
	[tilespmem:s16+$0xA940] =	vst v7  }
0x184: {  	s29 =	sor.u32 $0x1C00, s22;
	[tilespmem:s16+$0xA970] =	vst v5  }
0x185: {  	v5 =	vld [tilespmem:s29+$0x1100];
	_ =	sdelay $0x4  }
0x186: {  	s26 =	sor.u32 $0x1C10, s22;
	[tilespmem:s29+$0x9100] =	vst v5  }
0x187: {  	v5 =	vld [tilespmem:s26+$0x1100];
	_ =	sdelay $0x4  }
0x188: {  	s29 =	sor.u32 $0x1C20, s22;
	[tilespmem:s26+$0x9100] =	vst v5  }
0x189: {  	v5 =	vld [tilespmem:s29+$0x1100];
	_ =	sdelay $0x4  }
0x18a: {  	s26 =	sor.u32 $0x1C30, s22;
	[tilespmem:s29+$0x9100] =	vst v5  }
0x18b: {  	v5 =	vld [tilespmem:s26+$0x1100];
	_ =	sdelay $0x4  }
0x18c: {  	s29 =	sor.u32 $0x1C40, s22;
	[tilespmem:s26+$0x9100] =	vst v5  }
0x18d: {  	v5 =	vld [tilespmem:s29+$0x1100];
	_ =	sdelay $0x4  }
0x18e: {  	s26 =	sor.u32 $0x1C50, s22;
	[tilespmem:s29+$0x9100] =	vst v5  }
0x18f: {  	v5 =	vld [tilespmem:s26+$0x1100];
	_ =	sdelay $0x4  }
0x190: {  	s29 =	sor.u32 $0x1C58, s22;
	[tilespmem:s26+$0x9100] =	vst v5  }
0x191: {  	p0 =	sne.s32 s12, $0x780;
	v5 =	vld [tilespmem:s29+$0x1100]  }
.Ltmp4:
0x192: {  	_ = 	snop;
	(pc) =	sbr.rel @p0 .LBB2_7-.Ltmp4, $3  }
0x193: {  	_ =	sdelay $0x1  }
0x194: {  	s24 =	sadd.s32 $0x1, s24  }
0x195: {  	s23 =	sadd.s32 $0x400, s23;
	s12 =	sadd.s32 $0x80, s12;
	s25 =	sadd.s32 $0x400, s25;
	[tilespmem:s29+$0x9100] =	vst v5  }
0x196: {  	s23 =	sshll.u32 s15, $0x5  }
0x197: {  	v5 =	vld [tilespmem:s23+$0x6A0];
	_ =	sdelay $0x3  }
0x198: {  	v7 =	vld [tilespmem:s23+$0x20]  }
0x199: {  	v6 =	vshll.u32 v5, $0x3  }
0x19a: {  	v5 =	vand.u32 $0x7F, v5;
	v6 =	vand.u32 $0xFFFFFC00, v6  }
0x19b: {  	v5 =	vor.u32 v5, v6  }
0x19c: {  	v5 =	vadd.s32 v3, v5  }
0x19d: {  	s12 =	sadd.s32 $0x20, s23  }
0x19e: {  	s12 =	sadd.s32 s4, s12  }
0x19f: {  	s12 =	sshll.u32 s12, $0x7  }
0x1a0: {  	s24 =	sshll.u32 s15, $0x7;
	p0 =	seq.s32 s15, $0x30;
	s12 =	sadd.s32 s6, s12;
	v6 =	vld.idx.msk [tilespmem:v7+s18+$0x0], $0xffff  }
0x1a1: {  	v5 =	vld.idx.msk [tilespmem:v5+s19+$0x0], $0xffff;
	[hbm4b:s12+s3] =	stream.linear.scatter [tilespmem:s8], [sflag:$0x3], $0x4000, $0x38  }
0x1a2: {  	s12 =	sshrl.u32 @!p0 s24, $0x2  }
0x1a3: {  	v7 =	vld @!p0 [tilespmem:s12+$0x40];
	_ =	sdelay $0x4  }
0x1a4: {  	v8 =	vshll.u32 @!p0 v7, $0x3  }
0x1a5: {  	v9 =	vlaneseq.u32 @!p0;
	v7 =	vand.u32 @!p0 $0x7, v7;
	v8 =	vand.u32 @!p0 $0xFFFFFFC0, v8  }
0x1a6: {  	v10 =	vshrl.u32 @!p0 v9, $0x3;
	v7 =	vor.u32 @!p0 v7, v8;
	v8 =	vand.u32 @!p0 $0x7, v9  }
0x1a7: {  	v10 =	vmul.u32 @!p0 $0x8, v10;
	v8 =	vperm.xlane @!p0 v7, v8;
	_ =	sdelay $0x1  }
0x1a8: {  	v8 =	vadd.s32 @!p0 v10, v8;
	_ =	sdelay $0x3  }
0x1a9: {  	vm1 =	vmmov @!p0 $0xffff;
	s16 =	simm.s32 @!p0 $0x1100;
	s12 =	simm.s32 @!p0 $0x0  }
0x1aa: {  	v9 =	vor.u32 @!p0 $0x8, v9;
	[tilespmem:s16], [sflag:$0x1] =	stream.indirect_vreg.gather @!p0 [hbm4b:s2+s12], $0x80, v8, vm1, $0xb8;
	[tilespmem:$0x11180] =	vst v63  }
0x1ab: {  	v7 =	vperm.xlane @!p0 v7, v9;
	s16 =	simm.s32 @!p0 $0x1900  }
0x1ac: {  	[tilespmem:s16], [sflag:$0x1] =	stream.indirect_vreg.gather @!p0 [hbm4b:s9+s12], $0x80, v8, vm1, $0xb8;
	[tilespmem:$0x11180] =	vst v63  }
0x1ad: {  	v7 =	vadd.s32 @!p0 v10, v7;
	s16 =	simm.s32 @!p0 $0x2100  }
0x1ae: {  	[tilespmem:s16], [sflag:$0x1] =	stream.indirect_vreg.gather @!p0 [hbm4b:s10+s12], $0x80, v8, vm1, $0xb8;
	[tilespmem:$0x11180] =	vst v63  }
0x1af: {  	s16 =	simm.s32 @!p0 $0x2900  }
0x1b0: {  	[tilespmem:s16], [sflag:$0x1] =	stream.indirect_vreg.gather @!p0 [hbm4b:s11+s12], $0x80, v8, vm1, $0xb8;
	[tilespmem:$0x11180] =	vst v63  }
0x1b1: {  	s16 =	simm.s32 @!p0 $0x3100  }
0x1b2: {  	[tilespmem:s16], [sflag:$0x1] =	stream.indirect_vreg.gather @!p0 [hbm4b:s2+s12], $0x80, v7, vm1, $0xb8;
	[tilespmem:$0x11180] =	vst v63  }
0x1b3: {  	s16 =	simm.s32 @!p0 $0x3900  }
0x1b4: {  	[tilespmem:s16], [sflag:$0x1] =	stream.indirect_vreg.gather @!p0 [hbm4b:s9+s12], $0x80, v7, vm1, $0xb8;
	[tilespmem:$0x11180] =	vst v63  }
0x1b5: {  	s16 =	simm.s32 @!p0 $0x4100  }
0x1b6: {  	[tilespmem:s16], [sflag:$0x1] =	stream.indirect_vreg.gather @!p0 [hbm4b:s10+s12], $0x80, v7, vm1, $0xb8;
	[tilespmem:$0x11180] =	vst v63  }
0x1b7: {  	s16 =	simm.s32 @!p0 $0x4900  }
0x1b8: {  	[tilespmem:s16], [sflag:$0x1] =	stream.indirect_vreg.gather @!p0 [hbm4b:s11+s12], $0x80, v7, vm1, $0xb8;
	[tilespmem:$0x11180] =	vst v63  }
0x1b9: {  	_ =	swait.ge [sflag:s20], $0x4000  }
0x1ba: {  	[sflag:s20] =	ssyncset.done $0x0  }
0x1bb: {  	[sflag:s20] =	ssyncadd.s32 $0xFFFFC000  }
0x1bc: {  	v5 =	vsub.f32 v6, v5;
	_ =	swait.ge [sflag:s14], $0x4000  }
0x1bd: {  	s25 =	simm.s32 $0x0;
	s26 =	simm.s32 $0xFFFFC000;
	[sflag:s14] =	ssyncset.done $0x0  }
0x1be: {  	v4 =	vadd.f32 v5, v4;
	s12 =	simm.s32 $0x0;
	s16 =	simm.s32 $0x0;
	[sflag:s14] =	ssyncadd.s32 $0xFFFFC000  }
.LBB2_9:
0x1bf: {  	s22 =	sadd.s32 $0x4000, s26  }
0x1c0: {  	s29 =	sand.u32 $0x380, s16;
	s22 =	sand.u32 $0x2000, s22  }
0x1c1: {  	s22 =	sor.u32 s29, s22  }
0x1c2: {  	v5 =	vld [tilespmem:s22+$0x5100]  }
0x1c3: {  	v6 =	vld [tilespmem:s22+$0x5110]  }
0x1c4: {  	v7 =	vld [tilespmem:s22+$0x5120]  }
0x1c5: {  	v8 =	vld [tilespmem:s22+$0x5130]  }
0x1c6: {  	v9 =	vld [tilespmem:s22+$0x5140]  }
0x1c7: {  	[tilespmem:s22+$0xD100] =	vst v5;
	v5 =	vld [tilespmem:s22+$0x5150]  }
0x1c8: {  	v44 =	vld [tilespmem:s22+$0x5500];
	[tilespmem:s22+$0xD110] =	vst v6  }
0x1c9: {  	v45 =	vld [tilespmem:s22+$0x5510];
	[tilespmem:s22+$0xD120] =	vst v7  }
0x1ca: {  	v6 =	vld [tilespmem:s22+$0x5160];
	[tilespmem:s22+$0xD130] =	vst v8  }
0x1cb: {  	v7 =	vld [tilespmem:s22+$0x5170];
	[tilespmem:s22+$0xD140] =	vst v9  }
0x1cc: {  	[tilespmem:s22+$0xD150] =	vst v5;
	v5 =	vld [tilespmem:s22+$0x5520]  }
0x1cd: {  	v46 =	vld [tilespmem:s22+$0x5550];
	[tilespmem:s22+$0xD500] =	vst v44  }
0x1ce: {  	v47 =	vld [tilespmem:s22+$0x5560];
	[tilespmem:s22+$0xD510] =	vst v45  }
0x1cf: {  	[tilespmem:s22+$0xD160] =	vst v6;
	v6 =	vld [tilespmem:s22+$0x5530]  }
0x1d0: {  	[tilespmem:s22+$0xD170] =	vst v7;
	v7 =	vld [tilespmem:s22+$0x5540]  }
0x1d1: {  	[tilespmem:s22+$0xD520] =	vst v5;
	v5 =	vld [tilespmem:s22+$0x5570]  }
0x1d2: {  	v48 =	vld [tilespmem:s22+$0x5920];
	[tilespmem:s22+$0xD550] =	vst v46  }
0x1d3: {  	v49 =	vld [tilespmem:s22+$0x5930];
	[tilespmem:s22+$0xD560] =	vst v47  }
0x1d4: {  	[tilespmem:s22+$0xD530] =	vst v6;
	v6 =	vld [tilespmem:s22+$0x5900]  }
0x1d5: {  	[tilespmem:s22+$0xD540] =	vst v7;
	v7 =	vld [tilespmem:s22+$0x5910]  }
0x1d6: {  	[tilespmem:s22+$0xD570] =	vst v5;
	v5 =	vld [tilespmem:s22+$0x5940]  }
0x1d7: {  	v50 =	vld [tilespmem:s22+$0x5970];
	[tilespmem:s22+$0xD920] =	vst v48  }
0x1d8: {  	v51 =	vld [tilespmem:s22+$0x5D00];
	[tilespmem:s22+$0xD930] =	vst v49  }
0x1d9: {  	[tilespmem:s22+$0xD900] =	vst v6;
	v6 =	vld [tilespmem:s22+$0x5950]  }
0x1da: {  	[tilespmem:s22+$0xD910] =	vst v7;
	v7 =	vld [tilespmem:s22+$0x5960]  }
0x1db: {  	[tilespmem:s22+$0xD940] =	vst v5;
	v5 =	vld [tilespmem:s22+$0x5D10]  }
0x1dc: {  	v52 =	vld [tilespmem:s22+$0x5D40];
	[tilespmem:s22+$0xD970] =	vst v50  }
0x1dd: {  	v53 =	vld [tilespmem:s22+$0x5D50];
	[tilespmem:s22+$0xDD00] =	vst v51  }
0x1de: {  	[tilespmem:s22+$0xD950] =	vst v6;
	v6 =	vld [tilespmem:s22+$0x5D20]  }
0x1df: {  	[tilespmem:s22+$0xD960] =	vst v7;
	v7 =	vld [tilespmem:s22+$0x5D30]  }
0x1e0: {  	[tilespmem:s22+$0xDD10] =	vst v5;
	v5 =	vld [tilespmem:s22+$0x5D60]  }
0x1e1: {  	v54 =	vld [tilespmem:s22+$0x6110];
	[tilespmem:s22+$0xDD40] =	vst v52  }
0x1e2: {  	v55 =	vld [tilespmem:s22+$0x6120];
	[tilespmem:s22+$0xDD50] =	vst v53  }
0x1e3: {  	[tilespmem:s22+$0xDD20] =	vst v6;
	v6 =	vld [tilespmem:s22+$0x5D70]  }
0x1e4: {  	[tilespmem:s22+$0xDD30] =	vst v7;
	v7 =	vld [tilespmem:s22+$0x6100]  }
0x1e5: {  	[tilespmem:s22+$0xDD60] =	vst v5;
	v5 =	vld [tilespmem:s22+$0x6130]  }
0x1e6: {  	v56 =	vld [tilespmem:s22+$0x6160];
	[tilespmem:s22+$0xE110] =	vst v54  }
0x1e7: {  	v57 =	vld [tilespmem:s22+$0x6170];
	[tilespmem:s22+$0xE120] =	vst v55  }
0x1e8: {  	[tilespmem:s22+$0xDD70] =	vst v6;
	v6 =	vld [tilespmem:s22+$0x6140]  }
0x1e9: {  	[tilespmem:s22+$0xE100] =	vst v7;
	v7 =	vld [tilespmem:s22+$0x6150]  }
0x1ea: {  	[tilespmem:s22+$0xE130] =	vst v5;
	v5 =	vld [tilespmem:s22+$0x6500]  }
0x1eb: {  	v58 =	vld [tilespmem:s22+$0x6530];
	[tilespmem:s22+$0xE160] =	vst v56  }
0x1ec: {  	v59 =	vld [tilespmem:s22+$0x6540];
	[tilespmem:s22+$0xE170] =	vst v57  }
0x1ed: {  	[tilespmem:s22+$0xE140] =	vst v6;
	v6 =	vld [tilespmem:s22+$0x6510]  }
0x1ee: {  	[tilespmem:s22+$0xE150] =	vst v7;
	v7 =	vld [tilespmem:s22+$0x6520]  }
0x1ef: {  	[tilespmem:s22+$0xE500] =	vst v5;
	v5 =	vld [tilespmem:s22+$0x6550]  }
0x1f0: {  	v60 =	vld [tilespmem:s22+$0x6900];
	[tilespmem:s22+$0xE530] =	vst v58  }
0x1f1: {  	v61 =	vld [tilespmem:s22+$0x6910];
	[tilespmem:s22+$0xE540] =	vst v59  }
0x1f2: {  	[tilespmem:s22+$0xE510] =	vst v6;
	v6 =	vld [tilespmem:s22+$0x6560]  }
0x1f3: {  	[tilespmem:s22+$0xE520] =	vst v7;
	v7 =	vld [tilespmem:s22+$0x6570]  }
0x1f4: {  	[tilespmem:s22+$0xE550] =	vst v5;
	v5 =	vld [tilespmem:s22+$0x6920]  }
0x1f5: {  	v62 =	vld [tilespmem:s22+$0x6950];
	[tilespmem:s22+$0xE900] =	vst v60  }
0x1f6: {  	v63 =	vld [tilespmem:s22+$0x6960];
	[tilespmem:s22+$0xE910] =	vst v61  }
0x1f7: {  	[tilespmem:s22+$0xE560] =	vst v6;
	v6 =	vld [tilespmem:s22+$0x6930]  }
0x1f8: {  	[tilespmem:s22+$0xE570] =	vst v7;
	v7 =	vld [tilespmem:s22+$0x6940]  }
0x1f9: {  	[tilespmem:s22+$0xE920] =	vst v5;
	v5 =	vld [tilespmem:s22+$0x6970]  }
0x1fa: {  	[tilespmem:s22+$0xE950] =	vst v62  }
0x1fb: {  	s29 =	sand.u32 $0x7, s25;
	[tilespmem:s22+$0xE960] =	vst v63  }
0x1fc: {  	s29 =	sshll.u32 s29, $0x7;
	[tilespmem:s22+$0xE930] =	vst v6  }
0x1fd: {  	s29 =	sadd.s32 s29, s12;
	[tilespmem:s22+$0xE940] =	vst v7  }
0x1fe: {  	[tilespmem:s22+$0xE970] =	vst v5;
	s22 =	sor.u32 $0x1C00, s29  }
0x1ff: {  	v5 =	vld [tilespmem:s22+$0x5100];
	_ =	sdelay $0x4  }
0x200: {  	[tilespmem:s22+$0xD100] =	vst v5;
	s22 =	sor.u32 $0x1C10, s29  }
0x201: {  	v5 =	vld [tilespmem:s22+$0x5100];
	_ =	sdelay $0x4  }
0x202: {  	[tilespmem:s22+$0xD100] =	vst v5;
	s22 =	sor.u32 $0x1C20, s29  }
0x203: {  	v5 =	vld [tilespmem:s22+$0x5100];
	_ =	sdelay $0x4  }
0x204: {  	[tilespmem:s22+$0xD100] =	vst v5;
	s22 =	sor.u32 $0x1C30, s29  }
0x205: {  	v5 =	vld [tilespmem:s22+$0x5100];
	_ =	sdelay $0x4  }
0x206: {  	[tilespmem:s22+$0xD100] =	vst v5;
	s22 =	sor.u32 $0x1C40, s29  }
0x207: {  	v5 =	vld [tilespmem:s22+$0x5100];
	_ =	sdelay $0x4  }
0x208: {  	[tilespmem:s22+$0xD100] =	vst v5;
	s22 =	sor.u32 $0x1C50, s29  }
0x209: {  	v5 =	vld [tilespmem:s22+$0x5100];
	_ =	sdelay $0x4  }
0x20a: {  	s29 =	sor.u32 $0x1C58, s29;
	[tilespmem:s22+$0xD100] =	vst v5  }
0x20b: {  	p1 =	sne.s32 s16, $0x780;
	v5 =	vld [tilespmem:s29+$0x5100]  }
.Ltmp5:
0x20c: {  	_ = 	snop;
	(pc) =	sbr.rel @p1 .LBB2_9-.Ltmp5, $3  }
0x20d: {  	_ =	sdelay $0x1  }
0x20e: {  	s26 =	sadd.s32 $0x400, s26  }
0x20f: {  	s16 =	sadd.s32 $0x80, s16;
	s25 =	sadd.s32 $0x1, s25;
	s12 =	sadd.s32 $0x400, s12;
	[tilespmem:s29+$0xD100] =	vst v5  }
0x210: {  	v5 =	vld [tilespmem:s23+$0x6B0];
	_ =	sdelay $0x3  }
0x211: {  	v7 =	vld [tilespmem:s23+$0x30]  }
0x212: {  	v6 =	vshll.u32 v5, $0x3  }
0x213: {  	v5 =	vand.u32 $0x7F, v5;
	v6 =	vand.u32 $0xFFFFFC00, v6  }
0x214: {  	v5 =	vor.u32 v5, v6  }
0x215: {  	v5 =	vadd.s32 v3, v5;
	_ =	sdelay $0x3  }
0x216: {  	v6 =	vld.idx.msk [tilespmem:v7+s18+$0x0], $0xffff  }
0x217: {  	v5 =	vld.idx.msk [tilespmem:v5+s28+$0x0], $0xffff;
	_ =	sdelay $0x3  }
.Ltmp6:
0x218: {  	s12 =	sadd.s32 $0x30, s23;
	(pc) =	sbr.rel @p0 .LBB2_12-.Ltmp6, $4  }
0x219: {  	s12 =	sadd.s32 s4, s12;
	v5 =	vsub.f32 v6, v5  }
0x21a: {  	s12 =	sshll.u32 s12, $0x7  }
0x21b: {  	s12 =	sadd.s32 s6, s12;
	v4 =	vadd.f32 v5, v4  }
0x21c: {  	[hbm4b:s12+s3] =	stream.linear.scatter [tilespmem:s21], [sflag:$0x4], $0x4000, $0x38;
	[tilespmem:$0x11180] =	vst v63  }
0x21d: {  	s12 =	sshrl.u32 s24, $0x2  }
0x21e: {  	v5 =	vld [tilespmem:s12+$0x50];
	_ =	sdelay $0x4  }
0x21f: {  	v6 =	vshll.u32 v5, $0x3  }
0x220: {  	v5 =	vand.u32 $0x7, v5;
	v6 =	vand.u32 $0xFFFFFFC0, v6  }
0x221: {  	v5 =	vor.u32 v5, v6  }
0x222: {  	v6 =	vperm.xlane v5, v0;
	_ =	sdelay $0x1  }
0x223: {  	v6 =	vadd.s32 v1, v6;
	_ =	sdelay $0x4  }
0x224: {  	[tilespmem:s28], [sflag:$0x2] =	stream.indirect_vreg.gather [hbm4b:s2+s3], $0x80, v6, vm0, $0xb8;
	[tilespmem:$0x11180] =	vst v63  }
0x225: {  	s29 =	simm.s32 $0x5900;
	v5 =	vperm.xlane v5, v2  }
0x226: {  	[tilespmem:s29], [sflag:$0x2] =	stream.indirect_vreg.gather [hbm4b:s9+s3], $0x80, v6, vm0, $0xb8;
	[tilespmem:$0x11180] =	vst v63  }
0x227: {  	v5 =	vadd.s32 v1, v5  }
0x228: {  	[tilespmem:s30], [sflag:$0x2] =	stream.indirect_vreg.gather [hbm4b:s10+s3], $0x80, v6, vm0, $0xb8;
	[tilespmem:$0x11180] =	vst v63  }
0x229: {  	_ = 	snop  }
0x22a: {  	[tilespmem:s31], [sflag:$0x2] =	stream.indirect_vreg.gather [hbm4b:s11+s3], $0x80, v6, vm0, $0xb8;
	[tilespmem:$0x11180] =	vst v63  }
0x22b: {  	_ = 	snop  }
0x22c: {  	[tilespmem:s1], [sflag:$0x2] =	stream.indirect_vreg.gather [hbm4b:s2+s3], $0x80, v5, vm0, $0xb8;
	[tilespmem:$0x11180] =	vst v63  }
0x22d: {  	_ = 	snop  }
0x22e: {  	[tilespmem:s0], [sflag:$0x2] =	stream.indirect_vreg.gather [hbm4b:s9+s3], $0x80, v5, vm0, $0xb8;
	[tilespmem:$0x11180] =	vst v63  }
.Ltmp7:
0x22f: {  	_ = 	snop;
	(pc) =	sbr.rel .LBB2_6-.Ltmp7, $4  }
0x230: {  	_ = 	snop  }
0x231: {  	[tilespmem:s17], [sflag:$0x2] =	stream.indirect_vreg.gather [hbm4b:s10+s3], $0x80, v5, vm0, $0xb8;
	[tilespmem:$0x11180] =	vst v63  }
0x232: {  	s15 =	sadd.s32 $0x1, s15  }
0x233: {  	[tilespmem:s5], [sflag:$0x2] =	stream.indirect_vreg.gather [hbm4b:s11+s3], $0x80, v5, vm0, $0xb8;
	[tilespmem:$0x11180] =	vst v63  }
.LBB2_13:
0x234: {  	_ =	sfence.sel $0x180000  }
0x235: {  	[bflag:$0x0] =	sbarrier.arrive $0xFFFF  }
0x236: {  	_ =	strace $0x90000047  }
0x237: {  	s0 =	stileid.u32;
	[bflag:$0x2] =	sbarrier.arrive $0xFFFF  }
0x238: {  	p0 =	sne.s32 s0, $0x0;
	s0 =	rddreg [dreg:$0x2]  }
0x239: {  	s0 =	sadd.s32 @!p0 $0x100000, s0  }
0x23a: {  	[sflag:s0] =	ssyncadd.tile.s32 @!p0 $0x1;
	_ =	shalt  }
.Lfunc_end2:
_tile_overlayer_lowered:
.L_overlay_start_2:
0x23b: {  	(tag) =	ssettag $0x2  }
0x23c: {  	s0 =	rddreg [dreg:$0x0];
	s2 =	stileid.u32  }
0x23d: {  	s1 =	rddreg [dreg:$0x1];
	p0 =	sne.s32 s2, $0x0  }
0x23e: {  	s3 =	rddreg [dreg:$0x2];
	[bflag:$0x3] =	sbarrier.arrive $0xFFFF;
	s2 =	simm.s32 @!p0 $0x1C05  }
0x23f: {  	[timem:s3], [sflag:s2] =	dma.local @!p0 [hbm:s0], s1  }
0x240: {  	s0 =	simm.s32 @!p0 $0x5  }
0x241: {  	_ =	swait.ge @!p0 [sflag:s0], s1  }
0x242: {  	s1 =	ssub.s32 @!p0 $0x0, s1;
	[sflag:s0] =	ssyncset.done @!p0 $0x0  }
0x243: {  	[sflag:s0] =	ssyncadd.s32 @!p0 s1  }
0x244: {  	[bflag:$0x3] =	sbarrier.arrive $0xFFFF  }
0x245: {  	_ =	shalt  }

</sc_bundles>
